<compile_context>
chip_gen: v7x
topology: tpu7x:2x2x1
jax: 0.10.2.dev20260603
libtpu: 0.0.44.dev20260713+nightly
codegen_flags: <defaults>
</compile_context>

<pallas_src>
import jax
import jax.numpy as jnp
from jax import lax
from jax.experimental import pallas as pl
from jax.experimental.pallas import tpu as pltpu
from jax.experimental.pallas import tpu_sc as plsc

BATCH = 4096
SEQ = 200
EMBED_DIM = 64
B = BATCH * SEQ

_info = plsc.get_sparse_core_info()
NC = _info.num_cores
NS = _info.num_subcores
NW = NC * NS
B_PER_W = B // NW
CHUNK = 128
N_CHUNKS = B_PER_W // CHUNK
LANES = 16
NBUF = 5
GLEAD = 4


def _body(idx_a_hbm, idx_b_hbm, tab_a_hbm, tab_b_hbm, out_hbm,
          idx_a, idx_b, rows_a, rows_b, *sems):
    sia = sems[0:NBUF]
    sib = sems[NBUF:2 * NBUF]
    sga = sems[2 * NBUF:3 * NBUF]
    sgb = sems[3 * NBUF:4 * NBUF]
    sst = sems[4 * NBUF:5 * NBUF]

    wid = lax.axis_index("s") * NC + lax.axis_index("c")
    w_base = wid * B_PER_W
    c_base = wid * N_CHUNKS

    def issue_idx(c, s):
        pltpu.async_copy(idx_a_hbm.at[c_base + c], idx_a.at[s], sia[s])
        pltpu.async_copy(idx_b_hbm.at[c_base + c], idx_b.at[s], sib[s])

    def wait_idx(c, s):
        pltpu.make_async_copy(idx_a_hbm.at[c_base + c], idx_a.at[s], sia[s]).wait()
        pltpu.make_async_copy(idx_b_hbm.at[c_base + c], idx_b.at[s], sib[s]).wait()

    def issue_gather(c, s):
        pltpu.async_copy(tab_a_hbm.at[idx_a.at[s]], rows_a.at[s], sga[s])
        pltpu.async_copy(tab_b_hbm.at[idx_b.at[s]], rows_b.at[s], sgb[s])

    def wait_gather(s):
        pltpu.make_async_copy(tab_a_hbm.at[idx_a.at[s]], rows_a.at[s], sga[s]).wait()
        pltpu.make_async_copy(tab_b_hbm.at[idx_b.at[s]], rows_b.at[s], sgb[s]).wait()

    for c in range(NBUF):
        issue_idx(c, c)
    for c in range(GLEAD):
        wait_idx(c, c)
        issue_gather(c, c)

    def step(g):
        for b in range(NBUF):
            c = g + b
            wait_gather(b)

            @pl.when(c + NBUF < N_CHUNKS)
            def _():
                issue_idx(c + NBUF, b)

            def add_row(r):
                for j in range(EMBED_DIM // LANES):
                    sl = pl.ds(j * LANES, LANES)
                    rows_a[b, r, sl] = rows_a[b, r, sl] + rows_b[b, r, sl]

            plsc.parallel_loop(0, CHUNK, 1, unroll=4)(add_row)

            @pl.when(c + GLEAD < N_CHUNKS)
            def _():
                s = (b + GLEAD) % NBUF
                @pl.when(c + GLEAD >= NBUF)
                def _():
                    pltpu.make_async_copy(
                        rows_a.at[s],
                        out_hbm.at[pl.ds(
                            w_base + (c + GLEAD - NBUF) * CHUNK, CHUNK)],
                        sst[s]).wait()
                wait_idx(c + GLEAD, s)
                issue_gather(c + GLEAD, s)

            pltpu.async_copy(
                rows_a.at[b],
                out_hbm.at[pl.ds(w_base + c * CHUNK, CHUNK)],
                sst[b])

    pl.loop(0, N_CHUNKS, step=NBUF)(step)

    for b in range(NBUF):
        c = N_CHUNKS - NBUF + b
        pltpu.make_async_copy(
            rows_a.at[b],
            out_hbm.at[pl.ds(w_base + c * CHUNK, CHUNK)],
            sst[b]).wait()


@jax.jit
def _run(idx_a, idx_b, tab_a, tab_b):
    mesh = plsc.VectorSubcoreMesh(core_axis_name="c", subcore_axis_name="s")
    kern = pl.kernel(
        _body,
        out_type=jax.ShapeDtypeStruct((B, EMBED_DIM), jnp.float32),
        mesh=mesh,
        scratch_types=[
            pltpu.VMEM((NBUF, CHUNK), jnp.int32),
            pltpu.VMEM((NBUF, CHUNK), jnp.int32),
            pltpu.VMEM((NBUF, CHUNK, EMBED_DIM), jnp.float32),
            pltpu.VMEM((NBUF, CHUNK, EMBED_DIM), jnp.float32),
        ] + [pltpu.SemaphoreType.DMA] * (5 * NBUF),
        compiler_params=pltpu.CompilerParams(use_tc_tiling_on_sc=False),
    )
    return kern(idx_a, idx_b, tab_a, tab_b)


def kernel(mol_ids_list, nmr_list, atom_table, nmr_table):
    idx_a = mol_ids_list.reshape(NW * N_CHUNKS, CHUNK)
    idx_b = nmr_list.reshape(NW * N_CHUNKS, CHUNK)
    out = _run(idx_a, idx_b, atom_table, nmr_table)
    return out.reshape(BATCH, SEQ, EMBED_DIM)

# --- scband reference (transcript-rebuilt; emitter-appended) ---
"""Pipeline reference for scband-bertembedding-50379966382278 (READ-ONLY COPY).

The authoritative reference and input builder live on the scoring server;
editing this copy changes nothing except your own understanding.
"""

import jax, jax.numpy as jnp
import numpy as np

ATOM_VOCAB = 100000
NMR_VOCAB = 100000
EMBED_DIM = 64
BATCH = 4096
SEQ = 200

def setup_inputs(seed: int = 0) -> dict:
    key = jax.random.key(seed)
    k1, k2, k3, k4 = jax.random.split(key, 4)
    mol_ids_list = jax.random.randint(k1, (BATCH, SEQ), 0, ATOM_VOCAB, dtype=jnp.int64 if jax.config.jax_enable_x64 else jnp.int32)
    nmr_list = jax.random.randint(k2, (BATCH, SEQ), 0, NMR_VOCAB, dtype=jnp.int64 if jax.config.jax_enable_x64 else jnp.int32)
    atom_table = jax.random.normal(k3, (ATOM_VOCAB, EMBED_DIM), dtype=jnp.float32)
    nmr_table = jax.random.normal(k4, (NMR_VOCAB, EMBED_DIM), dtype=jnp.float32)
    # padding_idx=0 -> row 0 is zeros in both tables
    atom_table = atom_table.at[0].set(0.0)
    nmr_table = nmr_table.at[0].set(0.0)
    return {"mol_ids_list": mol_ids_list, "nmr_list": nmr_list, "atom_table": atom_table, "nmr_table": nmr_table}

def reference(mol_ids_list, nmr_list, atom_table, nmr_table):
    # AtomEmbedding lookup + NmrEmbedding lookup (padding_idx rows are zero vectors)
    atom_emb = jnp.take(atom_table, mol_ids_list, axis=0)
    nmr_emb = jnp.take(nmr_table, nmr_list, axis=0)
    x = atom_emb + nmr_emb
    # Dropout in eval mode is identity
    return x

if __name__ == "__main__":
    import jax
    _d = setup_inputs()
    print(jax.jit(kernel)(*tuple(_d.values())))

</pallas_src>

<mosaic_0001>
#map = affine_map<(d0, d1) -> (0, 0)>
module attributes {stable_mosaic.version = 14 : i64} {
  func.func @_body(%arg0: i32, %arg1: i32, %arg2: memref<6400x128xi32, #tpu.memory_space<hbm>>, %arg3: memref<6400x128xi32, #tpu.memory_space<hbm>>, %arg4: memref<100000x64xf32, #tpu.memory_space<hbm>>, %arg5: memref<100000x64xf32, #tpu.memory_space<hbm>>, %arg6: memref<819200x64xf32, #tpu.memory_space<hbm>>, %arg7: memref<5x128xi32, #tpu.memory_space<vmem>>, %arg8: memref<5x128xi32, #tpu.memory_space<vmem>>, %arg9: memref<5x128x64xf32, #tpu.memory_space<vmem>>, %arg10: memref<5x128x64xf32, #tpu.memory_space<vmem>>, %arg11: memref<!tpu.dma_semaphore, #tpu.memory_space<semaphore_mem>>, %arg12: memref<!tpu.dma_semaphore, #tpu.memory_space<semaphore_mem>>, %arg13: memref<!tpu.dma_semaphore, #tpu.memory_space<semaphore_mem>>, %arg14: memref<!tpu.dma_semaphore, #tpu.memory_space<semaphore_mem>>, %arg15: memref<!tpu.dma_semaphore, #tpu.memory_space<semaphore_mem>>, %arg16: memref<!tpu.dma_semaphore, #tpu.memory_space<semaphore_mem>>, %arg17: memref<!tpu.dma_semaphore, #tpu.memory_space<semaphore_mem>>, %arg18: memref<!tpu.dma_semaphore, #tpu.memory_space<semaphore_mem>>, %arg19: memref<!tpu.dma_semaphore, #tpu.memory_space<semaphore_mem>>, %arg20: memref<!tpu.dma_semaphore, #tpu.memory_space<semaphore_mem>>, %arg21: memref<!tpu.dma_semaphore, #tpu.memory_space<semaphore_mem>>, %arg22: memref<!tpu.dma_semaphore, #tpu.memory_space<semaphore_mem>>, %arg23: memref<!tpu.dma_semaphore, #tpu.memory_space<semaphore_mem>>, %arg24: memref<!tpu.dma_semaphore, #tpu.memory_space<semaphore_mem>>, %arg25: memref<!tpu.dma_semaphore, #tpu.memory_space<semaphore_mem>>, %arg26: memref<!tpu.dma_semaphore, #tpu.memory_space<semaphore_mem>>, %arg27: memref<!tpu.dma_semaphore, #tpu.memory_space<semaphore_mem>>, %arg28: memref<!tpu.dma_semaphore, #tpu.memory_space<semaphore_mem>>, %arg29: memref<!tpu.dma_semaphore, #tpu.memory_space<semaphore_mem>>, %arg30: memref<!tpu.dma_semaphore, #tpu.memory_space<semaphore_mem>>, %arg31: memref<!tpu.dma_semaphore, #tpu.memory_space<semaphore_mem>>, %arg32: memref<!tpu.dma_semaphore, #tpu.memory_space<semaphore_mem>>, %arg33: memref<!tpu.dma_semaphore, #tpu.memory_space<semaphore_mem>>, %arg34: memref<!tpu.dma_semaphore, #tpu.memory_space<semaphore_mem>>, %arg35: memref<!tpu.dma_semaphore, #tpu.memory_space<semaphore_mem>>) attributes {dimension_semantics = [#tpu.dimension_semantics<core_parallel>, #tpu.dimension_semantics<subcore_parallel>], iteration_bounds = array<i64: 2, 16>, scalar_prefetch = 0 : i64, scratch_operands = 29 : i64, tpu.core_type = #tpu.core_type<sc_vector_subcore>, window_params = [{transform_indices = #map}, {transform_indices = #map}, {transform_indices = #map}, {transform_indices = #map}, {transform_indices = #map}]} {
    %mul3A = arith.constant 2 : i32
    %mul3A_0 = arith.muli %arg1, %mul3A : i32
    %add3A = arith.addi %mul3A_0, %arg0 : i32
    %mul3A_1 = arith.constant 25600 : i32
    %mul3A_2 = arith.muli %add3A, %mul3A_1 : i32
    %mul3A_3 = arith.constant 200 : i32
    %mul3A_4 = arith.muli %add3A, %mul3A_3 : i32
    %add3A_5 = arith.constant 0 : i32
    %add3A_6 = arith.addi %mul3A_4, %add3A_5 : i32
    %dma_start3A = arith.constant 0 : i32
    %dma_start3A_7 = arith.constant 0 : i32
    %dma_start3A_8 = tpu.memref_slice %arg7[%dma_start3A, %dma_start3A_7] : memref<5x128xi32, #tpu.memory_space<vmem>> -> memref<1x128xi32, #tpu.memory_space<vmem>>
    %dma_start3A_9 = tpu.memref_squeeze %dma_start3A_8 : memref<1x128xi32, #tpu.memory_space<vmem>> -> memref<128xi32, #tpu.memory_space<vmem>>
    %dma_start3A_10 = arith.constant 0 : i32
    %dma_start3A_11 = tpu.memref_slice %arg2[%add3A_6, %dma_start3A_10] : memref<6400x128xi32, #tpu.memory_space<hbm>> -> memref<1x128xi32, #tpu.memory_space<hbm>>
    %dma_start3A_12 = tpu.memref_squeeze %dma_start3A_11 : memref<1x128xi32, #tpu.memory_space<hbm>> -> memref<128xi32, #tpu.memory_space<hbm>>
    %dma_start3A_13 = arith.constant 0 : i32
    %dma_start3A_14 = tpu.memref_slice %arg7[%dma_start3A, %dma_start3A_13] : memref<5x128xi32, #tpu.memory_space<vmem>> -> memref<1x128xi32, #tpu.memory_space<vmem>>
    %dma_start3A_15 = tpu.memref_squeeze %dma_start3A_14 : memref<1x128xi32, #tpu.memory_space<vmem>> -> memref<128xi32, #tpu.memory_space<vmem>>
    %dma_start3A_16 = arith.constant 0 : i32
    %dma_start3A_17 = tpu.memref_slice %arg2[%add3A_6, %dma_start3A_16] : memref<6400x128xi32, #tpu.memory_space<hbm>> -> memref<1x128xi32, #tpu.memory_space<hbm>>
    %dma_start3A_18 = tpu.memref_squeeze %dma_start3A_17 : memref<1x128xi32, #tpu.memory_space<hbm>> -> memref<128xi32, #tpu.memory_space<hbm>>
    tpu.enqueue_dma source(%dma_start3A_18 : memref<128xi32, #tpu.memory_space<hbm>>) target(%dma_start3A_15 : memref<128xi32, #tpu.memory_space<vmem>>) target_semaphore(%arg11 : memref<!tpu.dma_semaphore, #tpu.memory_space<semaphore_mem>>)
    %add3A_19 = arith.constant 0 : i32
    %add3A_20 = arith.addi %mul3A_4, %add3A_19 : i32
    %dma_start3A_21 = arith.constant 0 : i32
    %dma_start3A_22 = arith.constant 0 : i32
    %dma_start3A_23 = tpu.memref_slice %arg8[%dma_start3A_21, %dma_start3A_22] : memref<5x128xi32, #tpu.memory_space<vmem>> -> memref<1x128xi32, #tpu.memory_space<vmem>>
    %dma_start3A_24 = tpu.memref_squeeze %dma_start3A_23 : memref<1x128xi32, #tpu.memory_space<vmem>> -> memref<128xi32, #tpu.memory_space<vmem>>
    %dma_start3A_25 = arith.constant 0 : i32
    %dma_start3A_26 = tpu.memref_slice %arg3[%add3A_20, %dma_start3A_25] : memref<6400x128xi32, #tpu.memory_space<hbm>> -> memref<1x128xi32, #tpu.memory_space<hbm>>
    %dma_start3A_27 = tpu.memref_squeeze %dma_start3A_26 : memref<1x128xi32, #tpu.memory_space<hbm>> -> memref<128xi32, #tpu.memory_space<hbm>>
    %dma_start3A_28 = arith.constant 0 : i32
    %dma_start3A_29 = tpu.memref_slice %arg8[%dma_start3A_21, %dma_start3A_28] : memref<5x128xi32, #tpu.memory_space<vmem>> -> memref<1x128xi32, #tpu.memory_space<vmem>>
    %dma_start3A_30 = tpu.memref_squeeze %dma_start3A_29 : memref<1x128xi32, #tpu.memory_space<vmem>> -> memref<128xi32, #tpu.memory_space<vmem>>
    %dma_start3A_31 = arith.constant 0 : i32
    %dma_start3A_32 = tpu.memref_slice %arg3[%add3A_20, %dma_start3A_31] : memref<6400x128xi32, #tpu.memory_space<hbm>> -> memref<1x128xi32, #tpu.memory_space<hbm>>
    %dma_start3A_33 = tpu.memref_squeeze %dma_start3A_32 : memref<1x128xi32, #tpu.memory_space<hbm>> -> memref<128xi32, #tpu.memory_space<hbm>>
    tpu.enqueue_dma source(%dma_start3A_33 : memref<128xi32, #tpu.memory_space<hbm>>) target(%dma_start3A_30 : memref<128xi32, #tpu.memory_space<vmem>>) target_semaphore(%arg16 : memref<!tpu.dma_semaphore, #tpu.memory_space<semaphore_mem>>)
    %add3A_34 = arith.constant 1 : i32
    %add3A_35 = arith.addi %mul3A_4, %add3A_34 : i32
    %dma_start3A_36 = arith.constant 1 : i32
    %dma_start3A_37 = arith.constant 0 : i32
    %dma_start3A_38 = tpu.memref_slice %arg7[%dma_start3A_36, %dma_start3A_37] : memref<5x128xi32, #tpu.memory_space<vmem>> -> memref<1x128xi32, #tpu.memory_space<vmem>>
    %dma_start3A_39 = tpu.memref_squeeze %dma_start3A_38 : memref<1x128xi32, #tpu.memory_space<vmem>> -> memref<128xi32, #tpu.memory_space<vmem>>
    %dma_start3A_40 = arith.constant 0 : i32
    %dma_start3A_41 = tpu.memref_slice %arg2[%add3A_35, %dma_start3A_40] : memref<6400x128xi32, #tpu.memory_space<hbm>> -> memref<1x128xi32, #tpu.memory_space<hbm>>
    %dma_start3A_42 = tpu.memref_squeeze %dma_start3A_41 : memref<1x128xi32, #tpu.memory_space<hbm>> -> memref<128xi32, #tpu.memory_space<hbm>>
    %dma_start3A_43 = arith.constant 0 : i32
    %dma_start3A_44 = tpu.memref_slice %arg7[%dma_start3A_36, %dma_start3A_43] : memref<5x128xi32, #tpu.memory_space<vmem>> -> memref<1x128xi32, #tpu.memory_space<vmem>>
    %dma_start3A_45 = tpu.memref_squeeze %dma_start3A_44 : memref<1x128xi32, #tpu.memory_space<vmem>> -> memref<128xi32, #tpu.memory_space<vmem>>
    %dma_start3A_46 = arith.constant 0 : i32
    %dma_start3A_47 = tpu.memref_slice %arg2[%add3A_35, %dma_start3A_46] : memref<6400x128xi32, #tpu.memory_space<hbm>> -> memref<1x128xi32, #tpu.memory_space<hbm>>
    %dma_start3A_48 = tpu.memref_squeeze %dma_start3A_47 : memref<1x128xi32, #tpu.memory_space<hbm>> -> memref<128xi32, #tpu.memory_space<hbm>>
    tpu.enqueue_dma source(%dma_start3A_48 : memref<128xi32, #tpu.memory_space<hbm>>) target(%dma_start3A_45 : memref<128xi32, #tpu.memory_space<vmem>>) target_semaphore(%arg12 : memref<!tpu.dma_semaphore, #tpu.memory_space<semaphore_mem>>)
    %add3A_49 = arith.constant 1 : i32
    %add3A_50 = arith.addi %mul3A_4, %add3A_49 : i32
    %dma_start3A_51 = arith.constant 1 : i32
    %dma_start3A_52 = arith.constant 0 : i32
    %dma_start3A_53 = tpu.memref_slice %arg8[%dma_start3A_51, %dma_start3A_52] : memref<5x128xi32, #tpu.memory_space<vmem>> -> memref<1x128xi32, #tpu.memory_space<vmem>>
    %dma_start3A_54 = tpu.memref_squeeze %dma_start3A_53 : memref<1x128xi32, #tpu.memory_space<vmem>> -> memref<128xi32, #tpu.memory_space<vmem>>
    %dma_start3A_55 = arith.constant 0 : i32
    %dma_start3A_56 = tpu.memref_slice %arg3[%add3A_50, %dma_start3A_55] : memref<6400x128xi32, #tpu.memory_space<hbm>> -> memref<1x128xi32, #tpu.memory_space<hbm>>
    %dma_start3A_57 = tpu.memref_squeeze %dma_start3A_56 : memref<1x128xi32, #tpu.memory_space<hbm>> -> memref<128xi32, #tpu.memory_space<hbm>>
    %dma_start3A_58 = arith.constant 0 : i32
    %dma_start3A_59 = tpu.memref_slice %arg8[%dma_start3A_51, %dma_start3A_58] : memref<5x128xi32, #tpu.memory_space<vmem>> -> memref<1x128xi32, #tpu.memory_space<vmem>>
    %dma_start3A_60 = tpu.memref_squeeze %dma_start3A_59 : memref<1x128xi32, #tpu.memory_space<vmem>> -> memref<128xi32, #tpu.memory_space<vmem>>
    %dma_start3A_61 = arith.constant 0 : i32
    %dma_start3A_62 = tpu.memref_slice %arg3[%add3A_50, %dma_start3A_61] : memref<6400x128xi32, #tpu.memory_space<hbm>> -> memref<1x128xi32, #tpu.memory_space<hbm>>
    %dma_start3A_63 = tpu.memref_squeeze %dma_start3A_62 : memref<1x128xi32, #tpu.memory_space<hbm>> -> memref<128xi32, #tpu.memory_space<hbm>>
    tpu.enqueue_dma source(%dma_start3A_63 : memref<128xi32, #tpu.memory_space<hbm>>) target(%dma_start3A_60 : memref<128xi32, #tpu.memory_space<vmem>>) target_semaphore(%arg17 : memref<!tpu.dma_semaphore, #tpu.memory_space<semaphore_mem>>)
    %add3A_64 = arith.constant 2 : i32
    %add3A_65 = arith.addi %mul3A_4, %add3A_64 : i32
    %dma_start3A_66 = arith.constant 2 : i32
    %dma_start3A_67 = arith.constant 0 : i32
    %dma_start3A_68 = tpu.memref_slice %arg7[%dma_start3A_66, %dma_start3A_67] : memref<5x128xi32, #tpu.memory_space<vmem>> -> memref<1x128xi32, #tpu.memory_space<vmem>>
    %dma_start3A_69 = tpu.memref_squeeze %dma_start3A_68 : memref<1x128xi32, #tpu.memory_space<vmem>> -> memref<128xi32, #tpu.memory_space<vmem>>
    %dma_start3A_70 = arith.constant 0 : i32
    %dma_start3A_71 = tpu.memref_slice %arg2[%add3A_65, %dma_start3A_70] : memref<6400x128xi32, #tpu.memory_space<hbm>> -> memref<1x128xi32, #tpu.memory_space<hbm>>
    %dma_start3A_72 = tpu.memref_squeeze %dma_start3A_71 : memref<1x128xi32, #tpu.memory_space<hbm>> -> memref<128xi32, #tpu.memory_space<hbm>>
    %dma_start3A_73 = arith.constant 0 : i32
    %dma_start3A_74 = tpu.memref_slice %arg7[%dma_start3A_66, %dma_start3A_73] : memref<5x128xi32, #tpu.memory_space<vmem>> -> memref<1x128xi32, #tpu.memory_space<vmem>>
    %dma_start3A_75 = tpu.memref_squeeze %dma_start3A_74 : memref<1x128xi32, #tpu.memory_space<vmem>> -> memref<128xi32, #tpu.memory_space<vmem>>
    %dma_start3A_76 = arith.constant 0 : i32
    %dma_start3A_77 = tpu.memref_slice %arg2[%add3A_65, %dma_start3A_76] : memref<6400x128xi32, #tpu.memory_space<hbm>> -> memref<1x128xi32, #tpu.memory_space<hbm>>
    %dma_start3A_78 = tpu.memref_squeeze %dma_start3A_77 : memref<1x128xi32, #tpu.memory_space<hbm>> -> memref<128xi32, #tpu.memory_space<hbm>>
    tpu.enqueue_dma source(%dma_start3A_78 : memref<128xi32, #tpu.memory_space<hbm>>) target(%dma_start3A_75 : memref<128xi32, #tpu.memory_space<vmem>>) target_semaphore(%arg13 : memref<!tpu.dma_semaphore, #tpu.memory_space<semaphore_mem>>)
    %add3A_79 = arith.constant 2 : i32
    %add3A_80 = arith.addi %mul3A_4, %add3A_79 : i32
    %dma_start3A_81 = arith.constant 2 : i32
    %dma_start3A_82 = arith.constant 0 : i32
    %dma_start3A_83 = tpu.memref_slice %arg8[%dma_start3A_81, %dma_start3A_82] : memref<5x128xi32, #tpu.memory_space<vmem>> -> memref<1x128xi32, #tpu.memory_space<vmem>>
    %dma_start3A_84 = tpu.memref_squeeze %dma_start3A_83 : memref<1x128xi32, #tpu.memory_space<vmem>> -> memref<128xi32, #tpu.memory_space<vmem>>
    %dma_start3A_85 = arith.constant 0 : i32
    %dma_start3A_86 = tpu.memref_slice %arg3[%add3A_80, %dma_start3A_85] : memref<6400x128xi32, #tpu.memory_space<hbm>> -> memref<1x128xi32, #tpu.memory_space<hbm>>
    %dma_start3A_87 = tpu.memref_squeeze %dma_start3A_86 : memref<1x128xi32, #tpu.memory_space<hbm>> -> memref<128xi32, #tpu.memory_space<hbm>>
    %dma_start3A_88 = arith.constant 0 : i32
    %dma_start3A_89 = tpu.memref_slice %arg8[%dma_start3A_81, %dma_start3A_88] : memref<5x128xi32, #tpu.memory_space<vmem>> -> memref<1x128xi32, #tpu.memory_space<vmem>>
    %dma_start3A_90 = tpu.memref_squeeze %dma_start3A_89 : memref<1x128xi32, #tpu.memory_space<vmem>> -> memref<128xi32, #tpu.memory_space<vmem>>
    %dma_start3A_91 = arith.constant 0 : i32
    %dma_start3A_92 = tpu.memref_slice %arg3[%add3A_80, %dma_start3A_91] : memref<6400x128xi32, #tpu.memory_space<hbm>> -> memref<1x128xi32, #tpu.memory_space<hbm>>
    %dma_start3A_93 = tpu.memref_squeeze %dma_start3A_92 : memref<1x128xi32, #tpu.memory_space<hbm>> -> memref<128xi32, #tpu.memory_space<hbm>>
    tpu.enqueue_dma source(%dma_start3A_93 : memref<128xi32, #tpu.memory_space<hbm>>) target(%dma_start3A_90 : memref<128xi32, #tpu.memory_space<vmem>>) target_semaphore(%arg18 : memref<!tpu.dma_semaphore, #tpu.memory_space<semaphore_mem>>)
    %add3A_94 = arith.constant 3 : i32
    %add3A_95 = arith.addi %mul3A_4, %add3A_94 : i32
    %dma_start3A_96 = arith.constant 3 : i32
    %dma_start3A_97 = arith.constant 0 : i32
    %dma_start3A_98 = tpu.memref_slice %arg7[%dma_start3A_96, %dma_start3A_97] : memref<5x128xi32, #tpu.memory_space<vmem>> -> memref<1x128xi32, #tpu.memory_space<vmem>>
    %dma_start3A_99 = tpu.memref_squeeze %dma_start3A_98 : memref<1x128xi32, #tpu.memory_space<vmem>> -> memref<128xi32, #tpu.memory_space<vmem>>
    %dma_start3A_100 = arith.constant 0 : i32
    %dma_start3A_101 = tpu.memref_slice %arg2[%add3A_95, %dma_start3A_100] : memref<6400x128xi32, #tpu.memory_space<hbm>> -> memref<1x128xi32, #tpu.memory_space<hbm>>
    %dma_start3A_102 = tpu.memref_squeeze %dma_start3A_101 : memref<1x128xi32, #tpu.memory_space<hbm>> -> memref<128xi32, #tpu.memory_space<hbm>>
    %dma_start3A_103 = arith.constant 0 : i32
    %dma_start3A_104 = tpu.memref_slice %arg7[%dma_start3A_96, %dma_start3A_103] : memref<5x128xi32, #tpu.memory_space<vmem>> -> memref<1x128xi32, #tpu.memory_space<vmem>>
    %dma_start3A_105 = tpu.memref_squeeze %dma_start3A_104 : memref<1x128xi32, #tpu.memory_space<vmem>> -> memref<128xi32, #tpu.memory_space<vmem>>
    %dma_start3A_106 = arith.constant 0 : i32
    %dma_start3A_107 = tpu.memref_slice %arg2[%add3A_95, %dma_start3A_106] : memref<6400x128xi32, #tpu.memory_space<hbm>> -> memref<1x128xi32, #tpu.memory_space<hbm>>
    %dma_start3A_108 = tpu.memref_squeeze %dma_start3A_107 : memref<1x128xi32, #tpu.memory_space<hbm>> -> memref<128xi32, #tpu.memory_space<hbm>>
    tpu.enqueue_dma source(%dma_start3A_108 : memref<128xi32, #tpu.memory_space<hbm>>) target(%dma_start3A_105 : memref<128xi32, #tpu.memory_space<vmem>>) target_semaphore(%arg14 : memref<!tpu.dma_semaphore, #tpu.memory_space<semaphore_mem>>)
    %add3A_109 = arith.constant 3 : i32
    %add3A_110 = arith.addi %mul3A_4, %add3A_109 : i32
    %dma_start3A_111 = arith.constant 3 : i32
    %dma_start3A_112 = arith.constant 0 : i32
    %dma_start3A_113 = tpu.memref_slice %arg8[%dma_start3A_111, %dma_start3A_112] : memref<5x128xi32, #tpu.memory_space<vmem>> -> memref<1x128xi32, #tpu.memory_space<vmem>>
    %dma_start3A_114 = tpu.memref_squeeze %dma_start3A_113 : memref<1x128xi32, #tpu.memory_space<vmem>> -> memref<128xi32, #tpu.memory_space<vmem>>
    %dma_start3A_115 = arith.constant 0 : i32
    %dma_start3A_116 = tpu.memref_slice %arg3[%add3A_110, %dma_start3A_115] : memref<6400x128xi32, #tpu.memory_space<hbm>> -> memref<1x128xi32, #tpu.memory_space<hbm>>
    %dma_start3A_117 = tpu.memref_squeeze %dma_start3A_116 : memref<1x128xi32, #tpu.memory_space<hbm>> -> memref<128xi32, #tpu.memory_space<hbm>>
    %dma_start3A_118 = arith.constant 0 : i32
    %dma_start3A_119 = tpu.memref_slice %arg8[%dma_start3A_111, %dma_start3A_118] : memref<5x128xi32, #tpu.memory_space<vmem>> -> memref<1x128xi32, #tpu.memory_space<vmem>>
    %dma_start3A_120 = tpu.memref_squeeze %dma_start3A_119 : memref<1x128xi32, #tpu.memory_space<vmem>> -> memref<128xi32, #tpu.memory_space<vmem>>
    %dma_start3A_121 = arith.constant 0 : i32
    %dma_start3A_122 = tpu.memref_slice %arg3[%add3A_110, %dma_start3A_121] : memref<6400x128xi32, #tpu.memory_space<hbm>> -> memref<1x128xi32, #tpu.memory_space<hbm>>
    %dma_start3A_123 = tpu.memref_squeeze %dma_start3A_122 : memref<1x128xi32, #tpu.memory_space<hbm>> -> memref<128xi32, #tpu.memory_space<hbm>>
    tpu.enqueue_dma source(%dma_start3A_123 : memref<128xi32, #tpu.memory_space<hbm>>) target(%dma_start3A_120 : memref<128xi32, #tpu.memory_space<vmem>>) target_semaphore(%arg19 : memref<!tpu.dma_semaphore, #tpu.memory_space<semaphore_mem>>)
    %add3A_124 = arith.constant 4 : i32
    %add3A_125 = arith.addi %mul3A_4, %add3A_124 : i32
    %dma_start3A_126 = arith.constant 4 : i32
    %dma_start3A_127 = arith.constant 0 : i32
    %dma_start3A_128 = tpu.memref_slice %arg7[%dma_start3A_126, %dma_start3A_127] : memref<5x128xi32, #tpu.memory_space<vmem>> -> memref<1x128xi32, #tpu.memory_space<vmem>>
    %dma_start3A_129 = tpu.memref_squeeze %dma_start3A_128 : memref<1x128xi32, #tpu.memory_space<vmem>> -> memref<128xi32, #tpu.memory_space<vmem>>
    %dma_start3A_130 = arith.constant 0 : i32
    %dma_start3A_131 = tpu.memref_slice %arg2[%add3A_125, %dma_start3A_130] : memref<6400x128xi32, #tpu.memory_space<hbm>> -> memref<1x128xi32, #tpu.memory_space<hbm>>
    %dma_start3A_132 = tpu.memref_squeeze %dma_start3A_131 : memref<1x128xi32, #tpu.memory_space<hbm>> -> memref<128xi32, #tpu.memory_space<hbm>>
    %dma_start3A_133 = arith.constant 0 : i32
    %dma_start3A_134 = tpu.memref_slice %arg7[%dma_start3A_126, %dma_start3A_133] : memref<5x128xi32, #tpu.memory_space<vmem>> -> memref<1x128xi32, #tpu.memory_space<vmem>>
    %dma_start3A_135 = tpu.memref_squeeze %dma_start3A_134 : memref<1x128xi32, #tpu.memory_space<vmem>> -> memref<128xi32, #tpu.memory_space<vmem>>
    %dma_start3A_136 = arith.constant 0 : i32
    %dma_start3A_137 = tpu.memref_slice %arg2[%add3A_125, %dma_start3A_136] : memref<6400x128xi32, #tpu.memory_space<hbm>> -> memref<1x128xi32, #tpu.memory_space<hbm>>
    %dma_start3A_138 = tpu.memref_squeeze %dma_start3A_137 : memref<1x128xi32, #tpu.memory_space<hbm>> -> memref<128xi32, #tpu.memory_space<hbm>>
    tpu.enqueue_dma source(%dma_start3A_138 : memref<128xi32, #tpu.memory_space<hbm>>) target(%dma_start3A_135 : memref<128xi32, #tpu.memory_space<vmem>>) target_semaphore(%arg15 : memref<!tpu.dma_semaphore, #tpu.memory_space<semaphore_mem>>)
    %add3A_139 = arith.constant 4 : i32
    %add3A_140 = arith.addi %mul3A_4, %add3A_139 : i32
    %dma_start3A_141 = arith.constant 4 : i32
    %dma_start3A_142 = arith.constant 0 : i32
    %dma_start3A_143 = tpu.memref_slice %arg8[%dma_start3A_141, %dma_start3A_142] : memref<5x128xi32, #tpu.memory_space<vmem>> -> memref<1x128xi32, #tpu.memory_space<vmem>>
    %dma_start3A_144 = tpu.memref_squeeze %dma_start3A_143 : memref<1x128xi32, #tpu.memory_space<vmem>> -> memref<128xi32, #tpu.memory_space<vmem>>
    %dma_start3A_145 = arith.constant 0 : i32
    %dma_start3A_146 = tpu.memref_slice %arg3[%add3A_140, %dma_start3A_145] : memref<6400x128xi32, #tpu.memory_space<hbm>> -> memref<1x128xi32, #tpu.memory_space<hbm>>
    %dma_start3A_147 = tpu.memref_squeeze %dma_start3A_146 : memref<1x128xi32, #tpu.memory_space<hbm>> -> memref<128xi32, #tpu.memory_space<hbm>>
    %dma_start3A_148 = arith.constant 0 : i32
    %dma_start3A_149 = tpu.memref_slice %arg8[%dma_start3A_141, %dma_start3A_148] : memref<5x128xi32, #tpu.memory_space<vmem>> -> memref<1x128xi32, #tpu.memory_space<vmem>>
    %dma_start3A_150 = tpu.memref_squeeze %dma_start3A_149 : memref<1x128xi32, #tpu.memory_space<vmem>> -> memref<128xi32, #tpu.memory_space<vmem>>
    %dma_start3A_151 = arith.constant 0 : i32
    %dma_start3A_152 = tpu.memref_slice %arg3[%add3A_140, %dma_start3A_151] : memref<6400x128xi32, #tpu.memory_space<hbm>> -> memref<1x128xi32, #tpu.memory_space<hbm>>
    %dma_start3A_153 = tpu.memref_squeeze %dma_start3A_152 : memref<1x128xi32, #tpu.memory_space<hbm>> -> memref<128xi32, #tpu.memory_space<hbm>>
    tpu.enqueue_dma source(%dma_start3A_153 : memref<128xi32, #tpu.memory_space<hbm>>) target(%dma_start3A_150 : memref<128xi32, #tpu.memory_space<vmem>>) target_semaphore(%arg20 : memref<!tpu.dma_semaphore, #tpu.memory_space<semaphore_mem>>)
    %add3A_154 = arith.constant 0 : i32
    %add3A_155 = arith.addi %mul3A_4, %add3A_154 : i32
    %dma_wait3A = arith.constant 0 : i32
    %dma_wait3A_156 = arith.constant 0 : i32
    %dma_wait3A_157 = tpu.memref_slice %arg7[%dma_wait3A, %dma_wait3A_156] : memref<5x128xi32, #tpu.memory_space<vmem>> -> memref<1x128xi32, #tpu.memory_space<vmem>>
    %dma_wait3A_158 = tpu.memref_squeeze %dma_wait3A_157 : memref<1x128xi32, #tpu.memory_space<vmem>> -> memref<128xi32, #tpu.memory_space<vmem>>
    %dma_wait3A_159 = arith.constant 0 : i32
    %dma_wait3A_160 = tpu.memref_slice %arg2[%add3A_155, %dma_wait3A_159] : memref<6400x128xi32, #tpu.memory_space<hbm>> -> memref<1x128xi32, #tpu.memory_space<hbm>>
    %dma_wait3A_161 = tpu.memref_squeeze %dma_wait3A_160 : memref<1x128xi32, #tpu.memory_space<hbm>> -> memref<128xi32, #tpu.memory_space<hbm>>
    %dma_wait3A_162 = arith.constant 0 : i32
    %dma_wait3A_163 = tpu.memref_slice %arg7[%dma_wait3A, %dma_wait3A_162] : memref<5x128xi32, #tpu.memory_space<vmem>> -> memref<1x128xi32, #tpu.memory_space<vmem>>
    %dma_wait3A_164 = tpu.memref_squeeze %dma_wait3A_163 : memref<1x128xi32, #tpu.memory_space<vmem>> -> memref<128xi32, #tpu.memory_space<vmem>>
    %dma_wait3A_165 = arith.constant 0 : i32
    %dma_wait3A_166 = tpu.memref_slice %arg2[%add3A_155, %dma_wait3A_165] : memref<6400x128xi32, #tpu.memory_space<hbm>> -> memref<1x128xi32, #tpu.memory_space<hbm>>
    %dma_wait3A_167 = tpu.memref_squeeze %dma_wait3A_166 : memref<1x128xi32, #tpu.memory_space<hbm>> -> memref<128xi32, #tpu.memory_space<hbm>>
    tpu.wait_dma2 semaphore(%arg11 : memref<!tpu.dma_semaphore, #tpu.memory_space<semaphore_mem>>) src(%dma_wait3A_167 : memref<128xi32, #tpu.memory_space<hbm>>) dst(%dma_wait3A_164 : memref<128xi32, #tpu.memory_space<vmem>>)
    %add3A_168 = arith.constant 0 : i32
    %add3A_169 = arith.addi %mul3A_4, %add3A_168 : i32
    %dma_wait3A_170 = arith.constant 0 : i32
    %dma_wait3A_171 = arith.constant 0 : i32
    %dma_wait3A_172 = tpu.memref_slice %arg8[%dma_wait3A_170, %dma_wait3A_171] : memref<5x128xi32, #tpu.memory_space<vmem>> -> memref<1x128xi32, #tpu.memory_space<vmem>>
    %dma_wait3A_173 = tpu.memref_squeeze %dma_wait3A_172 : memref<1x128xi32, #tpu.memory_space<vmem>> -> memref<128xi32, #tpu.memory_space<vmem>>
    %dma_wait3A_174 = arith.constant 0 : i32
    %dma_wait3A_175 = tpu.memref_slice %arg3[%add3A_169, %dma_wait3A_174] : memref<6400x128xi32, #tpu.memory_space<hbm>> -> memref<1x128xi32, #tpu.memory_space<hbm>>
    %dma_wait3A_176 = tpu.memref_squeeze %dma_wait3A_175 : memref<1x128xi32, #tpu.memory_space<hbm>> -> memref<128xi32, #tpu.memory_space<hbm>>
    %dma_wait3A_177 = arith.constant 0 : i32
    %dma_wait3A_178 = tpu.memref_slice %arg8[%dma_wait3A_170, %dma_wait3A_177] : memref<5x128xi32, #tpu.memory_space<vmem>> -> memref<1x128xi32, #tpu.memory_space<vmem>>
    %dma_wait3A_179 = tpu.memref_squeeze %dma_wait3A_178 : memref<1x128xi32, #tpu.memory_space<vmem>> -> memref<128xi32, #tpu.memory_space<vmem>>
    %dma_wait3A_180 = arith.constant 0 : i32
    %dma_wait3A_181 = tpu.memref_slice %arg3[%add3A_169, %dma_wait3A_180] : memref<6400x128xi32, #tpu.memory_space<hbm>> -> memref<1x128xi32, #tpu.memory_space<hbm>>
    %dma_wait3A_182 = tpu.memref_squeeze %dma_wait3A_181 : memref<1x128xi32, #tpu.memory_space<hbm>> -> memref<128xi32, #tpu.memory_space<hbm>>
    tpu.wait_dma2 semaphore(%arg16 : memref<!tpu.dma_semaphore, #tpu.memory_space<semaphore_mem>>) src(%dma_wait3A_182 : memref<128xi32, #tpu.memory_space<hbm>>) dst(%dma_wait3A_179 : memref<128xi32, #tpu.memory_space<vmem>>)
    %dma_start3A_183 = arith.constant 0 : i32
    %dma_start3A_184 = arith.constant 0 : i32
    %dma_start3A_185 = arith.constant 0 : i32
    %dma_start3A_186 = arith.constant 0 : i32
    %dma_start3A_187 = tpu.memref_slice %arg9[%dma_start3A_184, %dma_start3A_185, %dma_start3A_186] : memref<5x128x64xf32, #tpu.memory_space<vmem>> -> memref<1x128x64xf32, #tpu.memory_space<vmem>>
    %dma_start3A_188 = tpu.memref_squeeze %dma_start3A_187 : memref<1x128x64xf32, #tpu.memory_space<vmem>> -> memref<128x64xf32, #tpu.memory_space<vmem>>
    %dma_start3A_189 = arith.constant 0 : i32
    %dma_start3A_190 = tpu.memref_slice %arg7[%dma_start3A_183, %dma_start3A_189] : memref<5x128xi32, #tpu.memory_space<vmem>> -> memref<1x128xi32, #tpu.memory_space<vmem>>
    %dma_start3A_191 = tpu.memref_squeeze %dma_start3A_190 : memref<1x128xi32, #tpu.memory_space<vmem>> -> memref<128xi32, #tpu.memory_space<vmem>>
    %dma_start3A_192 = arith.constant 0 : i32
    %dma_start3A_193 = arith.constant 0 : i32
    %dma_start3A_194 = tpu.memref_slice %arg4[%dma_start3A_192, %dma_start3A_193] : memref<100000x64xf32, #tpu.memory_space<hbm>> -> memref<100000x64xf32, #tpu.memory_space<hbm>>
    tpu.enqueue_indirect_dma source(%dma_start3A_194 : memref<100000x64xf32, #tpu.memory_space<hbm>>) target(%dma_start3A_188 : memref<128x64xf32, #tpu.memory_space<vmem>>) offsets(%dma_start3A_191 : memref<128xi32, #tpu.memory_space<vmem>>) semaphore(%arg21 : memref<!tpu.dma_semaphore, #tpu.memory_space<semaphore_mem>>)
    %dma_start3A_195 = arith.constant 0 : i32
    %dma_start3A_196 = arith.constant 0 : i32
    %dma_start3A_197 = arith.constant 0 : i32
    %dma_start3A_198 = arith.constant 0 : i32
    %dma_start3A_199 = tpu.memref_slice %arg10[%dma_start3A_196, %dma_start3A_197, %dma_start3A_198] : memref<5x128x64xf32, #tpu.memory_space<vmem>> -> memref<1x128x64xf32, #tpu.memory_space<vmem>>
    %dma_start3A_200 = tpu.memref_squeeze %dma_start3A_199 : memref<1x128x64xf32, #tpu.memory_space<vmem>> -> memref<128x64xf32, #tpu.memory_space<vmem>>
    %dma_start3A_201 = arith.constant 0 : i32
    %dma_start3A_202 = tpu.memref_slice %arg8[%dma_start3A_195, %dma_start3A_201] : memref<5x128xi32, #tpu.memory_space<vmem>> -> memref<1x128xi32, #tpu.memory_space<vmem>>
    %dma_start3A_203 = tpu.memref_squeeze %dma_start3A_202 : memref<1x128xi32, #tpu.memory_space<vmem>> -> memref<128xi32, #tpu.memory_space<vmem>>
    %dma_start3A_204 = arith.constant 0 : i32
    %dma_start3A_205 = arith.constant 0 : i32
    %dma_start3A_206 = tpu.memref_slice %arg5[%dma_start3A_204, %dma_start3A_205] : memref<100000x64xf32, #tpu.memory_space<hbm>> -> memref<100000x64xf32, #tpu.memory_space<hbm>>
    tpu.enqueue_indirect_dma source(%dma_start3A_206 : memref<100000x64xf32, #tpu.memory_space<hbm>>) target(%dma_start3A_200 : memref<128x64xf32, #tpu.memory_space<vmem>>) offsets(%dma_start3A_203 : memref<128xi32, #tpu.memory_space<vmem>>) semaphore(%arg26 : memref<!tpu.dma_semaphore, #tpu.memory_space<semaphore_mem>>)
    %add3A_207 = arith.constant 1 : i32
    %add3A_208 = arith.addi %mul3A_4, %add3A_207 : i32
    %dma_wait3A_209 = arith.constant 1 : i32
    %dma_wait3A_210 = arith.constant 0 : i32
    %dma_wait3A_211 = tpu.memref_slice %arg7[%dma_wait3A_209, %dma_wait3A_210] : memref<5x128xi32, #tpu.memory_space<vmem>> -> memref<1x128xi32, #tpu.memory_space<vmem>>
    %dma_wait3A_212 = tpu.memref_squeeze %dma_wait3A_211 : memref<1x128xi32, #tpu.memory_space<vmem>> -> memref<128xi32, #tpu.memory_space<vmem>>
    %dma_wait3A_213 = arith.constant 0 : i32
    %dma_wait3A_214 = tpu.memref_slice %arg2[%add3A_208, %dma_wait3A_213] : memref<6400x128xi32, #tpu.memory_space<hbm>> -> memref<1x128xi32, #tpu.memory_space<hbm>>
    %dma_wait3A_215 = tpu.memref_squeeze %dma_wait3A_214 : memref<1x128xi32, #tpu.memory_space<hbm>> -> memref<128xi32, #tpu.memory_space<hbm>>
    %dma_wait3A_216 = arith.constant 0 : i32
    %dma_wait3A_217 = tpu.memref_slice %arg7[%dma_wait3A_209, %dma_wait3A_216] : memref<5x128xi32, #tpu.memory_space<vmem>> -> memref<1x128xi32, #tpu.memory_space<vmem>>
    %dma_wait3A_218 = tpu.memref_squeeze %dma_wait3A_217 : memref<1x128xi32, #tpu.memory_space<vmem>> -> memref<128xi32, #tpu.memory_space<vmem>>
    %dma_wait3A_219 = arith.constant 0 : i32
    %dma_wait3A_220 = tpu.memref_slice %arg2[%add3A_208, %dma_wait3A_219] : memref<6400x128xi32, #tpu.memory_space<hbm>> -> memref<1x128xi32, #tpu.memory_space<hbm>>
    %dma_wait3A_221 = tpu.memref_squeeze %dma_wait3A_220 : memref<1x128xi32, #tpu.memory_space<hbm>> -> memref<128xi32, #tpu.memory_space<hbm>>
    tpu.wait_dma2 semaphore(%arg12 : memref<!tpu.dma_semaphore, #tpu.memory_space<semaphore_mem>>) src(%dma_wait3A_221 : memref<128xi32, #tpu.memory_space<hbm>>) dst(%dma_wait3A_218 : memref<128xi32, #tpu.memory_space<vmem>>)
    %add3A_222 = arith.constant 1 : i32
    %add3A_223 = arith.addi %mul3A_4, %add3A_222 : i32
    %dma_wait3A_224 = arith.constant 1 : i32
    %dma_wait3A_225 = arith.constant 0 : i32
    %dma_wait3A_226 = tpu.memref_slice %arg8[%dma_wait3A_224, %dma_wait3A_225] : memref<5x128xi32, #tpu.memory_space<vmem>> -> memref<1x128xi32, #tpu.memory_space<vmem>>
    %dma_wait3A_227 = tpu.memref_squeeze %dma_wait3A_226 : memref<1x128xi32, #tpu.memory_space<vmem>> -> memref<128xi32, #tpu.memory_space<vmem>>
    %dma_wait3A_228 = arith.constant 0 : i32
    %dma_wait3A_229 = tpu.memref_slice %arg3[%add3A_223, %dma_wait3A_228] : memref<6400x128xi32, #tpu.memory_space<hbm>> -> memref<1x128xi32, #tpu.memory_space<hbm>>
    %dma_wait3A_230 = tpu.memref_squeeze %dma_wait3A_229 : memref<1x128xi32, #tpu.memory_space<hbm>> -> memref<128xi32, #tpu.memory_space<hbm>>
    %dma_wait3A_231 = arith.constant 0 : i32
    %dma_wait3A_232 = tpu.memref_slice %arg8[%dma_wait3A_224, %dma_wait3A_231] : memref<5x128xi32, #tpu.memory_space<vmem>> -> memref<1x128xi32, #tpu.memory_space<vmem>>
    %dma_wait3A_233 = tpu.memref_squeeze %dma_wait3A_232 : memref<1x128xi32, #tpu.memory_space<vmem>> -> memref<128xi32, #tpu.memory_space<vmem>>
    %dma_wait3A_234 = arith.constant 0 : i32
    %dma_wait3A_235 = tpu.memref_slice %arg3[%add3A_223, %dma_wait3A_234] : memref<6400x128xi32, #tpu.memory_space<hbm>> -> memref<1x128xi32, #tpu.memory_space<hbm>>
    %dma_wait3A_236 = tpu.memref_squeeze %dma_wait3A_235 : memref<1x128xi32, #tpu.memory_space<hbm>> -> memref<128xi32, #tpu.memory_space<hbm>>
    tpu.wait_dma2 semaphore(%arg17 : memref<!tpu.dma_semaphore, #tpu.memory_space<semaphore_mem>>) src(%dma_wait3A_236 : memref<128xi32, #tpu.memory_space<hbm>>) dst(%dma_wait3A_233 : memref<128xi32, #tpu.memory_space<vmem>>)
    %dma_start3A_237 = arith.constant 1 : i32
    %dma_start3A_238 = arith.constant 1 : i32
    %dma_start3A_239 = arith.constant 0 : i32
    %dma_start3A_240 = arith.constant 0 : i32
    %dma_start3A_241 = tpu.memref_slice %arg9[%dma_start3A_238, %dma_start3A_239, %dma_start3A_240] : memref<5x128x64xf32, #tpu.memory_space<vmem>> -> memref<1x128x64xf32, #tpu.memory_space<vmem>>
    %dma_start3A_242 = tpu.memref_squeeze %dma_start3A_241 : memref<1x128x64xf32, #tpu.memory_space<vmem>> -> memref<128x64xf32, #tpu.memory_space<vmem>>
    %dma_start3A_243 = arith.constant 0 : i32
    %dma_start3A_244 = tpu.memref_slice %arg7[%dma_start3A_237, %dma_start3A_243] : memref<5x128xi32, #tpu.memory_space<vmem>> -> memref<1x128xi32, #tpu.memory_space<vmem>>
    %dma_start3A_245 = tpu.memref_squeeze %dma_start3A_244 : memref<1x128xi32, #tpu.memory_space<vmem>> -> memref<128xi32, #tpu.memory_space<vmem>>
    %dma_start3A_246 = arith.constant 0 : i32
    %dma_start3A_247 = arith.constant 0 : i32
    %dma_start3A_248 = tpu.memref_slice %arg4[%dma_start3A_246, %dma_start3A_247] : memref<100000x64xf32, #tpu.memory_space<hbm>> -> memref<100000x64xf32, #tpu.memory_space<hbm>>
    tpu.enqueue_indirect_dma source(%dma_start3A_248 : memref<100000x64xf32, #tpu.memory_space<hbm>>) target(%dma_start3A_242 : memref<128x64xf32, #tpu.memory_space<vmem>>) offsets(%dma_start3A_245 : memref<128xi32, #tpu.memory_space<vmem>>) semaphore(%arg22 : memref<!tpu.dma_semaphore, #tpu.memory_space<semaphore_mem>>)
    %dma_start3A_249 = arith.constant 1 : i32
    %dma_start3A_250 = arith.constant 1 : i32
    %dma_start3A_251 = arith.constant 0 : i32
    %dma_start3A_252 = arith.constant 0 : i32
    %dma_start3A_253 = tpu.memref_slice %arg10[%dma_start3A_250, %dma_start3A_251, %dma_start3A_252] : memref<5x128x64xf32, #tpu.memory_space<vmem>> -> memref<1x128x64xf32, #tpu.memory_space<vmem>>
    %dma_start3A_254 = tpu.memref_squeeze %dma_start3A_253 : memref<1x128x64xf32, #tpu.memory_space<vmem>> -> memref<128x64xf32, #tpu.memory_space<vmem>>
    %dma_start3A_255 = arith.constant 0 : i32
    %dma_start3A_256 = tpu.memref_slice %arg8[%dma_start3A_249, %dma_start3A_255] : memref<5x128xi32, #tpu.memory_space<vmem>> -> memref<1x128xi32, #tpu.memory_space<vmem>>
    %dma_start3A_257 = tpu.memref_squeeze %dma_start3A_256 : memref<1x128xi32, #tpu.memory_space<vmem>> -> memref<128xi32, #tpu.memory_space<vmem>>
    %dma_start3A_258 = arith.constant 0 : i32
    %dma_start3A_259 = arith.constant 0 : i32
    %dma_start3A_260 = tpu.memref_slice %arg5[%dma_start3A_258, %dma_start3A_259] : memref<100000x64xf32, #tpu.memory_space<hbm>> -> memref<100000x64xf32, #tpu.memory_space<hbm>>
    tpu.enqueue_indirect_dma source(%dma_start3A_260 : memref<100000x64xf32, #tpu.memory_space<hbm>>) target(%dma_start3A_254 : memref<128x64xf32, #tpu.memory_space<vmem>>) offsets(%dma_start3A_257 : memref<128xi32, #tpu.memory_space<vmem>>) semaphore(%arg27 : memref<!tpu.dma_semaphore, #tpu.memory_space<semaphore_mem>>)
    %add3A_261 = arith.constant 2 : i32
    %add3A_262 = arith.addi %mul3A_4, %add3A_261 : i32
    %dma_wait3A_263 = arith.constant 2 : i32
    %dma_wait3A_264 = arith.constant 0 : i32
    %dma_wait3A_265 = tpu.memref_slice %arg7[%dma_wait3A_263, %dma_wait3A_264] : memref<5x128xi32, #tpu.memory_space<vmem>> -> memref<1x128xi32, #tpu.memory_space<vmem>>
    %dma_wait3A_266 = tpu.memref_squeeze %dma_wait3A_265 : memref<1x128xi32, #tpu.memory_space<vmem>> -> memref<128xi32, #tpu.memory_space<vmem>>
    %dma_wait3A_267 = arith.constant 0 : i32
    %dma_wait3A_268 = tpu.memref_slice %arg2[%add3A_262, %dma_wait3A_267] : memref<6400x128xi32, #tpu.memory_space<hbm>> -> memref<1x128xi32, #tpu.memory_space<hbm>>
    %dma_wait3A_269 = tpu.memref_squeeze %dma_wait3A_268 : memref<1x128xi32, #tpu.memory_space<hbm>> -> memref<128xi32, #tpu.memory_space<hbm>>
    %dma_wait3A_270 = arith.constant 0 : i32
    %dma_wait3A_271 = tpu.memref_slice %arg7[%dma_wait3A_263, %dma_wait3A_270] : memref<5x128xi32, #tpu.memory_space<vmem>> -> memref<1x128xi32, #tpu.memory_space<vmem>>
    %dma_wait3A_272 = tpu.memref_squeeze %dma_wait3A_271 : memref<1x128xi32, #tpu.memory_space<vmem>> -> memref<128xi32, #tpu.memory_space<vmem>>
    %dma_wait3A_273 = arith.constant 0 : i32
    %dma_wait3A_274 = tpu.memref_slice %arg2[%add3A_262, %dma_wait3A_273] : memref<6400x128xi32, #tpu.memory_space<hbm>> -> memref<1x128xi32, #tpu.memory_space<hbm>>
    %dma_wait3A_275 = tpu.memref_squeeze %dma_wait3A_274 : memref<1x128xi32, #tpu.memory_space<hbm>> -> memref<128xi32, #tpu.memory_space<hbm>>
    tpu.wait_dma2 semaphore(%arg13 : memref<!tpu.dma_semaphore, #tpu.memory_space<semaphore_mem>>) src(%dma_wait3A_275 : memref<128xi32, #tpu.memory_space<hbm>>) dst(%dma_wait3A_272 : memref<128xi32, #tpu.memory_space<vmem>>)
    %add3A_276 = arith.constant 2 : i32
    %add3A_277 = arith.addi %mul3A_4, %add3A_276 : i32
    %dma_wait3A_278 = arith.constant 2 : i32
    %dma_wait3A_279 = arith.constant 0 : i32
    %dma_wait3A_280 = tpu.memref_slice %arg8[%dma_wait3A_278, %dma_wait3A_279] : memref<5x128xi32, #tpu.memory_space<vmem>> -> memref<1x128xi32, #tpu.memory_space<vmem>>
    %dma_wait3A_281 = tpu.memref_squeeze %dma_wait3A_280 : memref<1x128xi32, #tpu.memory_space<vmem>> -> memref<128xi32, #tpu.memory_space<vmem>>
    %dma_wait3A_282 = arith.constant 0 : i32
    %dma_wait3A_283 = tpu.memref_slice %arg3[%add3A_277, %dma_wait3A_282] : memref<6400x128xi32, #tpu.memory_space<hbm>> -> memref<1x128xi32, #tpu.memory_space<hbm>>
    %dma_wait3A_284 = tpu.memref_squeeze %dma_wait3A_283 : memref<1x128xi32, #tpu.memory_space<hbm>> -> memref<128xi32, #tpu.memory_space<hbm>>
    %dma_wait3A_285 = arith.constant 0 : i32
    %dma_wait3A_286 = tpu.memref_slice %arg8[%dma_wait3A_278, %dma_wait3A_285] : memref<5x128xi32, #tpu.memory_space<vmem>> -> memref<1x128xi32, #tpu.memory_space<vmem>>
    %dma_wait3A_287 = tpu.memref_squeeze %dma_wait3A_286 : memref<1x128xi32, #tpu.memory_space<vmem>> -> memref<128xi32, #tpu.memory_space<vmem>>
    %dma_wait3A_288 = arith.constant 0 : i32
    %dma_wait3A_289 = tpu.memref_slice %arg3[%add3A_277, %dma_wait3A_288] : memref<6400x128xi32, #tpu.memory_space<hbm>> -> memref<1x128xi32, #tpu.memory_space<hbm>>
    %dma_wait3A_290 = tpu.memref_squeeze %dma_wait3A_289 : memref<1x128xi32, #tpu.memory_space<hbm>> -> memref<128xi32, #tpu.memory_space<hbm>>
    tpu.wait_dma2 semaphore(%arg18 : memref<!tpu.dma_semaphore, #tpu.memory_space<semaphore_mem>>) src(%dma_wait3A_290 : memref<128xi32, #tpu.memory_space<hbm>>) dst(%dma_wait3A_287 : memref<128xi32, #tpu.memory_space<vmem>>)
    %dma_start3A_291 = arith.constant 2 : i32
    %dma_start3A_292 = arith.constant 2 : i32
    %dma_start3A_293 = arith.constant 0 : i32
    %dma_start3A_294 = arith.constant 0 : i32
    %dma_start3A_295 = tpu.memref_slice %arg9[%dma_start3A_292, %dma_start3A_293, %dma_start3A_294] : memref<5x128x64xf32, #tpu.memory_space<vmem>> -> memref<1x128x64xf32, #tpu.memory_space<vmem>>
    %dma_start3A_296 = tpu.memref_squeeze %dma_start3A_295 : memref<1x128x64xf32, #tpu.memory_space<vmem>> -> memref<128x64xf32, #tpu.memory_space<vmem>>
    %dma_start3A_297 = arith.constant 0 : i32
    %dma_start3A_298 = tpu.memref_slice %arg7[%dma_start3A_291, %dma_start3A_297] : memref<5x128xi32, #tpu.memory_space<vmem>> -> memref<1x128xi32, #tpu.memory_space<vmem>>
    %dma_start3A_299 = tpu.memref_squeeze %dma_start3A_298 : memref<1x128xi32, #tpu.memory_space<vmem>> -> memref<128xi32, #tpu.memory_space<vmem>>
    %dma_start3A_300 = arith.constant 0 : i32
    %dma_start3A_301 = arith.constant 0 : i32
    %dma_start3A_302 = tpu.memref_slice %arg4[%dma_start3A_300, %dma_start3A_301] : memref<100000x64xf32, #tpu.memory_space<hbm>> -> memref<100000x64xf32, #tpu.memory_space<hbm>>
    tpu.enqueue_indirect_dma source(%dma_start3A_302 : memref<100000x64xf32, #tpu.memory_space<hbm>>) target(%dma_start3A_296 : memref<128x64xf32, #tpu.memory_space<vmem>>) offsets(%dma_start3A_299 : memref<128xi32, #tpu.memory_space<vmem>>) semaphore(%arg23 : memref<!tpu.dma_semaphore, #tpu.memory_space<semaphore_mem>>)
    %dma_start3A_303 = arith.constant 2 : i32
    %dma_start3A_304 = arith.constant 2 : i32
    %dma_start3A_305 = arith.constant 0 : i32
    %dma_start3A_306 = arith.constant 0 : i32
    %dma_start3A_307 = tpu.memref_slice %arg10[%dma_start3A_304, %dma_start3A_305, %dma_start3A_306] : memref<5x128x64xf32, #tpu.memory_space<vmem>> -> memref<1x128x64xf32, #tpu.memory_space<vmem>>
    %dma_start3A_308 = tpu.memref_squeeze %dma_start3A_307 : memref<1x128x64xf32, #tpu.memory_space<vmem>> -> memref<128x64xf32, #tpu.memory_space<vmem>>
    %dma_start3A_309 = arith.constant 0 : i32
    %dma_start3A_310 = tpu.memref_slice %arg8[%dma_start3A_303, %dma_start3A_309] : memref<5x128xi32, #tpu.memory_space<vmem>> -> memref<1x128xi32, #tpu.memory_space<vmem>>
    %dma_start3A_311 = tpu.memref_squeeze %dma_start3A_310 : memref<1x128xi32, #tpu.memory_space<vmem>> -> memref<128xi32, #tpu.memory_space<vmem>>
    %dma_start3A_312 = arith.constant 0 : i32
    %dma_start3A_313 = arith.constant 0 : i32
    %dma_start3A_314 = tpu.memref_slice %arg5[%dma_start3A_312, %dma_start3A_313] : memref<100000x64xf32, #tpu.memory_space<hbm>> -> memref<100000x64xf32, #tpu.memory_space<hbm>>
    tpu.enqueue_indirect_dma source(%dma_start3A_314 : memref<100000x64xf32, #tpu.memory_space<hbm>>) target(%dma_start3A_308 : memref<128x64xf32, #tpu.memory_space<vmem>>) offsets(%dma_start3A_311 : memref<128xi32, #tpu.memory_space<vmem>>) semaphore(%arg28 : memref<!tpu.dma_semaphore, #tpu.memory_space<semaphore_mem>>)
    %add3A_315 = arith.constant 3 : i32
    %add3A_316 = arith.addi %mul3A_4, %add3A_315 : i32
    %dma_wait3A_317 = arith.constant 3 : i32
    %dma_wait3A_318 = arith.constant 0 : i32
    %dma_wait3A_319 = tpu.memref_slice %arg7[%dma_wait3A_317, %dma_wait3A_318] : memref<5x128xi32, #tpu.memory_space<vmem>> -> memref<1x128xi32, #tpu.memory_space<vmem>>
    %dma_wait3A_320 = tpu.memref_squeeze %dma_wait3A_319 : memref<1x128xi32, #tpu.memory_space<vmem>> -> memref<128xi32, #tpu.memory_space<vmem>>
    %dma_wait3A_321 = arith.constant 0 : i32
    %dma_wait3A_322 = tpu.memref_slice %arg2[%add3A_316, %dma_wait3A_321] : memref<6400x128xi32, #tpu.memory_space<hbm>> -> memref<1x128xi32, #tpu.memory_space<hbm>>
    %dma_wait3A_323 = tpu.memref_squeeze %dma_wait3A_322 : memref<1x128xi32, #tpu.memory_space<hbm>> -> memref<128xi32, #tpu.memory_space<hbm>>
    %dma_wait3A_324 = arith.constant 0 : i32
    %dma_wait3A_325 = tpu.memref_slice %arg7[%dma_wait3A_317, %dma_wait3A_324] : memref<5x128xi32, #tpu.memory_space<vmem>> -> memref<1x128xi32, #tpu.memory_space<vmem>>
    %dma_wait3A_326 = tpu.memref_squeeze %dma_wait3A_325 : memref<1x128xi32, #tpu.memory_space<vmem>> -> memref<128xi32, #tpu.memory_space<vmem>>
    %dma_wait3A_327 = arith.constant 0 : i32
    %dma_wait3A_328 = tpu.memref_slice %arg2[%add3A_316, %dma_wait3A_327] : memref<6400x128xi32, #tpu.memory_space<hbm>> -> memref<1x128xi32, #tpu.memory_space<hbm>>
    %dma_wait3A_329 = tpu.memref_squeeze %dma_wait3A_328 : memref<1x128xi32, #tpu.memory_space<hbm>> -> memref<128xi32, #tpu.memory_space<hbm>>
    tpu.wait_dma2 semaphore(%arg14 : memref<!tpu.dma_semaphore, #tpu.memory_space<semaphore_mem>>) src(%dma_wait3A_329 : memref<128xi32, #tpu.memory_space<hbm>>) dst(%dma_wait3A_326 : memref<128xi32, #tpu.memory_space<vmem>>)
    %add3A_330 = arith.constant 3 : i32
    %add3A_331 = arith.addi %mul3A_4, %add3A_330 : i32
    %dma_wait3A_332 = arith.constant 3 : i32
    %dma_wait3A_333 = arith.constant 0 : i32
    %dma_wait3A_334 = tpu.memref_slice %arg8[%dma_wait3A_332, %dma_wait3A_333] : memref<5x128xi32, #tpu.memory_space<vmem>> -> memref<1x128xi32, #tpu.memory_space<vmem>>
    %dma_wait3A_335 = tpu.memref_squeeze %dma_wait3A_334 : memref<1x128xi32, #tpu.memory_space<vmem>> -> memref<128xi32, #tpu.memory_space<vmem>>
    %dma_wait3A_336 = arith.constant 0 : i32
    %dma_wait3A_337 = tpu.memref_slice %arg3[%add3A_331, %dma_wait3A_336] : memref<6400x128xi32, #tpu.memory_space<hbm>> -> memref<1x128xi32, #tpu.memory_space<hbm>>
    %dma_wait3A_338 = tpu.memref_squeeze %dma_wait3A_337 : memref<1x128xi32, #tpu.memory_space<hbm>> -> memref<128xi32, #tpu.memory_space<hbm>>
    %dma_wait3A_339 = arith.constant 0 : i32
    %dma_wait3A_340 = tpu.memref_slice %arg8[%dma_wait3A_332, %dma_wait3A_339] : memref<5x128xi32, #tpu.memory_space<vmem>> -> memref<1x128xi32, #tpu.memory_space<vmem>>
    %dma_wait3A_341 = tpu.memref_squeeze %dma_wait3A_340 : memref<1x128xi32, #tpu.memory_space<vmem>> -> memref<128xi32, #tpu.memory_space<vmem>>
    %dma_wait3A_342 = arith.constant 0 : i32
    %dma_wait3A_343 = tpu.memref_slice %arg3[%add3A_331, %dma_wait3A_342] : memref<6400x128xi32, #tpu.memory_space<hbm>> -> memref<1x128xi32, #tpu.memory_space<hbm>>
    %dma_wait3A_344 = tpu.memref_squeeze %dma_wait3A_343 : memref<1x128xi32, #tpu.memory_space<hbm>> -> memref<128xi32, #tpu.memory_space<hbm>>
    tpu.wait_dma2 semaphore(%arg19 : memref<!tpu.dma_semaphore, #tpu.memory_space<semaphore_mem>>) src(%dma_wait3A_344 : memref<128xi32, #tpu.memory_space<hbm>>) dst(%dma_wait3A_341 : memref<128xi32, #tpu.memory_space<vmem>>)
    %dma_start3A_345 = arith.constant 3 : i32
    %dma_start3A_346 = arith.constant 3 : i32
    %dma_start3A_347 = arith.constant 0 : i32
    %dma_start3A_348 = arith.constant 0 : i32
    %dma_start3A_349 = tpu.memref_slice %arg9[%dma_start3A_346, %dma_start3A_347, %dma_start3A_348] : memref<5x128x64xf32, #tpu.memory_space<vmem>> -> memref<1x128x64xf32, #tpu.memory_space<vmem>>
    %dma_start3A_350 = tpu.memref_squeeze %dma_start3A_349 : memref<1x128x64xf32, #tpu.memory_space<vmem>> -> memref<128x64xf32, #tpu.memory_space<vmem>>
    %dma_start3A_351 = arith.constant 0 : i32
    %dma_start3A_352 = tpu.memref_slice %arg7[%dma_start3A_345, %dma_start3A_351] : memref<5x128xi32, #tpu.memory_space<vmem>> -> memref<1x128xi32, #tpu.memory_space<vmem>>
    %dma_start3A_353 = tpu.memref_squeeze %dma_start3A_352 : memref<1x128xi32, #tpu.memory_space<vmem>> -> memref<128xi32, #tpu.memory_space<vmem>>
    %dma_start3A_354 = arith.constant 0 : i32
    %dma_start3A_355 = arith.constant 0 : i32
    %dma_start3A_356 = tpu.memref_slice %arg4[%dma_start3A_354, %dma_start3A_355] : memref<100000x64xf32, #tpu.memory_space<hbm>> -> memref<100000x64xf32, #tpu.memory_space<hbm>>
    tpu.enqueue_indirect_dma source(%dma_start3A_356 : memref<100000x64xf32, #tpu.memory_space<hbm>>) target(%dma_start3A_350 : memref<128x64xf32, #tpu.memory_space<vmem>>) offsets(%dma_start3A_353 : memref<128xi32, #tpu.memory_space<vmem>>) semaphore(%arg24 : memref<!tpu.dma_semaphore, #tpu.memory_space<semaphore_mem>>)
    %dma_start3A_357 = arith.constant 3 : i32
    %dma_start3A_358 = arith.constant 3 : i32
    %dma_start3A_359 = arith.constant 0 : i32
    %dma_start3A_360 = arith.constant 0 : i32
    %dma_start3A_361 = tpu.memref_slice %arg10[%dma_start3A_358, %dma_start3A_359, %dma_start3A_360] : memref<5x128x64xf32, #tpu.memory_space<vmem>> -> memref<1x128x64xf32, #tpu.memory_space<vmem>>
    %dma_start3A_362 = tpu.memref_squeeze %dma_start3A_361 : memref<1x128x64xf32, #tpu.memory_space<vmem>> -> memref<128x64xf32, #tpu.memory_space<vmem>>
    %dma_start3A_363 = arith.constant 0 : i32
    %dma_start3A_364 = tpu.memref_slice %arg8[%dma_start3A_357, %dma_start3A_363] : memref<5x128xi32, #tpu.memory_space<vmem>> -> memref<1x128xi32, #tpu.memory_space<vmem>>
    %dma_start3A_365 = tpu.memref_squeeze %dma_start3A_364 : memref<1x128xi32, #tpu.memory_space<vmem>> -> memref<128xi32, #tpu.memory_space<vmem>>
    %dma_start3A_366 = arith.constant 0 : i32
    %dma_start3A_367 = arith.constant 0 : i32
    %dma_start3A_368 = tpu.memref_slice %arg5[%dma_start3A_366, %dma_start3A_367] : memref<100000x64xf32, #tpu.memory_space<hbm>> -> memref<100000x64xf32, #tpu.memory_space<hbm>>
    tpu.enqueue_indirect_dma source(%dma_start3A_368 : memref<100000x64xf32, #tpu.memory_space<hbm>>) target(%dma_start3A_362 : memref<128x64xf32, #tpu.memory_space<vmem>>) offsets(%dma_start3A_365 : memref<128xi32, #tpu.memory_space<vmem>>) semaphore(%arg29 : memref<!tpu.dma_semaphore, #tpu.memory_space<semaphore_mem>>)
    %scan3A = arith.constant 0 : i32
    %scan3A_369 = arith.constant 40 : i32
    %scan3A_370 = arith.addi %scan3A, %scan3A_369 : i32
    %scan3A_371 = arith.constant 1 : i32
    scf.for %scan3A_448 = %scan3A to %scan3A_370 step %scan3A_371  : i32 {
      %mul3A_449 = arith.constant 5 : i32
      %mul3A_450 = arith.muli %scan3A_448, %mul3A_449 : i32
      %add3A_451 = arith.constant 0 : i32
      %add3A_452 = arith.addi %add3A_451, %mul3A_450 : i32
      %add3A_453 = arith.constant 0 : i32
      %add3A_454 = arith.addi %add3A_452, %add3A_453 : i32
      %dma_wait3A_455 = arith.constant 0 : i32
      %dma_wait3A_456 = arith.constant 0 : i32
      %dma_wait3A_457 = arith.constant 0 : i32
      %dma_wait3A_458 = arith.constant 0 : i32
      %dma_wait3A_459 = tpu.memref_slice %arg9[%dma_wait3A_456, %dma_wait3A_457, %dma_wait3A_458] : memref<5x128x64xf32, #tpu.memory_space<vmem>> -> memref<1x128x64xf32, #tpu.memory_space<vmem>>
      %dma_wait3A_460 = tpu.memref_squeeze %dma_wait3A_459 : memref<1x128x64xf32, #tpu.memory_space<vmem>> -> memref<128x64xf32, #tpu.memory_space<vmem>>
      %dma_wait3A_461 = arith.constant 0 : i32
      %dma_wait3A_462 = tpu.memref_slice %arg7[%dma_wait3A_455, %dma_wait3A_461] : memref<5x128xi32, #tpu.memory_space<vmem>> -> memref<1x128xi32, #tpu.memory_space<vmem>>
      %dma_wait3A_463 = tpu.memref_squeeze %dma_wait3A_462 : memref<1x128xi32, #tpu.memory_space<vmem>> -> memref<128xi32, #tpu.memory_space<vmem>>
      %dma_wait3A_464 = arith.constant 0 : i32
      %dma_wait3A_465 = arith.constant 0 : i32
      %dma_wait3A_466 = tpu.memref_slice %arg4[%dma_wait3A_464, %dma_wait3A_465] : memref<100000x64xf32, #tpu.memory_space<hbm>> -> memref<100000x64xf32, #tpu.memory_space<hbm>>
      tpu.wait_indirect_dma semaphore(%arg21 : memref<!tpu.dma_semaphore, #tpu.memory_space<semaphore_mem>>) src(%dma_wait3A_466 : memref<100000x64xf32, #tpu.memory_space<hbm>>) dst(%dma_wait3A_460 : memref<128x64xf32, #tpu.memory_space<vmem>>)
      %dma_wait3A_467 = arith.constant 0 : i32
      %dma_wait3A_468 = arith.constant 0 : i32
      %dma_wait3A_469 = arith.constant 0 : i32
      %dma_wait3A_470 = arith.constant 0 : i32
      %dma_wait3A_471 = tpu.memref_slice %arg10[%dma_wait3A_468, %dma_wait3A_469, %dma_wait3A_470] : memref<5x128x64xf32, #tpu.memory_space<vmem>> -> memref<1x128x64xf32, #tpu.memory_space<vmem>>
      %dma_wait3A_472 = tpu.memref_squeeze %dma_wait3A_471 : memref<1x128x64xf32, #tpu.memory_space<vmem>> -> memref<128x64xf32, #tpu.memory_space<vmem>>
      %dma_wait3A_473 = arith.constant 0 : i32
      %dma_wait3A_474 = tpu.memref_slice %arg8[%dma_wait3A_467, %dma_wait3A_473] : memref<5x128xi32, #tpu.memory_space<vmem>> -> memref<1x128xi32, #tpu.memory_space<vmem>>
      %dma_wait3A_475 = tpu.memref_squeeze %dma_wait3A_474 : memref<1x128xi32, #tpu.memory_space<vmem>> -> memref<128xi32, #tpu.memory_space<vmem>>
      %dma_wait3A_476 = arith.constant 0 : i32
      %dma_wait3A_477 = arith.constant 0 : i32
      %dma_wait3A_478 = tpu.memref_slice %arg5[%dma_wait3A_476, %dma_wait3A_477] : memref<100000x64xf32, #tpu.memory_space<hbm>> -> memref<100000x64xf32, #tpu.memory_space<hbm>>
      tpu.wait_indirect_dma semaphore(%arg26 : memref<!tpu.dma_semaphore, #tpu.memory_space<semaphore_mem>>) src(%dma_wait3A_478 : memref<100000x64xf32, #tpu.memory_space<hbm>>) dst(%dma_wait3A_472 : memref<128x64xf32, #tpu.memory_space<vmem>>)
      %add3A_479 = arith.constant 5 : i32
      %add3A_480 = arith.addi %add3A_454, %add3A_479 : i32
      %lt3A = arith.constant 200 : i32
      %lt3A_481 = arith.cmpi slt, %add3A_480, %lt3A : i32
      %convert_element_type3A = arith.extui %lt3A_481 : i1 to i32
      %cond3A = arith.constant 0 : i32
      %cond3A_482 = arith.cmpi ne, %convert_element_type3A, %cond3A : i32
      scf.if %cond3A_482 {
        %add3A_744 = arith.constant 5 : i32
        %add3A_745 = arith.addi %add3A_454, %add3A_744 : i32
        %add3A_746 = arith.addi %mul3A_4, %add3A_745 : i32
        %dma_start3A_747 = arith.constant 0 : i32
        %dma_start3A_748 = arith.constant 0 : i32
        %dma_start3A_749 = tpu.memref_slice %arg7[%dma_start3A_747, %dma_start3A_748] : memref<5x128xi32, #tpu.memory_space<vmem>> -> memref<1x128xi32, #tpu.memory_space<vmem>>
        %dma_start3A_750 = tpu.memref_squeeze %dma_start3A_749 : memref<1x128xi32, #tpu.memory_space<vmem>> -> memref<128xi32, #tpu.memory_space<vmem>>
        %dma_start3A_751 = arith.constant 0 : i32
        %dma_start3A_752 = tpu.memref_slice %arg2[%add3A_746, %dma_start3A_751] : memref<6400x128xi32, #tpu.memory_space<hbm>> -> memref<1x128xi32, #tpu.memory_space<hbm>>
        %dma_start3A_753 = tpu.memref_squeeze %dma_start3A_752 : memref<1x128xi32, #tpu.memory_space<hbm>> -> memref<128xi32, #tpu.memory_space<hbm>>
        %dma_start3A_754 = arith.constant 0 : i32
        %dma_start3A_755 = tpu.memref_slice %arg7[%dma_start3A_747, %dma_start3A_754] : memref<5x128xi32, #tpu.memory_space<vmem>> -> memref<1x128xi32, #tpu.memory_space<vmem>>
        %dma_start3A_756 = tpu.memref_squeeze %dma_start3A_755 : memref<1x128xi32, #tpu.memory_space<vmem>> -> memref<128xi32, #tpu.memory_space<vmem>>
        %dma_start3A_757 = arith.constant 0 : i32
        %dma_start3A_758 = tpu.memref_slice %arg2[%add3A_746, %dma_start3A_757] : memref<6400x128xi32, #tpu.memory_space<hbm>> -> memref<1x128xi32, #tpu.memory_space<hbm>>
        %dma_start3A_759 = tpu.memref_squeeze %dma_start3A_758 : memref<1x128xi32, #tpu.memory_space<hbm>> -> memref<128xi32, #tpu.memory_space<hbm>>
        tpu.enqueue_dma source(%dma_start3A_759 : memref<128xi32, #tpu.memory_space<hbm>>) target(%dma_start3A_756 : memref<128xi32, #tpu.memory_space<vmem>>) target_semaphore(%arg11 : memref<!tpu.dma_semaphore, #tpu.memory_space<semaphore_mem>>)
        %add3A_760 = arith.addi %mul3A_4, %add3A_745 : i32
        %dma_start3A_761 = arith.constant 0 : i32
        %dma_start3A_762 = arith.constant 0 : i32
        %dma_start3A_763 = tpu.memref_slice %arg8[%dma_start3A_761, %dma_start3A_762] : memref<5x128xi32, #tpu.memory_space<vmem>> -> memref<1x128xi32, #tpu.memory_space<vmem>>
        %dma_start3A_764 = tpu.memref_squeeze %dma_start3A_763 : memref<1x128xi32, #tpu.memory_space<vmem>> -> memref<128xi32, #tpu.memory_space<vmem>>
        %dma_start3A_765 = arith.constant 0 : i32
        %dma_start3A_766 = tpu.memref_slice %arg3[%add3A_760, %dma_start3A_765] : memref<6400x128xi32, #tpu.memory_space<hbm>> -> memref<1x128xi32, #tpu.memory_space<hbm>>
        %dma_start3A_767 = tpu.memref_squeeze %dma_start3A_766 : memref<1x128xi32, #tpu.memory_space<hbm>> -> memref<128xi32, #tpu.memory_space<hbm>>
        %dma_start3A_768 = arith.constant 0 : i32
        %dma_start3A_769 = tpu.memref_slice %arg8[%dma_start3A_761, %dma_start3A_768] : memref<5x128xi32, #tpu.memory_space<vmem>> -> memref<1x128xi32, #tpu.memory_space<vmem>>
        %dma_start3A_770 = tpu.memref_squeeze %dma_start3A_769 : memref<1x128xi32, #tpu.memory_space<vmem>> -> memref<128xi32, #tpu.memory_space<vmem>>
        %dma_start3A_771 = arith.constant 0 : i32
        %dma_start3A_772 = tpu.memref_slice %arg3[%add3A_760, %dma_start3A_771] : memref<6400x128xi32, #tpu.memory_space<hbm>> -> memref<1x128xi32, #tpu.memory_space<hbm>>
        %dma_start3A_773 = tpu.memref_squeeze %dma_start3A_772 : memref<1x128xi32, #tpu.memory_space<hbm>> -> memref<128xi32, #tpu.memory_space<hbm>>
        tpu.enqueue_dma source(%dma_start3A_773 : memref<128xi32, #tpu.memory_space<hbm>>) target(%dma_start3A_770 : memref<128xi32, #tpu.memory_space<vmem>>) target_semaphore(%arg16 : memref<!tpu.dma_semaphore, #tpu.memory_space<semaphore_mem>>)
      } else {
      }
      %parallel_loop3A = arith.constant 0 : i32
      %parallel_loop3A_483 = arith.constant 128 : i32
      %parallel_loop3A_484 = arith.constant 1 : i32
      scf.for %parallel_loop3A_744 = %parallel_loop3A to %parallel_loop3A_483 step %parallel_loop3A_484  : i32 {
        %parallel_loop3A_745 = arith.constant 0 : i32
        %parallel_loop3A_746 = arith.index_cast %parallel_loop3A_745 : i32 to index
        %parallel_loop3A_747 = arith.index_cast %parallel_loop3A_744 : i32 to index
        %parallel_loop3A_748 = arith.constant 0 : index
        %parallel_loop3A_749 = tpu.vector_load %arg9[%parallel_loop3A_746, %parallel_loop3A_747, %parallel_loop3A_748] {strides = array<i32>} : memref<5x128x64xf32, #tpu.memory_space<vmem>>, vector<1x1x16xf32>,
        %parallel_loop3A_750 = vector.shape_cast %parallel_loop3A_749 : vector<1x1x16xf32> to vector<16xf32>
        %parallel_loop3A_751 = arith.constant 0 : i32
        %parallel_loop3A_752 = arith.index_cast %parallel_loop3A_751 : i32 to index
        %parallel_loop3A_753 = arith.index_cast %parallel_loop3A_744 : i32 to index
        %parallel_loop3A_754 = arith.constant 0 : index
        %parallel_loop3A_755 = tpu.vector_load %arg10[%parallel_loop3A_752, %parallel_loop3A_753, %parallel_loop3A_754] {strides = array<i32>} : memref<5x128x64xf32, #tpu.memory_space<vmem>>, vector<1x1x16xf32>,
        %parallel_loop3A_756 = vector.shape_cast %parallel_loop3A_755 : vector<1x1x16xf32> to vector<16xf32>
        %parallel_loop3A_757 = arith.addf %parallel_loop3A_750, %parallel_loop3A_756 : vector<16xf32>
        %parallel_loop3A_758 = arith.constant 0 : i32
        %parallel_loop3A_759 = arith.index_cast %parallel_loop3A_758 : i32 to index
        %parallel_loop3A_760 = arith.index_cast %parallel_loop3A_744 : i32 to index
        %parallel_loop3A_761 = arith.constant 0 : index
        %parallel_loop3A_762 = tpu.vector_load %arg9[%parallel_loop3A_759, %parallel_loop3A_760, %parallel_loop3A_761] {strides = array<i32>} : memref<5x128x64xf32, #tpu.memory_space<vmem>>, vector<1x1x16xf32>,
        %parallel_loop3A_763 = vector.shape_cast %parallel_loop3A_762 : vector<1x1x16xf32> to vector<16xf32>
        %parallel_loop3A_764 = vector.shape_cast %parallel_loop3A_757 : vector<16xf32> to vector<1x1x16xf32>
        tpu.vector_store %arg9[%parallel_loop3A_759, %parallel_loop3A_760, %parallel_loop3A_761], %parallel_loop3A_764 {strides = array<i32>} : memref<5x128x64xf32, #tpu.memory_space<vmem>>, vector<1x1x16xf32>,
        %parallel_loop3A_765 = arith.constant 0 : i32
        %parallel_loop3A_766 = arith.index_cast %parallel_loop3A_765 : i32 to index
        %parallel_loop3A_767 = arith.index_cast %parallel_loop3A_744 : i32 to index
        %parallel_loop3A_768 = arith.constant 16 : index
        %parallel_loop3A_769 = tpu.vector_load %arg9[%parallel_loop3A_766, %parallel_loop3A_767, %parallel_loop3A_768] {strides = array<i32>} : memref<5x128x64xf32, #tpu.memory_space<vmem>>, vector<1x1x16xf32>,
        %parallel_loop3A_770 = vector.shape_cast %parallel_loop3A_769 : vector<1x1x16xf32> to vector<16xf32>
        %parallel_loop3A_771 = arith.constant 0 : i32
        %parallel_loop3A_772 = arith.index_cast %parallel_loop3A_771 : i32 to index
        %parallel_loop3A_773 = arith.index_cast %parallel_loop3A_744 : i32 to index
        %parallel_loop3A_774 = arith.constant 16 : index
        %parallel_loop3A_775 = tpu.vector_load %arg10[%parallel_loop3A_772, %parallel_loop3A_773, %parallel_loop3A_774] {strides = array<i32>} : memref<5x128x64xf32, #tpu.memory_space<vmem>>, vector<1x1x16xf32>,
        %parallel_loop3A_776 = vector.shape_cast %parallel_loop3A_775 : vector<1x1x16xf32> to vector<16xf32>
        %parallel_loop3A_777 = arith.addf %parallel_loop3A_770, %parallel_loop3A_776 : vector<16xf32>
        %parallel_loop3A_778 = arith.constant 0 : i32
        %parallel_loop3A_779 = arith.index_cast %parallel_loop3A_778 : i32 to index
        %parallel_loop3A_780 = arith.index_cast %parallel_loop3A_744 : i32 to index
        %parallel_loop3A_781 = arith.constant 16 : index
        %parallel_loop3A_782 = tpu.vector_load %arg9[%parallel_loop3A_779, %parallel_loop3A_780, %parallel_loop3A_781] {strides = array<i32>} : memref<5x128x64xf32, #tpu.memory_space<vmem>>, vector<1x1x16xf32>,
        %parallel_loop3A_783 = vector.shape_cast %parallel_loop3A_782 : vector<1x1x16xf32> to vector<16xf32>
        %parallel_loop3A_784 = vector.shape_cast %parallel_loop3A_777 : vector<16xf32> to vector<1x1x16xf32>
        tpu.vector_store %arg9[%parallel_loop3A_779, %parallel_loop3A_780, %parallel_loop3A_781], %parallel_loop3A_784 {strides = array<i32>} : memref<5x128x64xf32, #tpu.memory_space<vmem>>, vector<1x1x16xf32>,
        %parallel_loop3A_785 = arith.constant 0 : i32
        %parallel_loop3A_786 = arith.index_cast %parallel_loop3A_785 : i32 to index
        %parallel_loop3A_787 = arith.index_cast %parallel_loop3A_744 : i32 to index
        %parallel_loop3A_788 = arith.constant 32 : index
        %parallel_loop3A_789 = tpu.vector_load %arg9[%parallel_loop3A_786, %parallel_loop3A_787, %parallel_loop3A_788] {strides = array<i32>} : memref<5x128x64xf32, #tpu.memory_space<vmem>>, vector<1x1x16xf32>,
        %parallel_loop3A_790 = vector.shape_cast %parallel_loop3A_789 : vector<1x1x16xf32> to vector<16xf32>
        %parallel_loop3A_791 = arith.constant 0 : i32
        %parallel_loop3A_792 = arith.index_cast %parallel_loop3A_791 : i32 to index
        %parallel_loop3A_793 = arith.index_cast %parallel_loop3A_744 : i32 to index
        %parallel_loop3A_794 = arith.constant 32 : index
        %parallel_loop3A_795 = tpu.vector_load %arg10[%parallel_loop3A_792, %parallel_loop3A_793, %parallel_loop3A_794] {strides = array<i32>} : memref<5x128x64xf32, #tpu.memory_space<vmem>>, vector<1x1x16xf32>,
        %parallel_loop3A_796 = vector.shape_cast %parallel_loop3A_795 : vector<1x1x16xf32> to vector<16xf32>
        %parallel_loop3A_797 = arith.addf %parallel_loop3A_790, %parallel_loop3A_796 : vector<16xf32>
        %parallel_loop3A_798 = arith.constant 0 : i32
        %parallel_loop3A_799 = arith.index_cast %parallel_loop3A_798 : i32 to index
        %parallel_loop3A_800 = arith.index_cast %parallel_loop3A_744 : i32 to index
        %parallel_loop3A_801 = arith.constant 32 : index
        %parallel_loop3A_802 = tpu.vector_load %arg9[%parallel_loop3A_799, %parallel_loop3A_800, %parallel_loop3A_801] {strides = array<i32>} : memref<5x128x64xf32, #tpu.memory_space<vmem>>, vector<1x1x16xf32>,
        %parallel_loop3A_803 = vector.shape_cast %parallel_loop3A_802 : vector<1x1x16xf32> to vector<16xf32>
        %parallel_loop3A_804 = vector.shape_cast %parallel_loop3A_797 : vector<16xf32> to vector<1x1x16xf32>
        tpu.vector_store %arg9[%parallel_loop3A_799, %parallel_loop3A_800, %parallel_loop3A_801], %parallel_loop3A_804 {strides = array<i32>} : memref<5x128x64xf32, #tpu.memory_space<vmem>>, vector<1x1x16xf32>,
        %parallel_loop3A_805 = arith.constant 0 : i32
        %parallel_loop3A_806 = arith.index_cast %parallel_loop3A_805 : i32 to index
        %parallel_loop3A_807 = arith.index_cast %parallel_loop3A_744 : i32 to index
        %parallel_loop3A_808 = arith.constant 48 : index
        %parallel_loop3A_809 = tpu.vector_load %arg9[%parallel_loop3A_806, %parallel_loop3A_807, %parallel_loop3A_808] {strides = array<i32>} : memref<5x128x64xf32, #tpu.memory_space<vmem>>, vector<1x1x16xf32>,
        %parallel_loop3A_810 = vector.shape_cast %parallel_loop3A_809 : vector<1x1x16xf32> to vector<16xf32>
        %parallel_loop3A_811 = arith.constant 0 : i32
        %parallel_loop3A_812 = arith.index_cast %parallel_loop3A_811 : i32 to index
        %parallel_loop3A_813 = arith.index_cast %parallel_loop3A_744 : i32 to index
        %parallel_loop3A_814 = arith.constant 48 : index
        %parallel_loop3A_815 = tpu.vector_load %arg10[%parallel_loop3A_812, %parallel_loop3A_813, %parallel_loop3A_814] {strides = array<i32>} : memref<5x128x64xf32, #tpu.memory_space<vmem>>, vector<1x1x16xf32>,
        %parallel_loop3A_816 = vector.shape_cast %parallel_loop3A_815 : vector<1x1x16xf32> to vector<16xf32>
        %parallel_loop3A_817 = arith.addf %parallel_loop3A_810, %parallel_loop3A_816 : vector<16xf32>
        %parallel_loop3A_818 = arith.constant 0 : i32
        %parallel_loop3A_819 = arith.index_cast %parallel_loop3A_818 : i32 to index
        %parallel_loop3A_820 = arith.index_cast %parallel_loop3A_744 : i32 to index
        %parallel_loop3A_821 = arith.constant 48 : index
        %parallel_loop3A_822 = tpu.vector_load %arg9[%parallel_loop3A_819, %parallel_loop3A_820, %parallel_loop3A_821] {strides = array<i32>} : memref<5x128x64xf32, #tpu.memory_space<vmem>>, vector<1x1x16xf32>,
        %parallel_loop3A_823 = vector.shape_cast %parallel_loop3A_822 : vector<1x1x16xf32> to vector<16xf32>
        %parallel_loop3A_824 = vector.shape_cast %parallel_loop3A_817 : vector<16xf32> to vector<1x1x16xf32>
        tpu.vector_store %arg9[%parallel_loop3A_819, %parallel_loop3A_820, %parallel_loop3A_821], %parallel_loop3A_824 {strides = array<i32>} : memref<5x128x64xf32, #tpu.memory_space<vmem>>, vector<1x1x16xf32>,
      } {sc.loop_unroll_factor = 4 : i64, sc.parallel_access}
      %add3A_485 = arith.constant 4 : i32
      %add3A_486 = arith.addi %add3A_454, %add3A_485 : i32
      %lt3A_487 = arith.constant 200 : i32
      %lt3A_488 = arith.cmpi slt, %add3A_486, %lt3A_487 : i32
      %convert_element_type3A_489 = arith.extui %lt3A_488 : i1 to i32
      %cond3A_490 = arith.constant 0 : i32
      %cond3A_491 = arith.cmpi ne, %convert_element_type3A_489, %cond3A_490 : i32
      scf.if %cond3A_491 {
        %add3A_744 = arith.constant 4 : i32
        %add3A_745 = arith.addi %add3A_454, %add3A_744 : i32
        %ge3A = arith.constant 5 : i32
        %ge3A_746 = arith.cmpi sge, %add3A_745, %ge3A : i32
        %convert_element_type3A_747 = arith.extui %ge3A_746 : i1 to i32
        %cond3A_748 = arith.constant 0 : i32
        %cond3A_749 = arith.cmpi ne, %convert_element_type3A_747, %cond3A_748 : i32
        scf.if %cond3A_749 {
          %add3A_806 = arith.constant 4 : i32
          %add3A_807 = arith.addi %add3A_454, %add3A_806 : i32
          %sub3A = arith.constant 5 : i32
          %sub3A_808 = arith.subi %add3A_807, %sub3A : i32
          %mul3A_809 = arith.constant 128 : i32
          %mul3A_810 = arith.muli %sub3A_808, %mul3A_809 : i32
          %add3A_811 = arith.addi %mul3A_2, %mul3A_810 : i32
          %dma_wait3A_812 = arith.constant 4 : i32
          %dma_wait3A_813 = arith.constant 0 : i32
          %dma_wait3A_814 = arith.constant 0 : i32
          %dma_wait3A_815 = tpu.memref_slice %arg9[%dma_wait3A_812, %dma_wait3A_813, %dma_wait3A_814] : memref<5x128x64xf32, #tpu.memory_space<vmem>> -> memref<1x128x64xf32, #tpu.memory_space<vmem>>
          %dma_wait3A_816 = tpu.memref_squeeze %dma_wait3A_815 : memref<1x128x64xf32, #tpu.memory_space<vmem>> -> memref<128x64xf32, #tpu.memory_space<vmem>>
          %dma_wait3A_817 = arith.constant 0 : i32
          %dma_wait3A_818 = tpu.memref_slice %arg6[%add3A_811, %dma_wait3A_817] : memref<819200x64xf32, #tpu.memory_space<hbm>> -> memref<128x64xf32, #tpu.memory_space<hbm>>
          %dma_wait3A_819 = arith.constant 0 : i32
          %dma_wait3A_820 = tpu.memref_slice %arg6[%add3A_811, %dma_wait3A_819] : memref<819200x64xf32, #tpu.memory_space<hbm>> -> memref<128x64xf32, #tpu.memory_space<hbm>>
          %dma_wait3A_821 = arith.constant 0 : i32
          %dma_wait3A_822 = arith.constant 0 : i32
          %dma_wait3A_823 = tpu.memref_slice %arg9[%dma_wait3A_812, %dma_wait3A_821, %dma_wait3A_822] : memref<5x128x64xf32, #tpu.memory_space<vmem>> -> memref<1x128x64xf32, #tpu.memory_space<vmem>>
          %dma_wait3A_824 = tpu.memref_squeeze %dma_wait3A_823 : memref<1x128x64xf32, #tpu.memory_space<vmem>> -> memref<128x64xf32, #tpu.memory_space<vmem>>
          tpu.wait_dma2 semaphore(%arg35 : memref<!tpu.dma_semaphore, #tpu.memory_space<semaphore_mem>>) src(%dma_wait3A_824 : memref<128x64xf32, #tpu.memory_space<vmem>>) dst(%dma_wait3A_820 : memref<128x64xf32, #tpu.memory_space<hbm>>)
        } else {
        }
        %add3A_750 = arith.constant 4 : i32
        %add3A_751 = arith.addi %add3A_454, %add3A_750 : i32
        %add3A_752 = arith.addi %mul3A_4, %add3A_751 : i32
        %dma_wait3A_753 = arith.constant 4 : i32
        %dma_wait3A_754 = arith.constant 0 : i32
        %dma_wait3A_755 = tpu.memref_slice %arg7[%dma_wait3A_753, %dma_wait3A_754] : memref<5x128xi32, #tpu.memory_space<vmem>> -> memref<1x128xi32, #tpu.memory_space<vmem>>
        %dma_wait3A_756 = tpu.memref_squeeze %dma_wait3A_755 : memref<1x128xi32, #tpu.memory_space<vmem>> -> memref<128xi32, #tpu.memory_space<vmem>>
        %dma_wait3A_757 = arith.constant 0 : i32
        %dma_wait3A_758 = tpu.memref_slice %arg2[%add3A_752, %dma_wait3A_757] : memref<6400x128xi32, #tpu.memory_space<hbm>> -> memref<1x128xi32, #tpu.memory_space<hbm>>
        %dma_wait3A_759 = tpu.memref_squeeze %dma_wait3A_758 : memref<1x128xi32, #tpu.memory_space<hbm>> -> memref<128xi32, #tpu.memory_space<hbm>>
        %dma_wait3A_760 = arith.constant 0 : i32
        %dma_wait3A_761 = tpu.memref_slice %arg7[%dma_wait3A_753, %dma_wait3A_760] : memref<5x128xi32, #tpu.memory_space<vmem>> -> memref<1x128xi32, #tpu.memory_space<vmem>>
        %dma_wait3A_762 = tpu.memref_squeeze %dma_wait3A_761 : memref<1x128xi32, #tpu.memory_space<vmem>> -> memref<128xi32, #tpu.memory_space<vmem>>
        %dma_wait3A_763 = arith.constant 0 : i32
        %dma_wait3A_764 = tpu.memref_slice %arg2[%add3A_752, %dma_wait3A_763] : memref<6400x128xi32, #tpu.memory_space<hbm>> -> memref<1x128xi32, #tpu.memory_space<hbm>>
        %dma_wait3A_765 = tpu.memref_squeeze %dma_wait3A_764 : memref<1x128xi32, #tpu.memory_space<hbm>> -> memref<128xi32, #tpu.memory_space<hbm>>
        tpu.wait_dma2 semaphore(%arg15 : memref<!tpu.dma_semaphore, #tpu.memory_space<semaphore_mem>>) src(%dma_wait3A_765 : memref<128xi32, #tpu.memory_space<hbm>>) dst(%dma_wait3A_762 : memref<128xi32, #tpu.memory_space<vmem>>)
        %add3A_766 = arith.addi %mul3A_4, %add3A_751 : i32
        %dma_wait3A_767 = arith.constant 4 : i32
        %dma_wait3A_768 = arith.constant 0 : i32
        %dma_wait3A_769 = tpu.memref_slice %arg8[%dma_wait3A_767, %dma_wait3A_768] : memref<5x128xi32, #tpu.memory_space<vmem>> -> memref<1x128xi32, #tpu.memory_space<vmem>>
        %dma_wait3A_770 = tpu.memref_squeeze %dma_wait3A_769 : memref<1x128xi32, #tpu.memory_space<vmem>> -> memref<128xi32, #tpu.memory_space<vmem>>
        %dma_wait3A_771 = arith.constant 0 : i32
        %dma_wait3A_772 = tpu.memref_slice %arg3[%add3A_766, %dma_wait3A_771] : memref<6400x128xi32, #tpu.memory_space<hbm>> -> memref<1x128xi32, #tpu.memory_space<hbm>>
        %dma_wait3A_773 = tpu.memref_squeeze %dma_wait3A_772 : memref<1x128xi32, #tpu.memory_space<hbm>> -> memref<128xi32, #tpu.memory_space<hbm>>
        %dma_wait3A_774 = arith.constant 0 : i32
        %dma_wait3A_775 = tpu.memref_slice %arg8[%dma_wait3A_767, %dma_wait3A_774] : memref<5x128xi32, #tpu.memory_space<vmem>> -> memref<1x128xi32, #tpu.memory_space<vmem>>
        %dma_wait3A_776 = tpu.memref_squeeze %dma_wait3A_775 : memref<1x128xi32, #tpu.memory_space<vmem>> -> memref<128xi32, #tpu.memory_space<vmem>>
        %dma_wait3A_777 = arith.constant 0 : i32
        %dma_wait3A_778 = tpu.memref_slice %arg3[%add3A_766, %dma_wait3A_777] : memref<6400x128xi32, #tpu.memory_space<hbm>> -> memref<1x128xi32, #tpu.memory_space<hbm>>
        %dma_wait3A_779 = tpu.memref_squeeze %dma_wait3A_778 : memref<1x128xi32, #tpu.memory_space<hbm>> -> memref<128xi32, #tpu.memory_space<hbm>>
        tpu.wait_dma2 semaphore(%arg20 : memref<!tpu.dma_semaphore, #tpu.memory_space<semaphore_mem>>) src(%dma_wait3A_779 : memref<128xi32, #tpu.memory_space<hbm>>) dst(%dma_wait3A_776 : memref<128xi32, #tpu.memory_space<vmem>>)
        %add3A_780 = arith.constant 4 : i32
        %add3A_781 = arith.addi %add3A_454, %add3A_780 : i32
        %dma_start3A_782 = arith.constant 4 : i32
        %dma_start3A_783 = arith.constant 4 : i32
        %dma_start3A_784 = arith.constant 0 : i32
        %dma_start3A_785 = arith.constant 0 : i32
        %dma_start3A_786 = tpu.memref_slice %arg9[%dma_start3A_783, %dma_start3A_784, %dma_start3A_785] : memref<5x128x64xf32, #tpu.memory_space<vmem>> -> memref<1x128x64xf32, #tpu.memory_space<vmem>>
        %dma_start3A_787 = tpu.memref_squeeze %dma_start3A_786 : memref<1x128x64xf32, #tpu.memory_space<vmem>> -> memref<128x64xf32, #tpu.memory_space<vmem>>
        %dma_start3A_788 = arith.constant 0 : i32
        %dma_start3A_789 = tpu.memref_slice %arg7[%dma_start3A_782, %dma_start3A_788] : memref<5x128xi32, #tpu.memory_space<vmem>> -> memref<1x128xi32, #tpu.memory_space<vmem>>
        %dma_start3A_790 = tpu.memref_squeeze %dma_start3A_789 : memref<1x128xi32, #tpu.memory_space<vmem>> -> memref<128xi32, #tpu.memory_space<vmem>>
        %dma_start3A_791 = arith.constant 0 : i32
        %dma_start3A_792 = arith.constant 0 : i32
        %dma_start3A_793 = tpu.memref_slice %arg4[%dma_start3A_791, %dma_start3A_792] : memref<100000x64xf32, #tpu.memory_space<hbm>> -> memref<100000x64xf32, #tpu.memory_space<hbm>>
        tpu.enqueue_indirect_dma source(%dma_start3A_793 : memref<100000x64xf32, #tpu.memory_space<hbm>>) target(%dma_start3A_787 : memref<128x64xf32, #tpu.memory_space<vmem>>) offsets(%dma_start3A_790 : memref<128xi32, #tpu.memory_space<vmem>>) semaphore(%arg25 : memref<!tpu.dma_semaphore, #tpu.memory_space<semaphore_mem>>)
        %dma_start3A_794 = arith.constant 4 : i32
        %dma_start3A_795 = arith.constant 4 : i32
        %dma_start3A_796 = arith.constant 0 : i32
        %dma_start3A_797 = arith.constant 0 : i32
        %dma_start3A_798 = tpu.memref_slice %arg10[%dma_start3A_795, %dma_start3A_796, %dma_start3A_797] : memref<5x128x64xf32, #tpu.memory_space<vmem>> -> memref<1x128x64xf32, #tpu.memory_space<vmem>>
        %dma_start3A_799 = tpu.memref_squeeze %dma_start3A_798 : memref<1x128x64xf32, #tpu.memory_space<vmem>> -> memref<128x64xf32, #tpu.memory_space<vmem>>
        %dma_start3A_800 = arith.constant 0 : i32
        %dma_start3A_801 = tpu.memref_slice %arg8[%dma_start3A_794, %dma_start3A_800] : memref<5x128xi32, #tpu.memory_space<vmem>> -> memref<1x128xi32, #tpu.memory_space<vmem>>
        %dma_start3A_802 = tpu.memref_squeeze %dma_start3A_801 : memref<1x128xi32, #tpu.memory_space<vmem>> -> memref<128xi32, #tpu.memory_space<vmem>>
        %dma_start3A_803 = arith.constant 0 : i32
        %dma_start3A_804 = arith.constant 0 : i32
        %dma_start3A_805 = tpu.memref_slice %arg5[%dma_start3A_803, %dma_start3A_804] : memref<100000x64xf32, #tpu.memory_space<hbm>> -> memref<100000x64xf32, #tpu.memory_space<hbm>>
        tpu.enqueue_indirect_dma source(%dma_start3A_805 : memref<100000x64xf32, #tpu.memory_space<hbm>>) target(%dma_start3A_799 : memref<128x64xf32, #tpu.memory_space<vmem>>) offsets(%dma_start3A_802 : memref<128xi32, #tpu.memory_space<vmem>>) semaphore(%arg30 : memref<!tpu.dma_semaphore, #tpu.memory_space<semaphore_mem>>)
      } else {
      }
      %mul3A_492 = arith.constant 128 : i32
      %mul3A_493 = arith.muli %add3A_454, %mul3A_492 : i32
      %add3A_494 = arith.addi %mul3A_2, %mul3A_493 : i32
      %dma_start3A_495 = arith.constant 0 : i32
      %dma_start3A_496 = arith.constant 0 : i32
      %dma_start3A_497 = arith.constant 0 : i32
      %dma_start3A_498 = tpu.memref_slice %arg9[%dma_start3A_495, %dma_start3A_496, %dma_start3A_497] : memref<5x128x64xf32, #tpu.memory_space<vmem>> -> memref<1x128x64xf32, #tpu.memory_space<vmem>>
      %dma_start3A_499 = tpu.memref_squeeze %dma_start3A_498 : memref<1x128x64xf32, #tpu.memory_space<vmem>> -> memref<128x64xf32, #tpu.memory_space<vmem>>
      %dma_start3A_500 = arith.constant 0 : i32
      %dma_start3A_501 = tpu.memref_slice %arg6[%add3A_494, %dma_start3A_500] : memref<819200x64xf32, #tpu.memory_space<hbm>> -> memref<128x64xf32, #tpu.memory_space<hbm>>
      %dma_start3A_502 = arith.constant 0 : i32
      %dma_start3A_503 = tpu.memref_slice %arg6[%add3A_494, %dma_start3A_502] : memref<819200x64xf32, #tpu.memory_space<hbm>> -> memref<128x64xf32, #tpu.memory_space<hbm>>
      %dma_start3A_504 = arith.constant 0 : i32
      %dma_start3A_505 = arith.constant 0 : i32
      %dma_start3A_506 = tpu.memref_slice %arg9[%dma_start3A_495, %dma_start3A_504, %dma_start3A_505] : memref<5x128x64xf32, #tpu.memory_space<vmem>> -> memref<1x128x64xf32, #tpu.memory_space<vmem>>
      %dma_start3A_507 = tpu.memref_squeeze %dma_start3A_506 : memref<1x128x64xf32, #tpu.memory_space<vmem>> -> memref<128x64xf32, #tpu.memory_space<vmem>>
      tpu.enqueue_dma source(%dma_start3A_507 : memref<128x64xf32, #tpu.memory_space<vmem>>) target(%dma_start3A_503 : memref<128x64xf32, #tpu.memory_space<hbm>>) target_semaphore(%arg31 : memref<!tpu.dma_semaphore, #tpu.memory_space<semaphore_mem>>)
      %add3A_508 = arith.constant 1 : i32
      %add3A_509 = arith.addi %add3A_452, %add3A_508 : i32
      %dma_wait3A_510 = arith.constant 1 : i32
      %dma_wait3A_511 = arith.constant 1 : i32
      %dma_wait3A_512 = arith.constant 0 : i32
      %dma_wait3A_513 = arith.constant 0 : i32
      %dma_wait3A_514 = tpu.memref_slice %arg9[%dma_wait3A_511, %dma_wait3A_512, %dma_wait3A_513] : memref<5x128x64xf32, #tpu.memory_space<vmem>> -> memref<1x128x64xf32, #tpu.memory_space<vmem>>
      %dma_wait3A_515 = tpu.memref_squeeze %dma_wait3A_514 : memref<1x128x64xf32, #tpu.memory_space<vmem>> -> memref<128x64xf32, #tpu.memory_space<vmem>>
      %dma_wait3A_516 = arith.constant 0 : i32
      %dma_wait3A_517 = tpu.memref_slice %arg7[%dma_wait3A_510, %dma_wait3A_516] : memref<5x128xi32, #tpu.memory_space<vmem>> -> memref<1x128xi32, #tpu.memory_space<vmem>>
      %dma_wait3A_518 = tpu.memref_squeeze %dma_wait3A_517 : memref<1x128xi32, #tpu.memory_space<vmem>> -> memref<128xi32, #tpu.memory_space<vmem>>
      %dma_wait3A_519 = arith.constant 0 : i32
      %dma_wait3A_520 = arith.constant 0 : i32
      %dma_wait3A_521 = tpu.memref_slice %arg4[%dma_wait3A_519, %dma_wait3A_520] : memref<100000x64xf32, #tpu.memory_space<hbm>> -> memref<100000x64xf32, #tpu.memory_space<hbm>>
      tpu.wait_indirect_dma semaphore(%arg22 : memref<!tpu.dma_semaphore, #tpu.memory_space<semaphore_mem>>) src(%dma_wait3A_521 : memref<100000x64xf32, #tpu.memory_space<hbm>>) dst(%dma_wait3A_515 : memref<128x64xf32, #tpu.memory_space<vmem>>)
      %dma_wait3A_522 = arith.constant 1 : i32
      %dma_wait3A_523 = arith.constant 1 : i32
      %dma_wait3A_524 = arith.constant 0 : i32
      %dma_wait3A_525 = arith.constant 0 : i32
      %dma_wait3A_526 = tpu.memref_slice %arg10[%dma_wait3A_523, %dma_wait3A_524, %dma_wait3A_525] : memref<5x128x64xf32, #tpu.memory_space<vmem>> -> memref<1x128x64xf32, #tpu.memory_space<vmem>>
      %dma_wait3A_527 = tpu.memref_squeeze %dma_wait3A_526 : memref<1x128x64xf32, #tpu.memory_space<vmem>> -> memref<128x64xf32, #tpu.memory_space<vmem>>
      %dma_wait3A_528 = arith.constant 0 : i32
      %dma_wait3A_529 = tpu.memref_slice %arg8[%dma_wait3A_522, %dma_wait3A_528] : memref<5x128xi32, #tpu.memory_space<vmem>> -> memref<1x128xi32, #tpu.memory_space<vmem>>
      %dma_wait3A_530 = tpu.memref_squeeze %dma_wait3A_529 : memref<1x128xi32, #tpu.memory_space<vmem>> -> memref<128xi32, #tpu.memory_space<vmem>>
      %dma_wait3A_531 = arith.constant 0 : i32
      %dma_wait3A_532 = arith.constant 0 : i32
      %dma_wait3A_533 = tpu.memref_slice %arg5[%dma_wait3A_531, %dma_wait3A_532] : memref<100000x64xf32, #tpu.memory_space<hbm>> -> memref<100000x64xf32, #tpu.memory_space<hbm>>
      tpu.wait_indirect_dma semaphore(%arg27 : memref<!tpu.dma_semaphore, #tpu.memory_space<semaphore_mem>>) src(%dma_wait3A_533 : memref<100000x64xf32, #tpu.memory_space<hbm>>) dst(%dma_wait3A_527 : memref<128x64xf32, #tpu.memory_space<vmem>>)
      %add3A_534 = arith.constant 5 : i32
      %add3A_535 = arith.addi %add3A_509, %add3A_534 : i32
      %lt3A_536 = arith.constant 200 : i32
      %lt3A_537 = arith.cmpi slt, %add3A_535, %lt3A_536 : i32
      %convert_element_type3A_538 = arith.extui %lt3A_537 : i1 to i32
      %cond3A_539 = arith.constant 0 : i32
      %cond3A_540 = arith.cmpi ne, %convert_element_type3A_538, %cond3A_539 : i32
      scf.if %cond3A_540 {
        %add3A_744 = arith.constant 5 : i32
        %add3A_745 = arith.addi %add3A_509, %add3A_744 : i32
        %add3A_746 = arith.addi %mul3A_4, %add3A_745 : i32
        %dma_start3A_747 = arith.constant 1 : i32
        %dma_start3A_748 = arith.constant 0 : i32
        %dma_start3A_749 = tpu.memref_slice %arg7[%dma_start3A_747, %dma_start3A_748] : memref<5x128xi32, #tpu.memory_space<vmem>> -> memref<1x128xi32, #tpu.memory_space<vmem>>
        %dma_start3A_750 = tpu.memref_squeeze %dma_start3A_749 : memref<1x128xi32, #tpu.memory_space<vmem>> -> memref<128xi32, #tpu.memory_space<vmem>>
        %dma_start3A_751 = arith.constant 0 : i32
        %dma_start3A_752 = tpu.memref_slice %arg2[%add3A_746, %dma_start3A_751] : memref<6400x128xi32, #tpu.memory_space<hbm>> -> memref<1x128xi32, #tpu.memory_space<hbm>>
        %dma_start3A_753 = tpu.memref_squeeze %dma_start3A_752 : memref<1x128xi32, #tpu.memory_space<hbm>> -> memref<128xi32, #tpu.memory_space<hbm>>
        %dma_start3A_754 = arith.constant 0 : i32
        %dma_start3A_755 = tpu.memref_slice %arg7[%dma_start3A_747, %dma_start3A_754] : memref<5x128xi32, #tpu.memory_space<vmem>> -> memref<1x128xi32, #tpu.memory_space<vmem>>
        %dma_start3A_756 = tpu.memref_squeeze %dma_start3A_755 : memref<1x128xi32, #tpu.memory_space<vmem>> -> memref<128xi32, #tpu.memory_space<vmem>>
        %dma_start3A_757 = arith.constant 0 : i32
        %dma_start3A_758 = tpu.memref_slice %arg2[%add3A_746, %dma_start3A_757] : memref<6400x128xi32, #tpu.memory_space<hbm>> -> memref<1x128xi32, #tpu.memory_space<hbm>>
        %dma_start3A_759 = tpu.memref_squeeze %dma_start3A_758 : memref<1x128xi32, #tpu.memory_space<hbm>> -> memref<128xi32, #tpu.memory_space<hbm>>
        tpu.enqueue_dma source(%dma_start3A_759 : memref<128xi32, #tpu.memory_space<hbm>>) target(%dma_start3A_756 : memref<128xi32, #tpu.memory_space<vmem>>) target_semaphore(%arg12 : memref<!tpu.dma_semaphore, #tpu.memory_space<semaphore_mem>>)
        %add3A_760 = arith.addi %mul3A_4, %add3A_745 : i32
        %dma_start3A_761 = arith.constant 1 : i32
        %dma_start3A_762 = arith.constant 0 : i32
        %dma_start3A_763 = tpu.memref_slice %arg8[%dma_start3A_761, %dma_start3A_762] : memref<5x128xi32, #tpu.memory_space<vmem>> -> memref<1x128xi32, #tpu.memory_space<vmem>>
        %dma_start3A_764 = tpu.memref_squeeze %dma_start3A_763 : memref<1x128xi32, #tpu.memory_space<vmem>> -> memref<128xi32, #tpu.memory_space<vmem>>
        %dma_start3A_765 = arith.constant 0 : i32
        %dma_start3A_766 = tpu.memref_slice %arg3[%add3A_760, %dma_start3A_765] : memref<6400x128xi32, #tpu.memory_space<hbm>> -> memref<1x128xi32, #tpu.memory_space<hbm>>
        %dma_start3A_767 = tpu.memref_squeeze %dma_start3A_766 : memref<1x128xi32, #tpu.memory_space<hbm>> -> memref<128xi32, #tpu.memory_space<hbm>>
        %dma_start3A_768 = arith.constant 0 : i32
        %dma_start3A_769 = tpu.memref_slice %arg8[%dma_start3A_761, %dma_start3A_768] : memref<5x128xi32, #tpu.memory_space<vmem>> -> memref<1x128xi32, #tpu.memory_space<vmem>>
        %dma_start3A_770 = tpu.memref_squeeze %dma_start3A_769 : memref<1x128xi32, #tpu.memory_space<vmem>> -> memref<128xi32, #tpu.memory_space<vmem>>
        %dma_start3A_771 = arith.constant 0 : i32
        %dma_start3A_772 = tpu.memref_slice %arg3[%add3A_760, %dma_start3A_771] : memref<6400x128xi32, #tpu.memory_space<hbm>> -> memref<1x128xi32, #tpu.memory_space<hbm>>
        %dma_start3A_773 = tpu.memref_squeeze %dma_start3A_772 : memref<1x128xi32, #tpu.memory_space<hbm>> -> memref<128xi32, #tpu.memory_space<hbm>>
        tpu.enqueue_dma source(%dma_start3A_773 : memref<128xi32, #tpu.memory_space<hbm>>) target(%dma_start3A_770 : memref<128xi32, #tpu.memory_space<vmem>>) target_semaphore(%arg17 : memref<!tpu.dma_semaphore, #tpu.memory_space<semaphore_mem>>)
      } else {
      }
      %parallel_loop3A_541 = arith.constant 0 : i32
      %parallel_loop3A_542 = arith.constant 128 : i32
      %parallel_loop3A_543 = arith.constant 1 : i32
      scf.for %parallel_loop3A_744 = %parallel_loop3A_541 to %parallel_loop3A_542 step %parallel_loop3A_543  : i32 {
        %parallel_loop3A_745 = arith.constant 1 : i32
        %parallel_loop3A_746 = arith.index_cast %parallel_loop3A_745 : i32 to index
        %parallel_loop3A_747 = arith.index_cast %parallel_loop3A_744 : i32 to index
        %parallel_loop3A_748 = arith.constant 0 : index
        %parallel_loop3A_749 = tpu.vector_load %arg9[%parallel_loop3A_746, %parallel_loop3A_747, %parallel_loop3A_748] {strides = array<i32>} : memref<5x128x64xf32, #tpu.memory_space<vmem>>, vector<1x1x16xf32>,
        %parallel_loop3A_750 = vector.shape_cast %parallel_loop3A_749 : vector<1x1x16xf32> to vector<16xf32>
        %parallel_loop3A_751 = arith.constant 1 : i32
        %parallel_loop3A_752 = arith.index_cast %parallel_loop3A_751 : i32 to index
        %parallel_loop3A_753 = arith.index_cast %parallel_loop3A_744 : i32 to index
        %parallel_loop3A_754 = arith.constant 0 : index
        %parallel_loop3A_755 = tpu.vector_load %arg10[%parallel_loop3A_752, %parallel_loop3A_753, %parallel_loop3A_754] {strides = array<i32>} : memref<5x128x64xf32, #tpu.memory_space<vmem>>, vector<1x1x16xf32>,
        %parallel_loop3A_756 = vector.shape_cast %parallel_loop3A_755 : vector<1x1x16xf32> to vector<16xf32>
        %parallel_loop3A_757 = arith.addf %parallel_loop3A_750, %parallel_loop3A_756 : vector<16xf32>
        %parallel_loop3A_758 = arith.constant 1 : i32
        %parallel_loop3A_759 = arith.index_cast %parallel_loop3A_758 : i32 to index
        %parallel_loop3A_760 = arith.index_cast %parallel_loop3A_744 : i32 to index
        %parallel_loop3A_761 = arith.constant 0 : index
        %parallel_loop3A_762 = tpu.vector_load %arg9[%parallel_loop3A_759, %parallel_loop3A_760, %parallel_loop3A_761] {strides = array<i32>} : memref<5x128x64xf32, #tpu.memory_space<vmem>>, vector<1x1x16xf32>,
        %parallel_loop3A_763 = vector.shape_cast %parallel_loop3A_762 : vector<1x1x16xf32> to vector<16xf32>
        %parallel_loop3A_764 = vector.shape_cast %parallel_loop3A_757 : vector<16xf32> to vector<1x1x16xf32>
        tpu.vector_store %arg9[%parallel_loop3A_759, %parallel_loop3A_760, %parallel_loop3A_761], %parallel_loop3A_764 {strides = array<i32>} : memref<5x128x64xf32, #tpu.memory_space<vmem>>, vector<1x1x16xf32>,
        %parallel_loop3A_765 = arith.constant 1 : i32
        %parallel_loop3A_766 = arith.index_cast %parallel_loop3A_765 : i32 to index
        %parallel_loop3A_767 = arith.index_cast %parallel_loop3A_744 : i32 to index
        %parallel_loop3A_768 = arith.constant 16 : index
        %parallel_loop3A_769 = tpu.vector_load %arg9[%parallel_loop3A_766, %parallel_loop3A_767, %parallel_loop3A_768] {strides = array<i32>} : memref<5x128x64xf32, #tpu.memory_space<vmem>>, vector<1x1x16xf32>,
        %parallel_loop3A_770 = vector.shape_cast %parallel_loop3A_769 : vector<1x1x16xf32> to vector<16xf32>
        %parallel_loop3A_771 = arith.constant 1 : i32
        %parallel_loop3A_772 = arith.index_cast %parallel_loop3A_771 : i32 to index
        %parallel_loop3A_773 = arith.index_cast %parallel_loop3A_744 : i32 to index
        %parallel_loop3A_774 = arith.constant 16 : index
        %parallel_loop3A_775 = tpu.vector_load %arg10[%parallel_loop3A_772, %parallel_loop3A_773, %parallel_loop3A_774] {strides = array<i32>} : memref<5x128x64xf32, #tpu.memory_space<vmem>>, vector<1x1x16xf32>,
        %parallel_loop3A_776 = vector.shape_cast %parallel_loop3A_775 : vector<1x1x16xf32> to vector<16xf32>
        %parallel_loop3A_777 = arith.addf %parallel_loop3A_770, %parallel_loop3A_776 : vector<16xf32>
        %parallel_loop3A_778 = arith.constant 1 : i32
        %parallel_loop3A_779 = arith.index_cast %parallel_loop3A_778 : i32 to index
        %parallel_loop3A_780 = arith.index_cast %parallel_loop3A_744 : i32 to index
        %parallel_loop3A_781 = arith.constant 16 : index
        %parallel_loop3A_782 = tpu.vector_load %arg9[%parallel_loop3A_779, %parallel_loop3A_780, %parallel_loop3A_781] {strides = array<i32>} : memref<5x128x64xf32, #tpu.memory_space<vmem>>, vector<1x1x16xf32>,
        %parallel_loop3A_783 = vector.shape_cast %parallel_loop3A_782 : vector<1x1x16xf32> to vector<16xf32>
        %parallel_loop3A_784 = vector.shape_cast %parallel_loop3A_777 : vector<16xf32> to vector<1x1x16xf32>
        tpu.vector_store %arg9[%parallel_loop3A_779, %parallel_loop3A_780, %parallel_loop3A_781], %parallel_loop3A_784 {strides = array<i32>} : memref<5x128x64xf32, #tpu.memory_space<vmem>>, vector<1x1x16xf32>,
        %parallel_loop3A_785 = arith.constant 1 : i32
        %parallel_loop3A_786 = arith.index_cast %parallel_loop3A_785 : i32 to index
        %parallel_loop3A_787 = arith.index_cast %parallel_loop3A_744 : i32 to index
        %parallel_loop3A_788 = arith.constant 32 : index
        %parallel_loop3A_789 = tpu.vector_load %arg9[%parallel_loop3A_786, %parallel_loop3A_787, %parallel_loop3A_788] {strides = array<i32>} : memref<5x128x64xf32, #tpu.memory_space<vmem>>, vector<1x1x16xf32>,
        %parallel_loop3A_790 = vector.shape_cast %parallel_loop3A_789 : vector<1x1x16xf32> to vector<16xf32>
        %parallel_loop3A_791 = arith.constant 1 : i32
        %parallel_loop3A_792 = arith.index_cast %parallel_loop3A_791 : i32 to index
        %parallel_loop3A_793 = arith.index_cast %parallel_loop3A_744 : i32 to index
        %parallel_loop3A_794 = arith.constant 32 : index
        %parallel_loop3A_795 = tpu.vector_load %arg10[%parallel_loop3A_792, %parallel_loop3A_793, %parallel_loop3A_794] {strides = array<i32>} : memref<5x128x64xf32, #tpu.memory_space<vmem>>, vector<1x1x16xf32>,
        %parallel_loop3A_796 = vector.shape_cast %parallel_loop3A_795 : vector<1x1x16xf32> to vector<16xf32>
        %parallel_loop3A_797 = arith.addf %parallel_loop3A_790, %parallel_loop3A_796 : vector<16xf32>
        %parallel_loop3A_798 = arith.constant 1 : i32
        %parallel_loop3A_799 = arith.index_cast %parallel_loop3A_798 : i32 to index
        %parallel_loop3A_800 = arith.index_cast %parallel_loop3A_744 : i32 to index
        %parallel_loop3A_801 = arith.constant 32 : index
        %parallel_loop3A_802 = tpu.vector_load %arg9[%parallel_loop3A_799, %parallel_loop3A_800, %parallel_loop3A_801] {strides = array<i32>} : memref<5x128x64xf32, #tpu.memory_space<vmem>>, vector<1x1x16xf32>,
        %parallel_loop3A_803 = vector.shape_cast %parallel_loop3A_802 : vector<1x1x16xf32> to vector<16xf32>
        %parallel_loop3A_804 = vector.shape_cast %parallel_loop3A_797 : vector<16xf32> to vector<1x1x16xf32>
        tpu.vector_store %arg9[%parallel_loop3A_799, %parallel_loop3A_800, %parallel_loop3A_801], %parallel_loop3A_804 {strides = array<i32>} : memref<5x128x64xf32, #tpu.memory_space<vmem>>, vector<1x1x16xf32>,
        %parallel_loop3A_805 = arith.constant 1 : i32
        %parallel_loop3A_806 = arith.index_cast %parallel_loop3A_805 : i32 to index
        %parallel_loop3A_807 = arith.index_cast %parallel_loop3A_744 : i32 to index
        %parallel_loop3A_808 = arith.constant 48 : index
        %parallel_loop3A_809 = tpu.vector_load %arg9[%parallel_loop3A_806, %parallel_loop3A_807, %parallel_loop3A_808] {strides = array<i32>} : memref<5x128x64xf32, #tpu.memory_space<vmem>>, vector<1x1x16xf32>,
        %parallel_loop3A_810 = vector.shape_cast %parallel_loop3A_809 : vector<1x1x16xf32> to vector<16xf32>
        %parallel_loop3A_811 = arith.constant 1 : i32
        %parallel_loop3A_812 = arith.index_cast %parallel_loop3A_811 : i32 to index
        %parallel_loop3A_813 = arith.index_cast %parallel_loop3A_744 : i32 to index
        %parallel_loop3A_814 = arith.constant 48 : index
        %parallel_loop3A_815 = tpu.vector_load %arg10[%parallel_loop3A_812, %parallel_loop3A_813, %parallel_loop3A_814] {strides = array<i32>} : memref<5x128x64xf32, #tpu.memory_space<vmem>>, vector<1x1x16xf32>,
        %parallel_loop3A_816 = vector.shape_cast %parallel_loop3A_815 : vector<1x1x16xf32> to vector<16xf32>
        %parallel_loop3A_817 = arith.addf %parallel_loop3A_810, %parallel_loop3A_816 : vector<16xf32>
        %parallel_loop3A_818 = arith.constant 1 : i32
        %parallel_loop3A_819 = arith.index_cast %parallel_loop3A_818 : i32 to index
        %parallel_loop3A_820 = arith.index_cast %parallel_loop3A_744 : i32 to index
        %parallel_loop3A_821 = arith.constant 48 : index
        %parallel_loop3A_822 = tpu.vector_load %arg9[%parallel_loop3A_819, %parallel_loop3A_820, %parallel_loop3A_821] {strides = array<i32>} : memref<5x128x64xf32, #tpu.memory_space<vmem>>, vector<1x1x16xf32>,
        %parallel_loop3A_823 = vector.shape_cast %parallel_loop3A_822 : vector<1x1x16xf32> to vector<16xf32>
        %parallel_loop3A_824 = vector.shape_cast %parallel_loop3A_817 : vector<16xf32> to vector<1x1x16xf32>
        tpu.vector_store %arg9[%parallel_loop3A_819, %parallel_loop3A_820, %parallel_loop3A_821], %parallel_loop3A_824 {strides = array<i32>} : memref<5x128x64xf32, #tpu.memory_space<vmem>>, vector<1x1x16xf32>,
      } {sc.loop_unroll_factor = 4 : i64, sc.parallel_access}
      %add3A_544 = arith.constant 4 : i32
      %add3A_545 = arith.addi %add3A_509, %add3A_544 : i32
      %lt3A_546 = arith.constant 200 : i32
      %lt3A_547 = arith.cmpi slt, %add3A_545, %lt3A_546 : i32
      %convert_element_type3A_548 = arith.extui %lt3A_547 : i1 to i32
      %cond3A_549 = arith.constant 0 : i32
      %cond3A_550 = arith.cmpi ne, %convert_element_type3A_548, %cond3A_549 : i32
      scf.if %cond3A_550 {
        %add3A_744 = arith.constant 4 : i32
        %add3A_745 = arith.addi %add3A_509, %add3A_744 : i32
        %ge3A = arith.constant 5 : i32
        %ge3A_746 = arith.cmpi sge, %add3A_745, %ge3A : i32
        %convert_element_type3A_747 = arith.extui %ge3A_746 : i1 to i32
        %cond3A_748 = arith.constant 0 : i32
        %cond3A_749 = arith.cmpi ne, %convert_element_type3A_747, %cond3A_748 : i32
        scf.if %cond3A_749 {
          %add3A_806 = arith.constant 4 : i32
          %add3A_807 = arith.addi %add3A_509, %add3A_806 : i32
          %sub3A = arith.constant 5 : i32
          %sub3A_808 = arith.subi %add3A_807, %sub3A : i32
          %mul3A_809 = arith.constant 128 : i32
          %mul3A_810 = arith.muli %sub3A_808, %mul3A_809 : i32
          %add3A_811 = arith.addi %mul3A_2, %mul3A_810 : i32
          %dma_wait3A_812 = arith.constant 0 : i32
          %dma_wait3A_813 = arith.constant 0 : i32
          %dma_wait3A_814 = arith.constant 0 : i32
          %dma_wait3A_815 = tpu.memref_slice %arg9[%dma_wait3A_812, %dma_wait3A_813, %dma_wait3A_814] : memref<5x128x64xf32, #tpu.memory_space<vmem>> -> memref<1x128x64xf32, #tpu.memory_space<vmem>>
          %dma_wait3A_816 = tpu.memref_squeeze %dma_wait3A_815 : memref<1x128x64xf32, #tpu.memory_space<vmem>> -> memref<128x64xf32, #tpu.memory_space<vmem>>
          %dma_wait3A_817 = arith.constant 0 : i32
          %dma_wait3A_818 = tpu.memref_slice %arg6[%add3A_811, %dma_wait3A_817] : memref<819200x64xf32, #tpu.memory_space<hbm>> -> memref<128x64xf32, #tpu.memory_space<hbm>>
          %dma_wait3A_819 = arith.constant 0 : i32
          %dma_wait3A_820 = tpu.memref_slice %arg6[%add3A_811, %dma_wait3A_819] : memref<819200x64xf32, #tpu.memory_space<hbm>> -> memref<128x64xf32, #tpu.memory_space<hbm>>
          %dma_wait3A_821 = arith.constant 0 : i32
          %dma_wait3A_822 = arith.constant 0 : i32
          %dma_wait3A_823 = tpu.memref_slice %arg9[%dma_wait3A_812, %dma_wait3A_821, %dma_wait3A_822] : memref<5x128x64xf32, #tpu.memory_space<vmem>> -> memref<1x128x64xf32, #tpu.memory_space<vmem>>
          %dma_wait3A_824 = tpu.memref_squeeze %dma_wait3A_823 : memref<1x128x64xf32, #tpu.memory_space<vmem>> -> memref<128x64xf32, #tpu.memory_space<vmem>>
          tpu.wait_dma2 semaphore(%arg31 : memref<!tpu.dma_semaphore, #tpu.memory_space<semaphore_mem>>) src(%dma_wait3A_824 : memref<128x64xf32, #tpu.memory_space<vmem>>) dst(%dma_wait3A_820 : memref<128x64xf32, #tpu.memory_space<hbm>>)
        } else {
        }
        %add3A_750 = arith.constant 4 : i32
        %add3A_751 = arith.addi %add3A_509, %add3A_750 : i32
        %add3A_752 = arith.addi %mul3A_4, %add3A_751 : i32
        %dma_wait3A_753 = arith.constant 0 : i32
        %dma_wait3A_754 = arith.constant 0 : i32
        %dma_wait3A_755 = tpu.memref_slice %arg7[%dma_wait3A_753, %dma_wait3A_754] : memref<5x128xi32, #tpu.memory_space<vmem>> -> memref<1x128xi32, #tpu.memory_space<vmem>>
        %dma_wait3A_756 = tpu.memref_squeeze %dma_wait3A_755 : memref<1x128xi32, #tpu.memory_space<vmem>> -> memref<128xi32, #tpu.memory_space<vmem>>
        %dma_wait3A_757 = arith.constant 0 : i32
        %dma_wait3A_758 = tpu.memref_slice %arg2[%add3A_752, %dma_wait3A_757] : memref<6400x128xi32, #tpu.memory_space<hbm>> -> memref<1x128xi32, #tpu.memory_space<hbm>>
        %dma_wait3A_759 = tpu.memref_squeeze %dma_wait3A_758 : memref<1x128xi32, #tpu.memory_space<hbm>> -> memref<128xi32, #tpu.memory_space<hbm>>
        %dma_wait3A_760 = arith.constant 0 : i32
        %dma_wait3A_761 = tpu.memref_slice %arg7[%dma_wait3A_753, %dma_wait3A_760] : memref<5x128xi32, #tpu.memory_space<vmem>> -> memref<1x128xi32, #tpu.memory_space<vmem>>
        %dma_wait3A_762 = tpu.memref_squeeze %dma_wait3A_761 : memref<1x128xi32, #tpu.memory_space<vmem>> -> memref<128xi32, #tpu.memory_space<vmem>>
        %dma_wait3A_763 = arith.constant 0 : i32
        %dma_wait3A_764 = tpu.memref_slice %arg2[%add3A_752, %dma_wait3A_763] : memref<6400x128xi32, #tpu.memory_space<hbm>> -> memref<1x128xi32, #tpu.memory_space<hbm>>
        %dma_wait3A_765 = tpu.memref_squeeze %dma_wait3A_764 : memref<1x128xi32, #tpu.memory_space<hbm>> -> memref<128xi32, #tpu.memory_space<hbm>>
        tpu.wait_dma2 semaphore(%arg11 : memref<!tpu.dma_semaphore, #tpu.memory_space<semaphore_mem>>) src(%dma_wait3A_765 : memref<128xi32, #tpu.memory_space<hbm>>) dst(%dma_wait3A_762 : memref<128xi32, #tpu.memory_space<vmem>>)
        %add3A_766 = arith.addi %mul3A_4, %add3A_751 : i32
        %dma_wait3A_767 = arith.constant 0 : i32
        %dma_wait3A_768 = arith.constant 0 : i32
        %dma_wait3A_769 = tpu.memref_slice %arg8[%dma_wait3A_767, %dma_wait3A_768] : memref<5x128xi32, #tpu.memory_space<vmem>> -> memref<1x128xi32, #tpu.memory_space<vmem>>
        %dma_wait3A_770 = tpu.memref_squeeze %dma_wait3A_769 : memref<1x128xi32, #tpu.memory_space<vmem>> -> memref<128xi32, #tpu.memory_space<vmem>>
        %dma_wait3A_771 = arith.constant 0 : i32
        %dma_wait3A_772 = tpu.memref_slice %arg3[%add3A_766, %dma_wait3A_771] : memref<6400x128xi32, #tpu.memory_space<hbm>> -> memref<1x128xi32, #tpu.memory_space<hbm>>
        %dma_wait3A_773 = tpu.memref_squeeze %dma_wait3A_772 : memref<1x128xi32, #tpu.memory_space<hbm>> -> memref<128xi32, #tpu.memory_space<hbm>>
        %dma_wait3A_774 = arith.constant 0 : i32
        %dma_wait3A_775 = tpu.memref_slice %arg8[%dma_wait3A_767, %dma_wait3A_774] : memref<5x128xi32, #tpu.memory_space<vmem>> -> memref<1x128xi32, #tpu.memory_space<vmem>>
        %dma_wait3A_776 = tpu.memref_squeeze %dma_wait3A_775 : memref<1x128xi32, #tpu.memory_space<vmem>> -> memref<128xi32, #tpu.memory_space<vmem>>
        %dma_wait3A_777 = arith.constant 0 : i32
        %dma_wait3A_778 = tpu.memref_slice %arg3[%add3A_766, %dma_wait3A_777] : memref<6400x128xi32, #tpu.memory_space<hbm>> -> memref<1x128xi32, #tpu.memory_space<hbm>>
        %dma_wait3A_779 = tpu.memref_squeeze %dma_wait3A_778 : memref<1x128xi32, #tpu.memory_space<hbm>> -> memref<128xi32, #tpu.memory_space<hbm>>
        tpu.wait_dma2 semaphore(%arg16 : memref<!tpu.dma_semaphore, #tpu.memory_space<semaphore_mem>>) src(%dma_wait3A_779 : memref<128xi32, #tpu.memory_space<hbm>>) dst(%dma_wait3A_776 : memref<128xi32, #tpu.memory_space<vmem>>)
        %add3A_780 = arith.constant 4 : i32
        %add3A_781 = arith.addi %add3A_509, %add3A_780 : i32
        %dma_start3A_782 = arith.constant 0 : i32
        %dma_start3A_783 = arith.constant 0 : i32
        %dma_start3A_784 = arith.constant 0 : i32
        %dma_start3A_785 = arith.constant 0 : i32
        %dma_start3A_786 = tpu.memref_slice %arg9[%dma_start3A_783, %dma_start3A_784, %dma_start3A_785] : memref<5x128x64xf32, #tpu.memory_space<vmem>> -> memref<1x128x64xf32, #tpu.memory_space<vmem>>
        %dma_start3A_787 = tpu.memref_squeeze %dma_start3A_786 : memref<1x128x64xf32, #tpu.memory_space<vmem>> -> memref<128x64xf32, #tpu.memory_space<vmem>>
        %dma_start3A_788 = arith.constant 0 : i32
        %dma_start3A_789 = tpu.memref_slice %arg7[%dma_start3A_782, %dma_start3A_788] : memref<5x128xi32, #tpu.memory_space<vmem>> -> memref<1x128xi32, #tpu.memory_space<vmem>>
        %dma_start3A_790 = tpu.memref_squeeze %dma_start3A_789 : memref<1x128xi32, #tpu.memory_space<vmem>> -> memref<128xi32, #tpu.memory_space<vmem>>
        %dma_start3A_791 = arith.constant 0 : i32
        %dma_start3A_792 = arith.constant 0 : i32
        %dma_start3A_793 = tpu.memref_slice %arg4[%dma_start3A_791, %dma_start3A_792] : memref<100000x64xf32, #tpu.memory_space<hbm>> -> memref<100000x64xf32, #tpu.memory_space<hbm>>
        tpu.enqueue_indirect_dma source(%dma_start3A_793 : memref<100000x64xf32, #tpu.memory_space<hbm>>) target(%dma_start3A_787 : memref<128x64xf32, #tpu.memory_space<vmem>>) offsets(%dma_start3A_790 : memref<128xi32, #tpu.memory_space<vmem>>) semaphore(%arg21 : memref<!tpu.dma_semaphore, #tpu.memory_space<semaphore_mem>>)
        %dma_start3A_794 = arith.constant 0 : i32
        %dma_start3A_795 = arith.constant 0 : i32
        %dma_start3A_796 = arith.constant 0 : i32
        %dma_start3A_797 = arith.constant 0 : i32
        %dma_start3A_798 = tpu.memref_slice %arg10[%dma_start3A_795, %dma_start3A_796, %dma_start3A_797] : memref<5x128x64xf32, #tpu.memory_space<vmem>> -> memref<1x128x64xf32, #tpu.memory_space<vmem>>
        %dma_start3A_799 = tpu.memref_squeeze %dma_start3A_798 : memref<1x128x64xf32, #tpu.memory_space<vmem>> -> memref<128x64xf32, #tpu.memory_space<vmem>>
        %dma_start3A_800 = arith.constant 0 : i32
        %dma_start3A_801 = tpu.memref_slice %arg8[%dma_start3A_794, %dma_start3A_800] : memref<5x128xi32, #tpu.memory_space<vmem>> -> memref<1x128xi32, #tpu.memory_space<vmem>>
        %dma_start3A_802 = tpu.memref_squeeze %dma_start3A_801 : memref<1x128xi32, #tpu.memory_space<vmem>> -> memref<128xi32, #tpu.memory_space<vmem>>
        %dma_start3A_803 = arith.constant 0 : i32
        %dma_start3A_804 = arith.constant 0 : i32
        %dma_start3A_805 = tpu.memref_slice %arg5[%dma_start3A_803, %dma_start3A_804] : memref<100000x64xf32, #tpu.memory_space<hbm>> -> memref<100000x64xf32, #tpu.memory_space<hbm>>
        tpu.enqueue_indirect_dma source(%dma_start3A_805 : memref<100000x64xf32, #tpu.memory_space<hbm>>) target(%dma_start3A_799 : memref<128x64xf32, #tpu.memory_space<vmem>>) offsets(%dma_start3A_802 : memref<128xi32, #tpu.memory_space<vmem>>) semaphore(%arg26 : memref<!tpu.dma_semaphore, #tpu.memory_space<semaphore_mem>>)
      } else {
      }
      %mul3A_551 = arith.constant 128 : i32
      %mul3A_552 = arith.muli %add3A_509, %mul3A_551 : i32
      %add3A_553 = arith.addi %mul3A_2, %mul3A_552 : i32
      %dma_start3A_554 = arith.constant 1 : i32
      %dma_start3A_555 = arith.constant 0 : i32
      %dma_start3A_556 = arith.constant 0 : i32
      %dma_start3A_557 = tpu.memref_slice %arg9[%dma_start3A_554, %dma_start3A_555, %dma_start3A_556] : memref<5x128x64xf32, #tpu.memory_space<vmem>> -> memref<1x128x64xf32, #tpu.memory_space<vmem>>
      %dma_start3A_558 = tpu.memref_squeeze %dma_start3A_557 : memref<1x128x64xf32, #tpu.memory_space<vmem>> -> memref<128x64xf32, #tpu.memory_space<vmem>>
      %dma_start3A_559 = arith.constant 0 : i32
      %dma_start3A_560 = tpu.memref_slice %arg6[%add3A_553, %dma_start3A_559] : memref<819200x64xf32, #tpu.memory_space<hbm>> -> memref<128x64xf32, #tpu.memory_space<hbm>>
      %dma_start3A_561 = arith.constant 0 : i32
      %dma_start3A_562 = tpu.memref_slice %arg6[%add3A_553, %dma_start3A_561] : memref<819200x64xf32, #tpu.memory_space<hbm>> -> memref<128x64xf32, #tpu.memory_space<hbm>>
      %dma_start3A_563 = arith.constant 0 : i32
      %dma_start3A_564 = arith.constant 0 : i32
      %dma_start3A_565 = tpu.memref_slice %arg9[%dma_start3A_554, %dma_start3A_563, %dma_start3A_564] : memref<5x128x64xf32, #tpu.memory_space<vmem>> -> memref<1x128x64xf32, #tpu.memory_space<vmem>>
      %dma_start3A_566 = tpu.memref_squeeze %dma_start3A_565 : memref<1x128x64xf32, #tpu.memory_space<vmem>> -> memref<128x64xf32, #tpu.memory_space<vmem>>
      tpu.enqueue_dma source(%dma_start3A_566 : memref<128x64xf32, #tpu.memory_space<vmem>>) target(%dma_start3A_562 : memref<128x64xf32, #tpu.memory_space<hbm>>) target_semaphore(%arg32 : memref<!tpu.dma_semaphore, #tpu.memory_space<semaphore_mem>>)
      %add3A_567 = arith.constant 2 : i32
      %add3A_568 = arith.addi %add3A_452, %add3A_567 : i32
      %dma_wait3A_569 = arith.constant 2 : i32
      %dma_wait3A_570 = arith.constant 2 : i32
      %dma_wait3A_571 = arith.constant 0 : i32
      %dma_wait3A_572 = arith.constant 0 : i32
      %dma_wait3A_573 = tpu.memref_slice %arg9[%dma_wait3A_570, %dma_wait3A_571, %dma_wait3A_572] : memref<5x128x64xf32, #tpu.memory_space<vmem>> -> memref<1x128x64xf32, #tpu.memory_space<vmem>>
      %dma_wait3A_574 = tpu.memref_squeeze %dma_wait3A_573 : memref<1x128x64xf32, #tpu.memory_space<vmem>> -> memref<128x64xf32, #tpu.memory_space<vmem>>
      %dma_wait3A_575 = arith.constant 0 : i32
      %dma_wait3A_576 = tpu.memref_slice %arg7[%dma_wait3A_569, %dma_wait3A_575] : memref<5x128xi32, #tpu.memory_space<vmem>> -> memref<1x128xi32, #tpu.memory_space<vmem>>
      %dma_wait3A_577 = tpu.memref_squeeze %dma_wait3A_576 : memref<1x128xi32, #tpu.memory_space<vmem>> -> memref<128xi32, #tpu.memory_space<vmem>>
      %dma_wait3A_578 = arith.constant 0 : i32
      %dma_wait3A_579 = arith.constant 0 : i32
      %dma_wait3A_580 = tpu.memref_slice %arg4[%dma_wait3A_578, %dma_wait3A_579] : memref<100000x64xf32, #tpu.memory_space<hbm>> -> memref<100000x64xf32, #tpu.memory_space<hbm>>
      tpu.wait_indirect_dma semaphore(%arg23 : memref<!tpu.dma_semaphore, #tpu.memory_space<semaphore_mem>>) src(%dma_wait3A_580 : memref<100000x64xf32, #tpu.memory_space<hbm>>) dst(%dma_wait3A_574 : memref<128x64xf32, #tpu.memory_space<vmem>>)
      %dma_wait3A_581 = arith.constant 2 : i32
      %dma_wait3A_582 = arith.constant 2 : i32
      %dma_wait3A_583 = arith.constant 0 : i32
      %dma_wait3A_584 = arith.constant 0 : i32
      %dma_wait3A_585 = tpu.memref_slice %arg10[%dma_wait3A_582, %dma_wait3A_583, %dma_wait3A_584] : memref<5x128x64xf32, #tpu.memory_space<vmem>> -> memref<1x128x64xf32, #tpu.memory_space<vmem>>
      %dma_wait3A_586 = tpu.memref_squeeze %dma_wait3A_585 : memref<1x128x64xf32, #tpu.memory_space<vmem>> -> memref<128x64xf32, #tpu.memory_space<vmem>>
      %dma_wait3A_587 = arith.constant 0 : i32
      %dma_wait3A_588 = tpu.memref_slice %arg8[%dma_wait3A_581, %dma_wait3A_587] : memref<5x128xi32, #tpu.memory_space<vmem>> -> memref<1x128xi32, #tpu.memory_space<vmem>>
      %dma_wait3A_589 = tpu.memref_squeeze %dma_wait3A_588 : memref<1x128xi32, #tpu.memory_space<vmem>> -> memref<128xi32, #tpu.memory_space<vmem>>
      %dma_wait3A_590 = arith.constant 0 : i32
      %dma_wait3A_591 = arith.constant 0 : i32
      %dma_wait3A_592 = tpu.memref_slice %arg5[%dma_wait3A_590, %dma_wait3A_591] : memref<100000x64xf32, #tpu.memory_space<hbm>> -> memref<100000x64xf32, #tpu.memory_space<hbm>>
      tpu.wait_indirect_dma semaphore(%arg28 : memref<!tpu.dma_semaphore, #tpu.memory_space<semaphore_mem>>) src(%dma_wait3A_592 : memref<100000x64xf32, #tpu.memory_space<hbm>>) dst(%dma_wait3A_586 : memref<128x64xf32, #tpu.memory_space<vmem>>)
      %add3A_593 = arith.constant 5 : i32
      %add3A_594 = arith.addi %add3A_568, %add3A_593 : i32
      %lt3A_595 = arith.constant 200 : i32
      %lt3A_596 = arith.cmpi slt, %add3A_594, %lt3A_595 : i32
      %convert_element_type3A_597 = arith.extui %lt3A_596 : i1 to i32
      %cond3A_598 = arith.constant 0 : i32
      %cond3A_599 = arith.cmpi ne, %convert_element_type3A_597, %cond3A_598 : i32
      scf.if %cond3A_599 {
        %add3A_744 = arith.constant 5 : i32
        %add3A_745 = arith.addi %add3A_568, %add3A_744 : i32
        %add3A_746 = arith.addi %mul3A_4, %add3A_745 : i32
        %dma_start3A_747 = arith.constant 2 : i32
        %dma_start3A_748 = arith.constant 0 : i32
        %dma_start3A_749 = tpu.memref_slice %arg7[%dma_start3A_747, %dma_start3A_748] : memref<5x128xi32, #tpu.memory_space<vmem>> -> memref<1x128xi32, #tpu.memory_space<vmem>>
        %dma_start3A_750 = tpu.memref_squeeze %dma_start3A_749 : memref<1x128xi32, #tpu.memory_space<vmem>> -> memref<128xi32, #tpu.memory_space<vmem>>
        %dma_start3A_751 = arith.constant 0 : i32
        %dma_start3A_752 = tpu.memref_slice %arg2[%add3A_746, %dma_start3A_751] : memref<6400x128xi32, #tpu.memory_space<hbm>> -> memref<1x128xi32, #tpu.memory_space<hbm>>
        %dma_start3A_753 = tpu.memref_squeeze %dma_start3A_752 : memref<1x128xi32, #tpu.memory_space<hbm>> -> memref<128xi32, #tpu.memory_space<hbm>>
        %dma_start3A_754 = arith.constant 0 : i32
        %dma_start3A_755 = tpu.memref_slice %arg7[%dma_start3A_747, %dma_start3A_754] : memref<5x128xi32, #tpu.memory_space<vmem>> -> memref<1x128xi32, #tpu.memory_space<vmem>>
        %dma_start3A_756 = tpu.memref_squeeze %dma_start3A_755 : memref<1x128xi32, #tpu.memory_space<vmem>> -> memref<128xi32, #tpu.memory_space<vmem>>
        %dma_start3A_757 = arith.constant 0 : i32
        %dma_start3A_758 = tpu.memref_slice %arg2[%add3A_746, %dma_start3A_757] : memref<6400x128xi32, #tpu.memory_space<hbm>> -> memref<1x128xi32, #tpu.memory_space<hbm>>
        %dma_start3A_759 = tpu.memref_squeeze %dma_start3A_758 : memref<1x128xi32, #tpu.memory_space<hbm>> -> memref<128xi32, #tpu.memory_space<hbm>>
        tpu.enqueue_dma source(%dma_start3A_759 : memref<128xi32, #tpu.memory_space<hbm>>) target(%dma_start3A_756 : memref<128xi32, #tpu.memory_space<vmem>>) target_semaphore(%arg13 : memref<!tpu.dma_semaphore, #tpu.memory_space<semaphore_mem>>)
        %add3A_760 = arith.addi %mul3A_4, %add3A_745 : i32
        %dma_start3A_761 = arith.constant 2 : i32
        %dma_start3A_762 = arith.constant 0 : i32
        %dma_start3A_763 = tpu.memref_slice %arg8[%dma_start3A_761, %dma_start3A_762] : memref<5x128xi32, #tpu.memory_space<vmem>> -> memref<1x128xi32, #tpu.memory_space<vmem>>
        %dma_start3A_764 = tpu.memref_squeeze %dma_start3A_763 : memref<1x128xi32, #tpu.memory_space<vmem>> -> memref<128xi32, #tpu.memory_space<vmem>>
        %dma_start3A_765 = arith.constant 0 : i32
        %dma_start3A_766 = tpu.memref_slice %arg3[%add3A_760, %dma_start3A_765] : memref<6400x128xi32, #tpu.memory_space<hbm>> -> memref<1x128xi32, #tpu.memory_space<hbm>>
        %dma_start3A_767 = tpu.memref_squeeze %dma_start3A_766 : memref<1x128xi32, #tpu.memory_space<hbm>> -> memref<128xi32, #tpu.memory_space<hbm>>
        %dma_start3A_768 = arith.constant 0 : i32
        %dma_start3A_769 = tpu.memref_slice %arg8[%dma_start3A_761, %dma_start3A_768] : memref<5x128xi32, #tpu.memory_space<vmem>> -> memref<1x128xi32, #tpu.memory_space<vmem>>
        %dma_start3A_770 = tpu.memref_squeeze %dma_start3A_769 : memref<1x128xi32, #tpu.memory_space<vmem>> -> memref<128xi32, #tpu.memory_space<vmem>>
        %dma_start3A_771 = arith.constant 0 : i32
        %dma_start3A_772 = tpu.memref_slice %arg3[%add3A_760, %dma_start3A_771] : memref<6400x128xi32, #tpu.memory_space<hbm>> -> memref<1x128xi32, #tpu.memory_space<hbm>>
        %dma_start3A_773 = tpu.memref_squeeze %dma_start3A_772 : memref<1x128xi32, #tpu.memory_space<hbm>> -> memref<128xi32, #tpu.memory_space<hbm>>
        tpu.enqueue_dma source(%dma_start3A_773 : memref<128xi32, #tpu.memory_space<hbm>>) target(%dma_start3A_770 : memref<128xi32, #tpu.memory_space<vmem>>) target_semaphore(%arg18 : memref<!tpu.dma_semaphore, #tpu.memory_space<semaphore_mem>>)
      } else {
      }
      %parallel_loop3A_600 = arith.constant 0 : i32
      %parallel_loop3A_601 = arith.constant 128 : i32
      %parallel_loop3A_602 = arith.constant 1 : i32
      scf.for %parallel_loop3A_744 = %parallel_loop3A_600 to %parallel_loop3A_601 step %parallel_loop3A_602  : i32 {
        %parallel_loop3A_745 = arith.constant 2 : i32
        %parallel_loop3A_746 = arith.index_cast %parallel_loop3A_745 : i32 to index
        %parallel_loop3A_747 = arith.index_cast %parallel_loop3A_744 : i32 to index
        %parallel_loop3A_748 = arith.constant 0 : index
        %parallel_loop3A_749 = tpu.vector_load %arg9[%parallel_loop3A_746, %parallel_loop3A_747, %parallel_loop3A_748] {strides = array<i32>} : memref<5x128x64xf32, #tpu.memory_space<vmem>>, vector<1x1x16xf32>,
        %parallel_loop3A_750 = vector.shape_cast %parallel_loop3A_749 : vector<1x1x16xf32> to vector<16xf32>
        %parallel_loop3A_751 = arith.constant 2 : i32
        %parallel_loop3A_752 = arith.index_cast %parallel_loop3A_751 : i32 to index
        %parallel_loop3A_753 = arith.index_cast %parallel_loop3A_744 : i32 to index
        %parallel_loop3A_754 = arith.constant 0 : index
        %parallel_loop3A_755 = tpu.vector_load %arg10[%parallel_loop3A_752, %parallel_loop3A_753, %parallel_loop3A_754] {strides = array<i32>} : memref<5x128x64xf32, #tpu.memory_space<vmem>>, vector<1x1x16xf32>,
        %parallel_loop3A_756 = vector.shape_cast %parallel_loop3A_755 : vector<1x1x16xf32> to vector<16xf32>
        %parallel_loop3A_757 = arith.addf %parallel_loop3A_750, %parallel_loop3A_756 : vector<16xf32>
        %parallel_loop3A_758 = arith.constant 2 : i32
        %parallel_loop3A_759 = arith.index_cast %parallel_loop3A_758 : i32 to index
        %parallel_loop3A_760 = arith.index_cast %parallel_loop3A_744 : i32 to index
        %parallel_loop3A_761 = arith.constant 0 : index
        %parallel_loop3A_762 = tpu.vector_load %arg9[%parallel_loop3A_759, %parallel_loop3A_760, %parallel_loop3A_761] {strides = array<i32>} : memref<5x128x64xf32, #tpu.memory_space<vmem>>, vector<1x1x16xf32>,
        %parallel_loop3A_763 = vector.shape_cast %parallel_loop3A_762 : vector<1x1x16xf32> to vector<16xf32>
        %parallel_loop3A_764 = vector.shape_cast %parallel_loop3A_757 : vector<16xf32> to vector<1x1x16xf32>
        tpu.vector_store %arg9[%parallel_loop3A_759, %parallel_loop3A_760, %parallel_loop3A_761], %parallel_loop3A_764 {strides = array<i32>} : memref<5x128x64xf32, #tpu.memory_space<vmem>>, vector<1x1x16xf32>,
        %parallel_loop3A_765 = arith.constant 2 : i32
        %parallel_loop3A_766 = arith.index_cast %parallel_loop3A_765 : i32 to index
        %parallel_loop3A_767 = arith.index_cast %parallel_loop3A_744 : i32 to index
        %parallel_loop3A_768 = arith.constant 16 : index
        %parallel_loop3A_769 = tpu.vector_load %arg9[%parallel_loop3A_766, %parallel_loop3A_767, %parallel_loop3A_768] {strides = array<i32>} : memref<5x128x64xf32, #tpu.memory_space<vmem>>, vector<1x1x16xf32>,
        %parallel_loop3A_770 = vector.shape_cast %parallel_loop3A_769 : vector<1x1x16xf32> to vector<16xf32>
        %parallel_loop3A_771 = arith.constant 2 : i32
        %parallel_loop3A_772 = arith.index_cast %parallel_loop3A_771 : i32 to index
        %parallel_loop3A_773 = arith.index_cast %parallel_loop3A_744 : i32 to index
        %parallel_loop3A_774 = arith.constant 16 : index
        %parallel_loop3A_775 = tpu.vector_load %arg10[%parallel_loop3A_772, %parallel_loop3A_773, %parallel_loop3A_774] {strides = array<i32>} : memref<5x128x64xf32, #tpu.memory_space<vmem>>, vector<1x1x16xf32>,
        %parallel_loop3A_776 = vector.shape_cast %parallel_loop3A_775 : vector<1x1x16xf32> to vector<16xf32>
        %parallel_loop3A_777 = arith.addf %parallel_loop3A_770, %parallel_loop3A_776 : vector<16xf32>
        %parallel_loop3A_778 = arith.constant 2 : i32
        %parallel_loop3A_779 = arith.index_cast %parallel_loop3A_778 : i32 to index
        %parallel_loop3A_780 = arith.index_cast %parallel_loop3A_744 : i32 to index
        %parallel_loop3A_781 = arith.constant 16 : index
        %parallel_loop3A_782 = tpu.vector_load %arg9[%parallel_loop3A_779, %parallel_loop3A_780, %parallel_loop3A_781] {strides = array<i32>} : memref<5x128x64xf32, #tpu.memory_space<vmem>>, vector<1x1x16xf32>,
        %parallel_loop3A_783 = vector.shape_cast %parallel_loop3A_782 : vector<1x1x16xf32> to vector<16xf32>
        %parallel_loop3A_784 = vector.shape_cast %parallel_loop3A_777 : vector<16xf32> to vector<1x1x16xf32>
        tpu.vector_store %arg9[%parallel_loop3A_779, %parallel_loop3A_780, %parallel_loop3A_781], %parallel_loop3A_784 {strides = array<i32>} : memref<5x128x64xf32, #tpu.memory_space<vmem>>, vector<1x1x16xf32>,
        %parallel_loop3A_785 = arith.constant 2 : i32
        %parallel_loop3A_786 = arith.index_cast %parallel_loop3A_785 : i32 to index
        %parallel_loop3A_787 = arith.index_cast %parallel_loop3A_744 : i32 to index
        %parallel_loop3A_788 = arith.constant 32 : index
        %parallel_loop3A_789 = tpu.vector_load %arg9[%parallel_loop3A_786, %parallel_loop3A_787, %parallel_loop3A_788] {strides = array<i32>} : memref<5x128x64xf32, #tpu.memory_space<vmem>>, vector<1x1x16xf32>,
        %parallel_loop3A_790 = vector.shape_cast %parallel_loop3A_789 : vector<1x1x16xf32> to vector<16xf32>
        %parallel_loop3A_791 = arith.constant 2 : i32
        %parallel_loop3A_792 = arith.index_cast %parallel_loop3A_791 : i32 to index
        %parallel_loop3A_793 = arith.index_cast %parallel_loop3A_744 : i32 to index
        %parallel_loop3A_794 = arith.constant 32 : index
        %parallel_loop3A_795 = tpu.vector_load %arg10[%parallel_loop3A_792, %parallel_loop3A_793, %parallel_loop3A_794] {strides = array<i32>} : memref<5x128x64xf32, #tpu.memory_space<vmem>>, vector<1x1x16xf32>,
        %parallel_loop3A_796 = vector.shape_cast %parallel_loop3A_795 : vector<1x1x16xf32> to vector<16xf32>
        %parallel_loop3A_797 = arith.addf %parallel_loop3A_790, %parallel_loop3A_796 : vector<16xf32>
        %parallel_loop3A_798 = arith.constant 2 : i32
        %parallel_loop3A_799 = arith.index_cast %parallel_loop3A_798 : i32 to index
        %parallel_loop3A_800 = arith.index_cast %parallel_loop3A_744 : i32 to index
        %parallel_loop3A_801 = arith.constant 32 : index
        %parallel_loop3A_802 = tpu.vector_load %arg9[%parallel_loop3A_799, %parallel_loop3A_800, %parallel_loop3A_801] {strides = array<i32>} : memref<5x128x64xf32, #tpu.memory_space<vmem>>, vector<1x1x16xf32>,
        %parallel_loop3A_803 = vector.shape_cast %parallel_loop3A_802 : vector<1x1x16xf32> to vector<16xf32>
        %parallel_loop3A_804 = vector.shape_cast %parallel_loop3A_797 : vector<16xf32> to vector<1x1x16xf32>
        tpu.vector_store %arg9[%parallel_loop3A_799, %parallel_loop3A_800, %parallel_loop3A_801], %parallel_loop3A_804 {strides = array<i32>} : memref<5x128x64xf32, #tpu.memory_space<vmem>>, vector<1x1x16xf32>,
        %parallel_loop3A_805 = arith.constant 2 : i32
        %parallel_loop3A_806 = arith.index_cast %parallel_loop3A_805 : i32 to index
        %parallel_loop3A_807 = arith.index_cast %parallel_loop3A_744 : i32 to index
        %parallel_loop3A_808 = arith.constant 48 : index
        %parallel_loop3A_809 = tpu.vector_load %arg9[%parallel_loop3A_806, %parallel_loop3A_807, %parallel_loop3A_808] {strides = array<i32>} : memref<5x128x64xf32, #tpu.memory_space<vmem>>, vector<1x1x16xf32>,
        %parallel_loop3A_810 = vector.shape_cast %parallel_loop3A_809 : vector<1x1x16xf32> to vector<16xf32>
        %parallel_loop3A_811 = arith.constant 2 : i32
        %parallel_loop3A_812 = arith.index_cast %parallel_loop3A_811 : i32 to index
        %parallel_loop3A_813 = arith.index_cast %parallel_loop3A_744 : i32 to index
        %parallel_loop3A_814 = arith.constant 48 : index
        %parallel_loop3A_815 = tpu.vector_load %arg10[%parallel_loop3A_812, %parallel_loop3A_813, %parallel_loop3A_814] {strides = array<i32>} : memref<5x128x64xf32, #tpu.memory_space<vmem>>, vector<1x1x16xf32>,
        %parallel_loop3A_816 = vector.shape_cast %parallel_loop3A_815 : vector<1x1x16xf32> to vector<16xf32>
        %parallel_loop3A_817 = arith.addf %parallel_loop3A_810, %parallel_loop3A_816 : vector<16xf32>
        %parallel_loop3A_818 = arith.constant 2 : i32
        %parallel_loop3A_819 = arith.index_cast %parallel_loop3A_818 : i32 to index
        %parallel_loop3A_820 = arith.index_cast %parallel_loop3A_744 : i32 to index
        %parallel_loop3A_821 = arith.constant 48 : index
        %parallel_loop3A_822 = tpu.vector_load %arg9[%parallel_loop3A_819, %parallel_loop3A_820, %parallel_loop3A_821] {strides = array<i32>} : memref<5x128x64xf32, #tpu.memory_space<vmem>>, vector<1x1x16xf32>,
        %parallel_loop3A_823 = vector.shape_cast %parallel_loop3A_822 : vector<1x1x16xf32> to vector<16xf32>
        %parallel_loop3A_824 = vector.shape_cast %parallel_loop3A_817 : vector<16xf32> to vector<1x1x16xf32>
        tpu.vector_store %arg9[%parallel_loop3A_819, %parallel_loop3A_820, %parallel_loop3A_821], %parallel_loop3A_824 {strides = array<i32>} : memref<5x128x64xf32, #tpu.memory_space<vmem>>, vector<1x1x16xf32>,
      } {sc.loop_unroll_factor = 4 : i64, sc.parallel_access}
      %add3A_603 = arith.constant 4 : i32
      %add3A_604 = arith.addi %add3A_568, %add3A_603 : i32
      %lt3A_605 = arith.constant 200 : i32
      %lt3A_606 = arith.cmpi slt, %add3A_604, %lt3A_605 : i32
      %convert_element_type3A_607 = arith.extui %lt3A_606 : i1 to i32
      %cond3A_608 = arith.constant 0 : i32
      %cond3A_609 = arith.cmpi ne, %convert_element_type3A_607, %cond3A_608 : i32
      scf.if %cond3A_609 {
        %add3A_744 = arith.constant 4 : i32
        %add3A_745 = arith.addi %add3A_568, %add3A_744 : i32
        %ge3A = arith.constant 5 : i32
        %ge3A_746 = arith.cmpi sge, %add3A_745, %ge3A : i32
        %convert_element_type3A_747 = arith.extui %ge3A_746 : i1 to i32
        %cond3A_748 = arith.constant 0 : i32
        %cond3A_749 = arith.cmpi ne, %convert_element_type3A_747, %cond3A_748 : i32
        scf.if %cond3A_749 {
          %add3A_806 = arith.constant 4 : i32
          %add3A_807 = arith.addi %add3A_568, %add3A_806 : i32
          %sub3A = arith.constant 5 : i32
          %sub3A_808 = arith.subi %add3A_807, %sub3A : i32
          %mul3A_809 = arith.constant 128 : i32
          %mul3A_810 = arith.muli %sub3A_808, %mul3A_809 : i32
          %add3A_811 = arith.addi %mul3A_2, %mul3A_810 : i32
          %dma_wait3A_812 = arith.constant 1 : i32
          %dma_wait3A_813 = arith.constant 0 : i32
          %dma_wait3A_814 = arith.constant 0 : i32
          %dma_wait3A_815 = tpu.memref_slice %arg9[%dma_wait3A_812, %dma_wait3A_813, %dma_wait3A_814] : memref<5x128x64xf32, #tpu.memory_space<vmem>> -> memref<1x128x64xf32, #tpu.memory_space<vmem>>
          %dma_wait3A_816 = tpu.memref_squeeze %dma_wait3A_815 : memref<1x128x64xf32, #tpu.memory_space<vmem>> -> memref<128x64xf32, #tpu.memory_space<vmem>>
          %dma_wait3A_817 = arith.constant 0 : i32
          %dma_wait3A_818 = tpu.memref_slice %arg6[%add3A_811, %dma_wait3A_817] : memref<819200x64xf32, #tpu.memory_space<hbm>> -> memref<128x64xf32, #tpu.memory_space<hbm>>
          %dma_wait3A_819 = arith.constant 0 : i32
          %dma_wait3A_820 = tpu.memref_slice %arg6[%add3A_811, %dma_wait3A_819] : memref<819200x64xf32, #tpu.memory_space<hbm>> -> memref<128x64xf32, #tpu.memory_space<hbm>>
          %dma_wait3A_821 = arith.constant 0 : i32
          %dma_wait3A_822 = arith.constant 0 : i32
          %dma_wait3A_823 = tpu.memref_slice %arg9[%dma_wait3A_812, %dma_wait3A_821, %dma_wait3A_822] : memref<5x128x64xf32, #tpu.memory_space<vmem>> -> memref<1x128x64xf32, #tpu.memory_space<vmem>>
          %dma_wait3A_824 = tpu.memref_squeeze %dma_wait3A_823 : memref<1x128x64xf32, #tpu.memory_space<vmem>> -> memref<128x64xf32, #tpu.memory_space<vmem>>
          tpu.wait_dma2 semaphore(%arg32 : memref<!tpu.dma_semaphore, #tpu.memory_space<semaphore_mem>>) src(%dma_wait3A_824 : memref<128x64xf32, #tpu.memory_space<vmem>>) dst(%dma_wait3A_820 : memref<128x64xf32, #tpu.memory_space<hbm>>)
        } else {
        }
        %add3A_750 = arith.constant 4 : i32
        %add3A_751 = arith.addi %add3A_568, %add3A_750 : i32
        %add3A_752 = arith.addi %mul3A_4, %add3A_751 : i32
        %dma_wait3A_753 = arith.constant 1 : i32
        %dma_wait3A_754 = arith.constant 0 : i32
        %dma_wait3A_755 = tpu.memref_slice %arg7[%dma_wait3A_753, %dma_wait3A_754] : memref<5x128xi32, #tpu.memory_space<vmem>> -> memref<1x128xi32, #tpu.memory_space<vmem>>
        %dma_wait3A_756 = tpu.memref_squeeze %dma_wait3A_755 : memref<1x128xi32, #tpu.memory_space<vmem>> -> memref<128xi32, #tpu.memory_space<vmem>>
        %dma_wait3A_757 = arith.constant 0 : i32
        %dma_wait3A_758 = tpu.memref_slice %arg2[%add3A_752, %dma_wait3A_757] : memref<6400x128xi32, #tpu.memory_space<hbm>> -> memref<1x128xi32, #tpu.memory_space<hbm>>
        %dma_wait3A_759 = tpu.memref_squeeze %dma_wait3A_758 : memref<1x128xi32, #tpu.memory_space<hbm>> -> memref<128xi32, #tpu.memory_space<hbm>>
        %dma_wait3A_760 = arith.constant 0 : i32
        %dma_wait3A_761 = tpu.memref_slice %arg7[%dma_wait3A_753, %dma_wait3A_760] : memref<5x128xi32, #tpu.memory_space<vmem>> -> memref<1x128xi32, #tpu.memory_space<vmem>>
        %dma_wait3A_762 = tpu.memref_squeeze %dma_wait3A_761 : memref<1x128xi32, #tpu.memory_space<vmem>> -> memref<128xi32, #tpu.memory_space<vmem>>
        %dma_wait3A_763 = arith.constant 0 : i32
        %dma_wait3A_764 = tpu.memref_slice %arg2[%add3A_752, %dma_wait3A_763] : memref<6400x128xi32, #tpu.memory_space<hbm>> -> memref<1x128xi32, #tpu.memory_space<hbm>>
        %dma_wait3A_765 = tpu.memref_squeeze %dma_wait3A_764 : memref<1x128xi32, #tpu.memory_space<hbm>> -> memref<128xi32, #tpu.memory_space<hbm>>
        tpu.wait_dma2 semaphore(%arg12 : memref<!tpu.dma_semaphore, #tpu.memory_space<semaphore_mem>>) src(%dma_wait3A_765 : memref<128xi32, #tpu.memory_space<hbm>>) dst(%dma_wait3A_762 : memref<128xi32, #tpu.memory_space<vmem>>)
        %add3A_766 = arith.addi %mul3A_4, %add3A_751 : i32
        %dma_wait3A_767 = arith.constant 1 : i32
        %dma_wait3A_768 = arith.constant 0 : i32
        %dma_wait3A_769 = tpu.memref_slice %arg8[%dma_wait3A_767, %dma_wait3A_768] : memref<5x128xi32, #tpu.memory_space<vmem>> -> memref<1x128xi32, #tpu.memory_space<vmem>>
        %dma_wait3A_770 = tpu.memref_squeeze %dma_wait3A_769 : memref<1x128xi32, #tpu.memory_space<vmem>> -> memref<128xi32, #tpu.memory_space<vmem>>
        %dma_wait3A_771 = arith.constant 0 : i32
        %dma_wait3A_772 = tpu.memref_slice %arg3[%add3A_766, %dma_wait3A_771] : memref<6400x128xi32, #tpu.memory_space<hbm>> -> memref<1x128xi32, #tpu.memory_space<hbm>>
        %dma_wait3A_773 = tpu.memref_squeeze %dma_wait3A_772 : memref<1x128xi32, #tpu.memory_space<hbm>> -> memref<128xi32, #tpu.memory_space<hbm>>
        %dma_wait3A_774 = arith.constant 0 : i32
        %dma_wait3A_775 = tpu.memref_slice %arg8[%dma_wait3A_767, %dma_wait3A_774] : memref<5x128xi32, #tpu.memory_space<vmem>> -> memref<1x128xi32, #tpu.memory_space<vmem>>
        %dma_wait3A_776 = tpu.memref_squeeze %dma_wait3A_775 : memref<1x128xi32, #tpu.memory_space<vmem>> -> memref<128xi32, #tpu.memory_space<vmem>>
        %dma_wait3A_777 = arith.constant 0 : i32
        %dma_wait3A_778 = tpu.memref_slice %arg3[%add3A_766, %dma_wait3A_777] : memref<6400x128xi32, #tpu.memory_space<hbm>> -> memref<1x128xi32, #tpu.memory_space<hbm>>
        %dma_wait3A_779 = tpu.memref_squeeze %dma_wait3A_778 : memref<1x128xi32, #tpu.memory_space<hbm>> -> memref<128xi32, #tpu.memory_space<hbm>>
        tpu.wait_dma2 semaphore(%arg17 : memref<!tpu.dma_semaphore, #tpu.memory_space<semaphore_mem>>) src(%dma_wait3A_779 : memref<128xi32, #tpu.memory_space<hbm>>) dst(%dma_wait3A_776 : memref<128xi32, #tpu.memory_space<vmem>>)
        %add3A_780 = arith.constant 4 : i32
        %add3A_781 = arith.addi %add3A_568, %add3A_780 : i32
        %dma_start3A_782 = arith.constant 1 : i32
        %dma_start3A_783 = arith.constant 1 : i32
        %dma_start3A_784 = arith.constant 0 : i32
        %dma_start3A_785 = arith.constant 0 : i32
        %dma_start3A_786 = tpu.memref_slice %arg9[%dma_start3A_783, %dma_start3A_784, %dma_start3A_785] : memref<5x128x64xf32, #tpu.memory_space<vmem>> -> memref<1x128x64xf32, #tpu.memory_space<vmem>>
        %dma_start3A_787 = tpu.memref_squeeze %dma_start3A_786 : memref<1x128x64xf32, #tpu.memory_space<vmem>> -> memref<128x64xf32, #tpu.memory_space<vmem>>
        %dma_start3A_788 = arith.constant 0 : i32
        %dma_start3A_789 = tpu.memref_slice %arg7[%dma_start3A_782, %dma_start3A_788] : memref<5x128xi32, #tpu.memory_space<vmem>> -> memref<1x128xi32, #tpu.memory_space<vmem>>
        %dma_start3A_790 = tpu.memref_squeeze %dma_start3A_789 : memref<1x128xi32, #tpu.memory_space<vmem>> -> memref<128xi32, #tpu.memory_space<vmem>>
        %dma_start3A_791 = arith.constant 0 : i32
        %dma_start3A_792 = arith.constant 0 : i32
        %dma_start3A_793 = tpu.memref_slice %arg4[%dma_start3A_791, %dma_start3A_792] : memref<100000x64xf32, #tpu.memory_space<hbm>> -> memref<100000x64xf32, #tpu.memory_space<hbm>>
        tpu.enqueue_indirect_dma source(%dma_start3A_793 : memref<100000x64xf32, #tpu.memory_space<hbm>>) target(%dma_start3A_787 : memref<128x64xf32, #tpu.memory_space<vmem>>) offsets(%dma_start3A_790 : memref<128xi32, #tpu.memory_space<vmem>>) semaphore(%arg22 : memref<!tpu.dma_semaphore, #tpu.memory_space<semaphore_mem>>)
        %dma_start3A_794 = arith.constant 1 : i32
        %dma_start3A_795 = arith.constant 1 : i32
        %dma_start3A_796 = arith.constant 0 : i32
        %dma_start3A_797 = arith.constant 0 : i32
        %dma_start3A_798 = tpu.memref_slice %arg10[%dma_start3A_795, %dma_start3A_796, %dma_start3A_797] : memref<5x128x64xf32, #tpu.memory_space<vmem>> -> memref<1x128x64xf32, #tpu.memory_space<vmem>>
        %dma_start3A_799 = tpu.memref_squeeze %dma_start3A_798 : memref<1x128x64xf32, #tpu.memory_space<vmem>> -> memref<128x64xf32, #tpu.memory_space<vmem>>
        %dma_start3A_800 = arith.constant 0 : i32
        %dma_start3A_801 = tpu.memref_slice %arg8[%dma_start3A_794, %dma_start3A_800] : memref<5x128xi32, #tpu.memory_space<vmem>> -> memref<1x128xi32, #tpu.memory_space<vmem>>
        %dma_start3A_802 = tpu.memref_squeeze %dma_start3A_801 : memref<1x128xi32, #tpu.memory_space<vmem>> -> memref<128xi32, #tpu.memory_space<vmem>>
        %dma_start3A_803 = arith.constant 0 : i32
        %dma_start3A_804 = arith.constant 0 : i32
        %dma_start3A_805 = tpu.memref_slice %arg5[%dma_start3A_803, %dma_start3A_804] : memref<100000x64xf32, #tpu.memory_space<hbm>> -> memref<100000x64xf32, #tpu.memory_space<hbm>>
        tpu.enqueue_indirect_dma source(%dma_start3A_805 : memref<100000x64xf32, #tpu.memory_space<hbm>>) target(%dma_start3A_799 : memref<128x64xf32, #tpu.memory_space<vmem>>) offsets(%dma_start3A_802 : memref<128xi32, #tpu.memory_space<vmem>>) semaphore(%arg27 : memref<!tpu.dma_semaphore, #tpu.memory_space<semaphore_mem>>)
      } else {
      }
      %mul3A_610 = arith.constant 128 : i32
      %mul3A_611 = arith.muli %add3A_568, %mul3A_610 : i32
      %add3A_612 = arith.addi %mul3A_2, %mul3A_611 : i32
      %dma_start3A_613 = arith.constant 2 : i32
      %dma_start3A_614 = arith.constant 0 : i32
      %dma_start3A_615 = arith.constant 0 : i32
      %dma_start3A_616 = tpu.memref_slice %arg9[%dma_start3A_613, %dma_start3A_614, %dma_start3A_615] : memref<5x128x64xf32, #tpu.memory_space<vmem>> -> memref<1x128x64xf32, #tpu.memory_space<vmem>>
      %dma_start3A_617 = tpu.memref_squeeze %dma_start3A_616 : memref<1x128x64xf32, #tpu.memory_space<vmem>> -> memref<128x64xf32, #tpu.memory_space<vmem>>
      %dma_start3A_618 = arith.constant 0 : i32
      %dma_start3A_619 = tpu.memref_slice %arg6[%add3A_612, %dma_start3A_618] : memref<819200x64xf32, #tpu.memory_space<hbm>> -> memref<128x64xf32, #tpu.memory_space<hbm>>
      %dma_start3A_620 = arith.constant 0 : i32
      %dma_start3A_621 = tpu.memref_slice %arg6[%add3A_612, %dma_start3A_620] : memref<819200x64xf32, #tpu.memory_space<hbm>> -> memref<128x64xf32, #tpu.memory_space<hbm>>
      %dma_start3A_622 = arith.constant 0 : i32
      %dma_start3A_623 = arith.constant 0 : i32
      %dma_start3A_624 = tpu.memref_slice %arg9[%dma_start3A_613, %dma_start3A_622, %dma_start3A_623] : memref<5x128x64xf32, #tpu.memory_space<vmem>> -> memref<1x128x64xf32, #tpu.memory_space<vmem>>
      %dma_start3A_625 = tpu.memref_squeeze %dma_start3A_624 : memref<1x128x64xf32, #tpu.memory_space<vmem>> -> memref<128x64xf32, #tpu.memory_space<vmem>>
      tpu.enqueue_dma source(%dma_start3A_625 : memref<128x64xf32, #tpu.memory_space<vmem>>) target(%dma_start3A_621 : memref<128x64xf32, #tpu.memory_space<hbm>>) target_semaphore(%arg33 : memref<!tpu.dma_semaphore, #tpu.memory_space<semaphore_mem>>)
      %add3A_626 = arith.constant 3 : i32
      %add3A_627 = arith.addi %add3A_452, %add3A_626 : i32
      %dma_wait3A_628 = arith.constant 3 : i32
      %dma_wait3A_629 = arith.constant 3 : i32
      %dma_wait3A_630 = arith.constant 0 : i32
      %dma_wait3A_631 = arith.constant 0 : i32
      %dma_wait3A_632 = tpu.memref_slice %arg9[%dma_wait3A_629, %dma_wait3A_630, %dma_wait3A_631] : memref<5x128x64xf32, #tpu.memory_space<vmem>> -> memref<1x128x64xf32, #tpu.memory_space<vmem>>
      %dma_wait3A_633 = tpu.memref_squeeze %dma_wait3A_632 : memref<1x128x64xf32, #tpu.memory_space<vmem>> -> memref<128x64xf32, #tpu.memory_space<vmem>>
      %dma_wait3A_634 = arith.constant 0 : i32
      %dma_wait3A_635 = tpu.memref_slice %arg7[%dma_wait3A_628, %dma_wait3A_634] : memref<5x128xi32, #tpu.memory_space<vmem>> -> memref<1x128xi32, #tpu.memory_space<vmem>>
      %dma_wait3A_636 = tpu.memref_squeeze %dma_wait3A_635 : memref<1x128xi32, #tpu.memory_space<vmem>> -> memref<128xi32, #tpu.memory_space<vmem>>
      %dma_wait3A_637 = arith.constant 0 : i32
      %dma_wait3A_638 = arith.constant 0 : i32
      %dma_wait3A_639 = tpu.memref_slice %arg4[%dma_wait3A_637, %dma_wait3A_638] : memref<100000x64xf32, #tpu.memory_space<hbm>> -> memref<100000x64xf32, #tpu.memory_space<hbm>>
      tpu.wait_indirect_dma semaphore(%arg24 : memref<!tpu.dma_semaphore, #tpu.memory_space<semaphore_mem>>) src(%dma_wait3A_639 : memref<100000x64xf32, #tpu.memory_space<hbm>>) dst(%dma_wait3A_633 : memref<128x64xf32, #tpu.memory_space<vmem>>)
      %dma_wait3A_640 = arith.constant 3 : i32
      %dma_wait3A_641 = arith.constant 3 : i32
      %dma_wait3A_642 = arith.constant 0 : i32
      %dma_wait3A_643 = arith.constant 0 : i32
      %dma_wait3A_644 = tpu.memref_slice %arg10[%dma_wait3A_641, %dma_wait3A_642, %dma_wait3A_643] : memref<5x128x64xf32, #tpu.memory_space<vmem>> -> memref<1x128x64xf32, #tpu.memory_space<vmem>>
      %dma_wait3A_645 = tpu.memref_squeeze %dma_wait3A_644 : memref<1x128x64xf32, #tpu.memory_space<vmem>> -> memref<128x64xf32, #tpu.memory_space<vmem>>
      %dma_wait3A_646 = arith.constant 0 : i32
      %dma_wait3A_647 = tpu.memref_slice %arg8[%dma_wait3A_640, %dma_wait3A_646] : memref<5x128xi32, #tpu.memory_space<vmem>> -> memref<1x128xi32, #tpu.memory_space<vmem>>
      %dma_wait3A_648 = tpu.memref_squeeze %dma_wait3A_647 : memref<1x128xi32, #tpu.memory_space<vmem>> -> memref<128xi32, #tpu.memory_space<vmem>>
      %dma_wait3A_649 = arith.constant 0 : i32
      %dma_wait3A_650 = arith.constant 0 : i32
      %dma_wait3A_651 = tpu.memref_slice %arg5[%dma_wait3A_649, %dma_wait3A_650] : memref<100000x64xf32, #tpu.memory_space<hbm>> -> memref<100000x64xf32, #tpu.memory_space<hbm>>
      tpu.wait_indirect_dma semaphore(%arg29 : memref<!tpu.dma_semaphore, #tpu.memory_space<semaphore_mem>>) src(%dma_wait3A_651 : memref<100000x64xf32, #tpu.memory_space<hbm>>) dst(%dma_wait3A_645 : memref<128x64xf32, #tpu.memory_space<vmem>>)
      %add3A_652 = arith.constant 5 : i32
      %add3A_653 = arith.addi %add3A_627, %add3A_652 : i32
      %lt3A_654 = arith.constant 200 : i32
      %lt3A_655 = arith.cmpi slt, %add3A_653, %lt3A_654 : i32
      %convert_element_type3A_656 = arith.extui %lt3A_655 : i1 to i32
      %cond3A_657 = arith.constant 0 : i32
      %cond3A_658 = arith.cmpi ne, %convert_element_type3A_656, %cond3A_657 : i32
      scf.if %cond3A_658 {
        %add3A_744 = arith.constant 5 : i32
        %add3A_745 = arith.addi %add3A_627, %add3A_744 : i32
        %add3A_746 = arith.addi %mul3A_4, %add3A_745 : i32
        %dma_start3A_747 = arith.constant 3 : i32
        %dma_start3A_748 = arith.constant 0 : i32
        %dma_start3A_749 = tpu.memref_slice %arg7[%dma_start3A_747, %dma_start3A_748] : memref<5x128xi32, #tpu.memory_space<vmem>> -> memref<1x128xi32, #tpu.memory_space<vmem>>
        %dma_start3A_750 = tpu.memref_squeeze %dma_start3A_749 : memref<1x128xi32, #tpu.memory_space<vmem>> -> memref<128xi32, #tpu.memory_space<vmem>>
        %dma_start3A_751 = arith.constant 0 : i32
        %dma_start3A_752 = tpu.memref_slice %arg2[%add3A_746, %dma_start3A_751] : memref<6400x128xi32, #tpu.memory_space<hbm>> -> memref<1x128xi32, #tpu.memory_space<hbm>>
        %dma_start3A_753 = tpu.memref_squeeze %dma_start3A_752 : memref<1x128xi32, #tpu.memory_space<hbm>> -> memref<128xi32, #tpu.memory_space<hbm>>
        %dma_start3A_754 = arith.constant 0 : i32
        %dma_start3A_755 = tpu.memref_slice %arg7[%dma_start3A_747, %dma_start3A_754] : memref<5x128xi32, #tpu.memory_space<vmem>> -> memref<1x128xi32, #tpu.memory_space<vmem>>
        %dma_start3A_756 = tpu.memref_squeeze %dma_start3A_755 : memref<1x128xi32, #tpu.memory_space<vmem>> -> memref<128xi32, #tpu.memory_space<vmem>>
        %dma_start3A_757 = arith.constant 0 : i32
        %dma_start3A_758 = tpu.memref_slice %arg2[%add3A_746, %dma_start3A_757] : memref<6400x128xi32, #tpu.memory_space<hbm>> -> memref<1x128xi32, #tpu.memory_space<hbm>>
        %dma_start3A_759 = tpu.memref_squeeze %dma_start3A_758 : memref<1x128xi32, #tpu.memory_space<hbm>> -> memref<128xi32, #tpu.memory_space<hbm>>
        tpu.enqueue_dma source(%dma_start3A_759 : memref<128xi32, #tpu.memory_space<hbm>>) target(%dma_start3A_756 : memref<128xi32, #tpu.memory_space<vmem>>) target_semaphore(%arg14 : memref<!tpu.dma_semaphore, #tpu.memory_space<semaphore_mem>>)
        %add3A_760 = arith.addi %mul3A_4, %add3A_745 : i32
        %dma_start3A_761 = arith.constant 3 : i32
        %dma_start3A_762 = arith.constant 0 : i32
        %dma_start3A_763 = tpu.memref_slice %arg8[%dma_start3A_761, %dma_start3A_762] : memref<5x128xi32, #tpu.memory_space<vmem>> -> memref<1x128xi32, #tpu.memory_space<vmem>>
        %dma_start3A_764 = tpu.memref_squeeze %dma_start3A_763 : memref<1x128xi32, #tpu.memory_space<vmem>> -> memref<128xi32, #tpu.memory_space<vmem>>
        %dma_start3A_765 = arith.constant 0 : i32
        %dma_start3A_766 = tpu.memref_slice %arg3[%add3A_760, %dma_start3A_765] : memref<6400x128xi32, #tpu.memory_space<hbm>> -> memref<1x128xi32, #tpu.memory_space<hbm>>
        %dma_start3A_767 = tpu.memref_squeeze %dma_start3A_766 : memref<1x128xi32, #tpu.memory_space<hbm>> -> memref<128xi32, #tpu.memory_space<hbm>>
        %dma_start3A_768 = arith.constant 0 : i32
        %dma_start3A_769 = tpu.memref_slice %arg8[%dma_start3A_761, %dma_start3A_768] : memref<5x128xi32, #tpu.memory_space<vmem>> -> memref<1x128xi32, #tpu.memory_space<vmem>>
        %dma_start3A_770 = tpu.memref_squeeze %dma_start3A_769 : memref<1x128xi32, #tpu.memory_space<vmem>> -> memref<128xi32, #tpu.memory_space<vmem>>
        %dma_start3A_771 = arith.constant 0 : i32
        %dma_start3A_772 = tpu.memref_slice %arg3[%add3A_760, %dma_start3A_771] : memref<6400x128xi32, #tpu.memory_space<hbm>> -> memref<1x128xi32, #tpu.memory_space<hbm>>
        %dma_start3A_773 = tpu.memref_squeeze %dma_start3A_772 : memref<1x128xi32, #tpu.memory_space<hbm>> -> memref<128xi32, #tpu.memory_space<hbm>>
        tpu.enqueue_dma source(%dma_start3A_773 : memref<128xi32, #tpu.memory_space<hbm>>) target(%dma_start3A_770 : memref<128xi32, #tpu.memory_space<vmem>>) target_semaphore(%arg19 : memref<!tpu.dma_semaphore, #tpu.memory_space<semaphore_mem>>)
      } else {
      }
      %parallel_loop3A_659 = arith.constant 0 : i32
      %parallel_loop3A_660 = arith.constant 128 : i32
      %parallel_loop3A_661 = arith.constant 1 : i32
      scf.for %parallel_loop3A_744 = %parallel_loop3A_659 to %parallel_loop3A_660 step %parallel_loop3A_661  : i32 {
        %parallel_loop3A_745 = arith.constant 3 : i32
        %parallel_loop3A_746 = arith.index_cast %parallel_loop3A_745 : i32 to index
        %parallel_loop3A_747 = arith.index_cast %parallel_loop3A_744 : i32 to index
        %parallel_loop3A_748 = arith.constant 0 : index
        %parallel_loop3A_749 = tpu.vector_load %arg9[%parallel_loop3A_746, %parallel_loop3A_747, %parallel_loop3A_748] {strides = array<i32>} : memref<5x128x64xf32, #tpu.memory_space<vmem>>, vector<1x1x16xf32>,
        %parallel_loop3A_750 = vector.shape_cast %parallel_loop3A_749 : vector<1x1x16xf32> to vector<16xf32>
        %parallel_loop3A_751 = arith.constant 3 : i32
        %parallel_loop3A_752 = arith.index_cast %parallel_loop3A_751 : i32 to index
        %parallel_loop3A_753 = arith.index_cast %parallel_loop3A_744 : i32 to index
        %parallel_loop3A_754 = arith.constant 0 : index
        %parallel_loop3A_755 = tpu.vector_load %arg10[%parallel_loop3A_752, %parallel_loop3A_753, %parallel_loop3A_754] {strides = array<i32>} : memref<5x128x64xf32, #tpu.memory_space<vmem>>, vector<1x1x16xf32>,
        %parallel_loop3A_756 = vector.shape_cast %parallel_loop3A_755 : vector<1x1x16xf32> to vector<16xf32>
        %parallel_loop3A_757 = arith.addf %parallel_loop3A_750, %parallel_loop3A_756 : vector<16xf32>
        %parallel_loop3A_758 = arith.constant 3 : i32
        %parallel_loop3A_759 = arith.index_cast %parallel_loop3A_758 : i32 to index
        %parallel_loop3A_760 = arith.index_cast %parallel_loop3A_744 : i32 to index
        %parallel_loop3A_761 = arith.constant 0 : index
        %parallel_loop3A_762 = tpu.vector_load %arg9[%parallel_loop3A_759, %parallel_loop3A_760, %parallel_loop3A_761] {strides = array<i32>} : memref<5x128x64xf32, #tpu.memory_space<vmem>>, vector<1x1x16xf32>,
        %parallel_loop3A_763 = vector.shape_cast %parallel_loop3A_762 : vector<1x1x16xf32> to vector<16xf32>
        %parallel_loop3A_764 = vector.shape_cast %parallel_loop3A_757 : vector<16xf32> to vector<1x1x16xf32>
        tpu.vector_store %arg9[%parallel_loop3A_759, %parallel_loop3A_760, %parallel_loop3A_761], %parallel_loop3A_764 {strides = array<i32>} : memref<5x128x64xf32, #tpu.memory_space<vmem>>, vector<1x1x16xf32>,
        %parallel_loop3A_765 = arith.constant 3 : i32
        %parallel_loop3A_766 = arith.index_cast %parallel_loop3A_765 : i32 to index
        %parallel_loop3A_767 = arith.index_cast %parallel_loop3A_744 : i32 to index
        %parallel_loop3A_768 = arith.constant 16 : index
        %parallel_loop3A_769 = tpu.vector_load %arg9[%parallel_loop3A_766, %parallel_loop3A_767, %parallel_loop3A_768] {strides = array<i32>} : memref<5x128x64xf32, #tpu.memory_space<vmem>>, vector<1x1x16xf32>,
        %parallel_loop3A_770 = vector.shape_cast %parallel_loop3A_769 : vector<1x1x16xf32> to vector<16xf32>
        %parallel_loop3A_771 = arith.constant 3 : i32
        %parallel_loop3A_772 = arith.index_cast %parallel_loop3A_771 : i32 to index
        %parallel_loop3A_773 = arith.index_cast %parallel_loop3A_744 : i32 to index
        %parallel_loop3A_774 = arith.constant 16 : index
        %parallel_loop3A_775 = tpu.vector_load %arg10[%parallel_loop3A_772, %parallel_loop3A_773, %parallel_loop3A_774] {strides = array<i32>} : memref<5x128x64xf32, #tpu.memory_space<vmem>>, vector<1x1x16xf32>,
        %parallel_loop3A_776 = vector.shape_cast %parallel_loop3A_775 : vector<1x1x16xf32> to vector<16xf32>
        %parallel_loop3A_777 = arith.addf %parallel_loop3A_770, %parallel_loop3A_776 : vector<16xf32>
        %parallel_loop3A_778 = arith.constant 3 : i32
        %parallel_loop3A_779 = arith.index_cast %parallel_loop3A_778 : i32 to index
        %parallel_loop3A_780 = arith.index_cast %parallel_loop3A_744 : i32 to index
        %parallel_loop3A_781 = arith.constant 16 : index
        %parallel_loop3A_782 = tpu.vector_load %arg9[%parallel_loop3A_779, %parallel_loop3A_780, %parallel_loop3A_781] {strides = array<i32>} : memref<5x128x64xf32, #tpu.memory_space<vmem>>, vector<1x1x16xf32>,
        %parallel_loop3A_783 = vector.shape_cast %parallel_loop3A_782 : vector<1x1x16xf32> to vector<16xf32>
        %parallel_loop3A_784 = vector.shape_cast %parallel_loop3A_777 : vector<16xf32> to vector<1x1x16xf32>
        tpu.vector_store %arg9[%parallel_loop3A_779, %parallel_loop3A_780, %parallel_loop3A_781], %parallel_loop3A_784 {strides = array<i32>} : memref<5x128x64xf32, #tpu.memory_space<vmem>>, vector<1x1x16xf32>,
        %parallel_loop3A_785 = arith.constant 3 : i32
        %parallel_loop3A_786 = arith.index_cast %parallel_loop3A_785 : i32 to index
        %parallel_loop3A_787 = arith.index_cast %parallel_loop3A_744 : i32 to index
        %parallel_loop3A_788 = arith.constant 32 : index
        %parallel_loop3A_789 = tpu.vector_load %arg9[%parallel_loop3A_786, %parallel_loop3A_787, %parallel_loop3A_788] {strides = array<i32>} : memref<5x128x64xf32, #tpu.memory_space<vmem>>, vector<1x1x16xf32>,
        %parallel_loop3A_790 = vector.shape_cast %parallel_loop3A_789 : vector<1x1x16xf32> to vector<16xf32>
        %parallel_loop3A_791 = arith.constant 3 : i32
        %parallel_loop3A_792 = arith.index_cast %parallel_loop3A_791 : i32 to index
        %parallel_loop3A_793 = arith.index_cast %parallel_loop3A_744 : i32 to index
        %parallel_loop3A_794 = arith.constant 32 : index
        %parallel_loop3A_795 = tpu.vector_load %arg10[%parallel_loop3A_792, %parallel_loop3A_793, %parallel_loop3A_794] {strides = array<i32>} : memref<5x128x64xf32, #tpu.memory_space<vmem>>, vector<1x1x16xf32>,
        %parallel_loop3A_796 = vector.shape_cast %parallel_loop3A_795 : vector<1x1x16xf32> to vector<16xf32>
        %parallel_loop3A_797 = arith.addf %parallel_loop3A_790, %parallel_loop3A_796 : vector<16xf32>
        %parallel_loop3A_798 = arith.constant 3 : i32
        %parallel_loop3A_799 = arith.index_cast %parallel_loop3A_798 : i32 to index
        %parallel_loop3A_800 = arith.index_cast %parallel_loop3A_744 : i32 to index
        %parallel_loop3A_801 = arith.constant 32 : index
        %parallel_loop3A_802 = tpu.vector_load %arg9[%parallel_loop3A_799, %parallel_loop3A_800, %parallel_loop3A_801] {strides = array<i32>} : memref<5x128x64xf32, #tpu.memory_space<vmem>>, vector<1x1x16xf32>,
        %parallel_loop3A_803 = vector.shape_cast %parallel_loop3A_802 : vector<1x1x16xf32> to vector<16xf32>
        %parallel_loop3A_804 = vector.shape_cast %parallel_loop3A_797 : vector<16xf32> to vector<1x1x16xf32>
        tpu.vector_store %arg9[%parallel_loop3A_799, %parallel_loop3A_800, %parallel_loop3A_801], %parallel_loop3A_804 {strides = array<i32>} : memref<5x128x64xf32, #tpu.memory_space<vmem>>, vector<1x1x16xf32>,
        %parallel_loop3A_805 = arith.constant 3 : i32
        %parallel_loop3A_806 = arith.index_cast %parallel_loop3A_805 : i32 to index
        %parallel_loop3A_807 = arith.index_cast %parallel_loop3A_744 : i32 to index
        %parallel_loop3A_808 = arith.constant 48 : index
        %parallel_loop3A_809 = tpu.vector_load %arg9[%parallel_loop3A_806, %parallel_loop3A_807, %parallel_loop3A_808] {strides = array<i32>} : memref<5x128x64xf32, #tpu.memory_space<vmem>>, vector<1x1x16xf32>,
        %parallel_loop3A_810 = vector.shape_cast %parallel_loop3A_809 : vector<1x1x16xf32> to vector<16xf32>
        %parallel_loop3A_811 = arith.constant 3 : i32
        %parallel_loop3A_812 = arith.index_cast %parallel_loop3A_811 : i32 to index
        %parallel_loop3A_813 = arith.index_cast %parallel_loop3A_744 : i32 to index
        %parallel_loop3A_814 = arith.constant 48 : index
        %parallel_loop3A_815 = tpu.vector_load %arg10[%parallel_loop3A_812, %parallel_loop3A_813, %parallel_loop3A_814] {strides = array<i32>} : memref<5x128x64xf32, #tpu.memory_space<vmem>>, vector<1x1x16xf32>,
        %parallel_loop3A_816 = vector.shape_cast %parallel_loop3A_815 : vector<1x1x16xf32> to vector<16xf32>
        %parallel_loop3A_817 = arith.addf %parallel_loop3A_810, %parallel_loop3A_816 : vector<16xf32>
        %parallel_loop3A_818 = arith.constant 3 : i32
        %parallel_loop3A_819 = arith.index_cast %parallel_loop3A_818 : i32 to index
        %parallel_loop3A_820 = arith.index_cast %parallel_loop3A_744 : i32 to index
        %parallel_loop3A_821 = arith.constant 48 : index
        %parallel_loop3A_822 = tpu.vector_load %arg9[%parallel_loop3A_819, %parallel_loop3A_820, %parallel_loop3A_821] {strides = array<i32>} : memref<5x128x64xf32, #tpu.memory_space<vmem>>, vector<1x1x16xf32>,
        %parallel_loop3A_823 = vector.shape_cast %parallel_loop3A_822 : vector<1x1x16xf32> to vector<16xf32>
        %parallel_loop3A_824 = vector.shape_cast %parallel_loop3A_817 : vector<16xf32> to vector<1x1x16xf32>
        tpu.vector_store %arg9[%parallel_loop3A_819, %parallel_loop3A_820, %parallel_loop3A_821], %parallel_loop3A_824 {strides = array<i32>} : memref<5x128x64xf32, #tpu.memory_space<vmem>>, vector<1x1x16xf32>,
      } {sc.loop_unroll_factor = 4 : i64, sc.parallel_access}
      %add3A_662 = arith.constant 4 : i32
      %add3A_663 = arith.addi %add3A_627, %add3A_662 : i32
      %lt3A_664 = arith.constant 200 : i32
      %lt3A_665 = arith.cmpi slt, %add3A_663, %lt3A_664 : i32
      %convert_element_type3A_666 = arith.extui %lt3A_665 : i1 to i32
      %cond3A_667 = arith.constant 0 : i32
      %cond3A_668 = arith.cmpi ne, %convert_element_type3A_666, %cond3A_667 : i32
      scf.if %cond3A_668 {
        %add3A_744 = arith.constant 4 : i32
        %add3A_745 = arith.addi %add3A_627, %add3A_744 : i32
        %ge3A = arith.constant 5 : i32
        %ge3A_746 = arith.cmpi sge, %add3A_745, %ge3A : i32
        %convert_element_type3A_747 = arith.extui %ge3A_746 : i1 to i32
        %cond3A_748 = arith.constant 0 : i32
        %cond3A_749 = arith.cmpi ne, %convert_element_type3A_747, %cond3A_748 : i32
        scf.if %cond3A_749 {
          %add3A_806 = arith.constant 4 : i32
          %add3A_807 = arith.addi %add3A_627, %add3A_806 : i32
          %sub3A = arith.constant 5 : i32
          %sub3A_808 = arith.subi %add3A_807, %sub3A : i32
          %mul3A_809 = arith.constant 128 : i32
          %mul3A_810 = arith.muli %sub3A_808, %mul3A_809 : i32
          %add3A_811 = arith.addi %mul3A_2, %mul3A_810 : i32
          %dma_wait3A_812 = arith.constant 2 : i32
          %dma_wait3A_813 = arith.constant 0 : i32
          %dma_wait3A_814 = arith.constant 0 : i32
          %dma_wait3A_815 = tpu.memref_slice %arg9[%dma_wait3A_812, %dma_wait3A_813, %dma_wait3A_814] : memref<5x128x64xf32, #tpu.memory_space<vmem>> -> memref<1x128x64xf32, #tpu.memory_space<vmem>>
          %dma_wait3A_816 = tpu.memref_squeeze %dma_wait3A_815 : memref<1x128x64xf32, #tpu.memory_space<vmem>> -> memref<128x64xf32, #tpu.memory_space<vmem>>
          %dma_wait3A_817 = arith.constant 0 : i32
          %dma_wait3A_818 = tpu.memref_slice %arg6[%add3A_811, %dma_wait3A_817] : memref<819200x64xf32, #tpu.memory_space<hbm>> -> memref<128x64xf32, #tpu.memory_space<hbm>>
          %dma_wait3A_819 = arith.constant 0 : i32
          %dma_wait3A_820 = tpu.memref_slice %arg6[%add3A_811, %dma_wait3A_819] : memref<819200x64xf32, #tpu.memory_space<hbm>> -> memref<128x64xf32, #tpu.memory_space<hbm>>
          %dma_wait3A_821 = arith.constant 0 : i32
          %dma_wait3A_822 = arith.constant 0 : i32
          %dma_wait3A_823 = tpu.memref_slice %arg9[%dma_wait3A_812, %dma_wait3A_821, %dma_wait3A_822] : memref<5x128x64xf32, #tpu.memory_space<vmem>> -> memref<1x128x64xf32, #tpu.memory_space<vmem>>
          %dma_wait3A_824 = tpu.memref_squeeze %dma_wait3A_823 : memref<1x128x64xf32, #tpu.memory_space<vmem>> -> memref<128x64xf32, #tpu.memory_space<vmem>>
          tpu.wait_dma2 semaphore(%arg33 : memref<!tpu.dma_semaphore, #tpu.memory_space<semaphore_mem>>) src(%dma_wait3A_824 : memref<128x64xf32, #tpu.memory_space<vmem>>) dst(%dma_wait3A_820 : memref<128x64xf32, #tpu.memory_space<hbm>>)
        } else {
        }
        %add3A_750 = arith.constant 4 : i32
        %add3A_751 = arith.addi %add3A_627, %add3A_750 : i32
        %add3A_752 = arith.addi %mul3A_4, %add3A_751 : i32
        %dma_wait3A_753 = arith.constant 2 : i32
        %dma_wait3A_754 = arith.constant 0 : i32
        %dma_wait3A_755 = tpu.memref_slice %arg7[%dma_wait3A_753, %dma_wait3A_754] : memref<5x128xi32, #tpu.memory_space<vmem>> -> memref<1x128xi32, #tpu.memory_space<vmem>>
        %dma_wait3A_756 = tpu.memref_squeeze %dma_wait3A_755 : memref<1x128xi32, #tpu.memory_space<vmem>> -> memref<128xi32, #tpu.memory_space<vmem>>
        %dma_wait3A_757 = arith.constant 0 : i32
        %dma_wait3A_758 = tpu.memref_slice %arg2[%add3A_752, %dma_wait3A_757] : memref<6400x128xi32, #tpu.memory_space<hbm>> -> memref<1x128xi32, #tpu.memory_space<hbm>>
        %dma_wait3A_759 = tpu.memref_squeeze %dma_wait3A_758 : memref<1x128xi32, #tpu.memory_space<hbm>> -> memref<128xi32, #tpu.memory_space<hbm>>
        %dma_wait3A_760 = arith.constant 0 : i32
        %dma_wait3A_761 = tpu.memref_slice %arg7[%dma_wait3A_753, %dma_wait3A_760] : memref<5x128xi32, #tpu.memory_space<vmem>> -> memref<1x128xi32, #tpu.memory_space<vmem>>
        %dma_wait3A_762 = tpu.memref_squeeze %dma_wait3A_761 : memref<1x128xi32, #tpu.memory_space<vmem>> -> memref<128xi32, #tpu.memory_space<vmem>>
        %dma_wait3A_763 = arith.constant 0 : i32
        %dma_wait3A_764 = tpu.memref_slice %arg2[%add3A_752, %dma_wait3A_763] : memref<6400x128xi32, #tpu.memory_space<hbm>> -> memref<1x128xi32, #tpu.memory_space<hbm>>
        %dma_wait3A_765 = tpu.memref_squeeze %dma_wait3A_764 : memref<1x128xi32, #tpu.memory_space<hbm>> -> memref<128xi32, #tpu.memory_space<hbm>>
        tpu.wait_dma2 semaphore(%arg13 : memref<!tpu.dma_semaphore, #tpu.memory_space<semaphore_mem>>) src(%dma_wait3A_765 : memref<128xi32, #tpu.memory_space<hbm>>) dst(%dma_wait3A_762 : memref<128xi32, #tpu.memory_space<vmem>>)
        %add3A_766 = arith.addi %mul3A_4, %add3A_751 : i32
        %dma_wait3A_767 = arith.constant 2 : i32
        %dma_wait3A_768 = arith.constant 0 : i32
        %dma_wait3A_769 = tpu.memref_slice %arg8[%dma_wait3A_767, %dma_wait3A_768] : memref<5x128xi32, #tpu.memory_space<vmem>> -> memref<1x128xi32, #tpu.memory_space<vmem>>
        %dma_wait3A_770 = tpu.memref_squeeze %dma_wait3A_769 : memref<1x128xi32, #tpu.memory_space<vmem>> -> memref<128xi32, #tpu.memory_space<vmem>>
        %dma_wait3A_771 = arith.constant 0 : i32
        %dma_wait3A_772 = tpu.memref_slice %arg3[%add3A_766, %dma_wait3A_771] : memref<6400x128xi32, #tpu.memory_space<hbm>> -> memref<1x128xi32, #tpu.memory_space<hbm>>
        %dma_wait3A_773 = tpu.memref_squeeze %dma_wait3A_772 : memref<1x128xi32, #tpu.memory_space<hbm>> -> memref<128xi32, #tpu.memory_space<hbm>>
        %dma_wait3A_774 = arith.constant 0 : i32
        %dma_wait3A_775 = tpu.memref_slice %arg8[%dma_wait3A_767, %dma_wait3A_774] : memref<5x128xi32, #tpu.memory_space<vmem>> -> memref<1x128xi32, #tpu.memory_space<vmem>>
        %dma_wait3A_776 = tpu.memref_squeeze %dma_wait3A_775 : memref<1x128xi32, #tpu.memory_space<vmem>> -> memref<128xi32, #tpu.memory_space<vmem>>
        %dma_wait3A_777 = arith.constant 0 : i32
        %dma_wait3A_778 = tpu.memref_slice %arg3[%add3A_766, %dma_wait3A_777] : memref<6400x128xi32, #tpu.memory_space<hbm>> -> memref<1x128xi32, #tpu.memory_space<hbm>>
        %dma_wait3A_779 = tpu.memref_squeeze %dma_wait3A_778 : memref<1x128xi32, #tpu.memory_space<hbm>> -> memref<128xi32, #tpu.memory_space<hbm>>
        tpu.wait_dma2 semaphore(%arg18 : memref<!tpu.dma_semaphore, #tpu.memory_space<semaphore_mem>>) src(%dma_wait3A_779 : memref<128xi32, #tpu.memory_space<hbm>>) dst(%dma_wait3A_776 : memref<128xi32, #tpu.memory_space<vmem>>)
        %add3A_780 = arith.constant 4 : i32
        %add3A_781 = arith.addi %add3A_627, %add3A_780 : i32
        %dma_start3A_782 = arith.constant 2 : i32
        %dma_start3A_783 = arith.constant 2 : i32
        %dma_start3A_784 = arith.constant 0 : i32
        %dma_start3A_785 = arith.constant 0 : i32
        %dma_start3A_786 = tpu.memref_slice %arg9[%dma_start3A_783, %dma_start3A_784, %dma_start3A_785] : memref<5x128x64xf32, #tpu.memory_space<vmem>> -> memref<1x128x64xf32, #tpu.memory_space<vmem>>
        %dma_start3A_787 = tpu.memref_squeeze %dma_start3A_786 : memref<1x128x64xf32, #tpu.memory_space<vmem>> -> memref<128x64xf32, #tpu.memory_space<vmem>>
        %dma_start3A_788 = arith.constant 0 : i32
        %dma_start3A_789 = tpu.memref_slice %arg7[%dma_start3A_782, %dma_start3A_788] : memref<5x128xi32, #tpu.memory_space<vmem>> -> memref<1x128xi32, #tpu.memory_space<vmem>>
        %dma_start3A_790 = tpu.memref_squeeze %dma_start3A_789 : memref<1x128xi32, #tpu.memory_space<vmem>> -> memref<128xi32, #tpu.memory_space<vmem>>
        %dma_start3A_791 = arith.constant 0 : i32
        %dma_start3A_792 = arith.constant 0 : i32
        %dma_start3A_793 = tpu.memref_slice %arg4[%dma_start3A_791, %dma_start3A_792] : memref<100000x64xf32, #tpu.memory_space<hbm>> -> memref<100000x64xf32, #tpu.memory_space<hbm>>
        tpu.enqueue_indirect_dma source(%dma_start3A_793 : memref<100000x64xf32, #tpu.memory_space<hbm>>) target(%dma_start3A_787 : memref<128x64xf32, #tpu.memory_space<vmem>>) offsets(%dma_start3A_790 : memref<128xi32, #tpu.memory_space<vmem>>) semaphore(%arg23 : memref<!tpu.dma_semaphore, #tpu.memory_space<semaphore_mem>>)
        %dma_start3A_794 = arith.constant 2 : i32
        %dma_start3A_795 = arith.constant 2 : i32
        %dma_start3A_796 = arith.constant 0 : i32
        %dma_start3A_797 = arith.constant 0 : i32
        %dma_start3A_798 = tpu.memref_slice %arg10[%dma_start3A_795, %dma_start3A_796, %dma_start3A_797] : memref<5x128x64xf32, #tpu.memory_space<vmem>> -> memref<1x128x64xf32, #tpu.memory_space<vmem>>
        %dma_start3A_799 = tpu.memref_squeeze %dma_start3A_798 : memref<1x128x64xf32, #tpu.memory_space<vmem>> -> memref<128x64xf32, #tpu.memory_space<vmem>>
        %dma_start3A_800 = arith.constant 0 : i32
        %dma_start3A_801 = tpu.memref_slice %arg8[%dma_start3A_794, %dma_start3A_800] : memref<5x128xi32, #tpu.memory_space<vmem>> -> memref<1x128xi32, #tpu.memory_space<vmem>>
        %dma_start3A_802 = tpu.memref_squeeze %dma_start3A_801 : memref<1x128xi32, #tpu.memory_space<vmem>> -> memref<128xi32, #tpu.memory_space<vmem>>
        %dma_start3A_803 = arith.constant 0 : i32
        %dma_start3A_804 = arith.constant 0 : i32
        %dma_start3A_805 = tpu.memref_slice %arg5[%dma_start3A_803, %dma_start3A_804] : memref<100000x64xf32, #tpu.memory_space<hbm>> -> memref<100000x64xf32, #tpu.memory_space<hbm>>
        tpu.enqueue_indirect_dma source(%dma_start3A_805 : memref<100000x64xf32, #tpu.memory_space<hbm>>) target(%dma_start3A_799 : memref<128x64xf32, #tpu.memory_space<vmem>>) offsets(%dma_start3A_802 : memref<128xi32, #tpu.memory_space<vmem>>) semaphore(%arg28 : memref<!tpu.dma_semaphore, #tpu.memory_space<semaphore_mem>>)
      } else {
      }
      %mul3A_669 = arith.constant 128 : i32
      %mul3A_670 = arith.muli %add3A_627, %mul3A_669 : i32
      %add3A_671 = arith.addi %mul3A_2, %mul3A_670 : i32
      %dma_start3A_672 = arith.constant 3 : i32
      %dma_start3A_673 = arith.constant 0 : i32
      %dma_start3A_674 = arith.constant 0 : i32
      %dma_start3A_675 = tpu.memref_slice %arg9[%dma_start3A_672, %dma_start3A_673, %dma_start3A_674] : memref<5x128x64xf32, #tpu.memory_space<vmem>> -> memref<1x128x64xf32, #tpu.memory_space<vmem>>
      %dma_start3A_676 = tpu.memref_squeeze %dma_start3A_675 : memref<1x128x64xf32, #tpu.memory_space<vmem>> -> memref<128x64xf32, #tpu.memory_space<vmem>>
      %dma_start3A_677 = arith.constant 0 : i32
      %dma_start3A_678 = tpu.memref_slice %arg6[%add3A_671, %dma_start3A_677] : memref<819200x64xf32, #tpu.memory_space<hbm>> -> memref<128x64xf32, #tpu.memory_space<hbm>>
      %dma_start3A_679 = arith.constant 0 : i32
      %dma_start3A_680 = tpu.memref_slice %arg6[%add3A_671, %dma_start3A_679] : memref<819200x64xf32, #tpu.memory_space<hbm>> -> memref<128x64xf32, #tpu.memory_space<hbm>>
      %dma_start3A_681 = arith.constant 0 : i32
      %dma_start3A_682 = arith.constant 0 : i32
      %dma_start3A_683 = tpu.memref_slice %arg9[%dma_start3A_672, %dma_start3A_681, %dma_start3A_682] : memref<5x128x64xf32, #tpu.memory_space<vmem>> -> memref<1x128x64xf32, #tpu.memory_space<vmem>>
      %dma_start3A_684 = tpu.memref_squeeze %dma_start3A_683 : memref<1x128x64xf32, #tpu.memory_space<vmem>> -> memref<128x64xf32, #tpu.memory_space<vmem>>
      tpu.enqueue_dma source(%dma_start3A_684 : memref<128x64xf32, #tpu.memory_space<vmem>>) target(%dma_start3A_680 : memref<128x64xf32, #tpu.memory_space<hbm>>) target_semaphore(%arg34 : memref<!tpu.dma_semaphore, #tpu.memory_space<semaphore_mem>>)
      %add3A_685 = arith.constant 4 : i32
      %add3A_686 = arith.addi %add3A_452, %add3A_685 : i32
      %dma_wait3A_687 = arith.constant 4 : i32
      %dma_wait3A_688 = arith.constant 4 : i32
      %dma_wait3A_689 = arith.constant 0 : i32
      %dma_wait3A_690 = arith.constant 0 : i32
      %dma_wait3A_691 = tpu.memref_slice %arg9[%dma_wait3A_688, %dma_wait3A_689, %dma_wait3A_690] : memref<5x128x64xf32, #tpu.memory_space<vmem>> -> memref<1x128x64xf32, #tpu.memory_space<vmem>>
      %dma_wait3A_692 = tpu.memref_squeeze %dma_wait3A_691 : memref<1x128x64xf32, #tpu.memory_space<vmem>> -> memref<128x64xf32, #tpu.memory_space<vmem>>
      %dma_wait3A_693 = arith.constant 0 : i32
      %dma_wait3A_694 = tpu.memref_slice %arg7[%dma_wait3A_687, %dma_wait3A_693] : memref<5x128xi32, #tpu.memory_space<vmem>> -> memref<1x128xi32, #tpu.memory_space<vmem>>
      %dma_wait3A_695 = tpu.memref_squeeze %dma_wait3A_694 : memref<1x128xi32, #tpu.memory_space<vmem>> -> memref<128xi32, #tpu.memory_space<vmem>>
      %dma_wait3A_696 = arith.constant 0 : i32
      %dma_wait3A_697 = arith.constant 0 : i32
      %dma_wait3A_698 = tpu.memref_slice %arg4[%dma_wait3A_696, %dma_wait3A_697] : memref<100000x64xf32, #tpu.memory_space<hbm>> -> memref<100000x64xf32, #tpu.memory_space<hbm>>
      tpu.wait_indirect_dma semaphore(%arg25 : memref<!tpu.dma_semaphore, #tpu.memory_space<semaphore_mem>>) src(%dma_wait3A_698 : memref<100000x64xf32, #tpu.memory_space<hbm>>) dst(%dma_wait3A_692 : memref<128x64xf32, #tpu.memory_space<vmem>>)
      %dma_wait3A_699 = arith.constant 4 : i32
      %dma_wait3A_700 = arith.constant 4 : i32
      %dma_wait3A_701 = arith.constant 0 : i32
      %dma_wait3A_702 = arith.constant 0 : i32
      %dma_wait3A_703 = tpu.memref_slice %arg10[%dma_wait3A_700, %dma_wait3A_701, %dma_wait3A_702] : memref<5x128x64xf32, #tpu.memory_space<vmem>> -> memref<1x128x64xf32, #tpu.memory_space<vmem>>
      %dma_wait3A_704 = tpu.memref_squeeze %dma_wait3A_703 : memref<1x128x64xf32, #tpu.memory_space<vmem>> -> memref<128x64xf32, #tpu.memory_space<vmem>>
      %dma_wait3A_705 = arith.constant 0 : i32
      %dma_wait3A_706 = tpu.memref_slice %arg8[%dma_wait3A_699, %dma_wait3A_705] : memref<5x128xi32, #tpu.memory_space<vmem>> -> memref<1x128xi32, #tpu.memory_space<vmem>>
      %dma_wait3A_707 = tpu.memref_squeeze %dma_wait3A_706 : memref<1x128xi32, #tpu.memory_space<vmem>> -> memref<128xi32, #tpu.memory_space<vmem>>
      %dma_wait3A_708 = arith.constant 0 : i32
      %dma_wait3A_709 = arith.constant 0 : i32
      %dma_wait3A_710 = tpu.memref_slice %arg5[%dma_wait3A_708, %dma_wait3A_709] : memref<100000x64xf32, #tpu.memory_space<hbm>> -> memref<100000x64xf32, #tpu.memory_space<hbm>>
      tpu.wait_indirect_dma semaphore(%arg30 : memref<!tpu.dma_semaphore, #tpu.memory_space<semaphore_mem>>) src(%dma_wait3A_710 : memref<100000x64xf32, #tpu.memory_space<hbm>>) dst(%dma_wait3A_704 : memref<128x64xf32, #tpu.memory_space<vmem>>)
      %add3A_711 = arith.constant 5 : i32
      %add3A_712 = arith.addi %add3A_686, %add3A_711 : i32
      %lt3A_713 = arith.constant 200 : i32
      %lt3A_714 = arith.cmpi slt, %add3A_712, %lt3A_713 : i32
      %convert_element_type3A_715 = arith.extui %lt3A_714 : i1 to i32
      %cond3A_716 = arith.constant 0 : i32
      %cond3A_717 = arith.cmpi ne, %convert_element_type3A_715, %cond3A_716 : i32
      scf.if %cond3A_717 {
        %add3A_744 = arith.constant 5 : i32
        %add3A_745 = arith.addi %add3A_686, %add3A_744 : i32
        %add3A_746 = arith.addi %mul3A_4, %add3A_745 : i32
        %dma_start3A_747 = arith.constant 4 : i32
        %dma_start3A_748 = arith.constant 0 : i32
        %dma_start3A_749 = tpu.memref_slice %arg7[%dma_start3A_747, %dma_start3A_748] : memref<5x128xi32, #tpu.memory_space<vmem>> -> memref<1x128xi32, #tpu.memory_space<vmem>>
        %dma_start3A_750 = tpu.memref_squeeze %dma_start3A_749 : memref<1x128xi32, #tpu.memory_space<vmem>> -> memref<128xi32, #tpu.memory_space<vmem>>
        %dma_start3A_751 = arith.constant 0 : i32
        %dma_start3A_752 = tpu.memref_slice %arg2[%add3A_746, %dma_start3A_751] : memref<6400x128xi32, #tpu.memory_space<hbm>> -> memref<1x128xi32, #tpu.memory_space<hbm>>
        %dma_start3A_753 = tpu.memref_squeeze %dma_start3A_752 : memref<1x128xi32, #tpu.memory_space<hbm>> -> memref<128xi32, #tpu.memory_space<hbm>>
        %dma_start3A_754 = arith.constant 0 : i32
        %dma_start3A_755 = tpu.memref_slice %arg7[%dma_start3A_747, %dma_start3A_754] : memref<5x128xi32, #tpu.memory_space<vmem>> -> memref<1x128xi32, #tpu.memory_space<vmem>>
        %dma_start3A_756 = tpu.memref_squeeze %dma_start3A_755 : memref<1x128xi32, #tpu.memory_space<vmem>> -> memref<128xi32, #tpu.memory_space<vmem>>
        %dma_start3A_757 = arith.constant 0 : i32
        %dma_start3A_758 = tpu.memref_slice %arg2[%add3A_746, %dma_start3A_757] : memref<6400x128xi32, #tpu.memory_space<hbm>> -> memref<1x128xi32, #tpu.memory_space<hbm>>
        %dma_start3A_759 = tpu.memref_squeeze %dma_start3A_758 : memref<1x128xi32, #tpu.memory_space<hbm>> -> memref<128xi32, #tpu.memory_space<hbm>>
        tpu.enqueue_dma source(%dma_start3A_759 : memref<128xi32, #tpu.memory_space<hbm>>) target(%dma_start3A_756 : memref<128xi32, #tpu.memory_space<vmem>>) target_semaphore(%arg15 : memref<!tpu.dma_semaphore, #tpu.memory_space<semaphore_mem>>)
        %add3A_760 = arith.addi %mul3A_4, %add3A_745 : i32
        %dma_start3A_761 = arith.constant 4 : i32
        %dma_start3A_762 = arith.constant 0 : i32
        %dma_start3A_763 = tpu.memref_slice %arg8[%dma_start3A_761, %dma_start3A_762] : memref<5x128xi32, #tpu.memory_space<vmem>> -> memref<1x128xi32, #tpu.memory_space<vmem>>
        %dma_start3A_764 = tpu.memref_squeeze %dma_start3A_763 : memref<1x128xi32, #tpu.memory_space<vmem>> -> memref<128xi32, #tpu.memory_space<vmem>>
        %dma_start3A_765 = arith.constant 0 : i32
        %dma_start3A_766 = tpu.memref_slice %arg3[%add3A_760, %dma_start3A_765] : memref<6400x128xi32, #tpu.memory_space<hbm>> -> memref<1x128xi32, #tpu.memory_space<hbm>>
        %dma_start3A_767 = tpu.memref_squeeze %dma_start3A_766 : memref<1x128xi32, #tpu.memory_space<hbm>> -> memref<128xi32, #tpu.memory_space<hbm>>
        %dma_start3A_768 = arith.constant 0 : i32
        %dma_start3A_769 = tpu.memref_slice %arg8[%dma_start3A_761, %dma_start3A_768] : memref<5x128xi32, #tpu.memory_space<vmem>> -> memref<1x128xi32, #tpu.memory_space<vmem>>
        %dma_start3A_770 = tpu.memref_squeeze %dma_start3A_769 : memref<1x128xi32, #tpu.memory_space<vmem>> -> memref<128xi32, #tpu.memory_space<vmem>>
        %dma_start3A_771 = arith.constant 0 : i32
        %dma_start3A_772 = tpu.memref_slice %arg3[%add3A_760, %dma_start3A_771] : memref<6400x128xi32, #tpu.memory_space<hbm>> -> memref<1x128xi32, #tpu.memory_space<hbm>>
        %dma_start3A_773 = tpu.memref_squeeze %dma_start3A_772 : memref<1x128xi32, #tpu.memory_space<hbm>> -> memref<128xi32, #tpu.memory_space<hbm>>
        tpu.enqueue_dma source(%dma_start3A_773 : memref<128xi32, #tpu.memory_space<hbm>>) target(%dma_start3A_770 : memref<128xi32, #tpu.memory_space<vmem>>) target_semaphore(%arg20 : memref<!tpu.dma_semaphore, #tpu.memory_space<semaphore_mem>>)
      } else {
      }
      %parallel_loop3A_718 = arith.constant 0 : i32
      %parallel_loop3A_719 = arith.constant 128 : i32
      %parallel_loop3A_720 = arith.constant 1 : i32
      scf.for %parallel_loop3A_744 = %parallel_loop3A_718 to %parallel_loop3A_719 step %parallel_loop3A_720  : i32 {
        %parallel_loop3A_745 = arith.constant 4 : i32
        %parallel_loop3A_746 = arith.index_cast %parallel_loop3A_745 : i32 to index
        %parallel_loop3A_747 = arith.index_cast %parallel_loop3A_744 : i32 to index
        %parallel_loop3A_748 = arith.constant 0 : index
        %parallel_loop3A_749 = tpu.vector_load %arg9[%parallel_loop3A_746, %parallel_loop3A_747, %parallel_loop3A_748] {strides = array<i32>} : memref<5x128x64xf32, #tpu.memory_space<vmem>>, vector<1x1x16xf32>,
        %parallel_loop3A_750 = vector.shape_cast %parallel_loop3A_749 : vector<1x1x16xf32> to vector<16xf32>
        %parallel_loop3A_751 = arith.constant 4 : i32
        %parallel_loop3A_752 = arith.index_cast %parallel_loop3A_751 : i32 to index
        %parallel_loop3A_753 = arith.index_cast %parallel_loop3A_744 : i32 to index
        %parallel_loop3A_754 = arith.constant 0 : index
        %parallel_loop3A_755 = tpu.vector_load %arg10[%parallel_loop3A_752, %parallel_loop3A_753, %parallel_loop3A_754] {strides = array<i32>} : memref<5x128x64xf32, #tpu.memory_space<vmem>>, vector<1x1x16xf32>,
        %parallel_loop3A_756 = vector.shape_cast %parallel_loop3A_755 : vector<1x1x16xf32> to vector<16xf32>
        %parallel_loop3A_757 = arith.addf %parallel_loop3A_750, %parallel_loop3A_756 : vector<16xf32>
        %parallel_loop3A_758 = arith.constant 4 : i32
        %parallel_loop3A_759 = arith.index_cast %parallel_loop3A_758 : i32 to index
        %parallel_loop3A_760 = arith.index_cast %parallel_loop3A_744 : i32 to index
        %parallel_loop3A_761 = arith.constant 0 : index
        %parallel_loop3A_762 = tpu.vector_load %arg9[%parallel_loop3A_759, %parallel_loop3A_760, %parallel_loop3A_761] {strides = array<i32>} : memref<5x128x64xf32, #tpu.memory_space<vmem>>, vector<1x1x16xf32>,
        %parallel_loop3A_763 = vector.shape_cast %parallel_loop3A_762 : vector<1x1x16xf32> to vector<16xf32>
        %parallel_loop3A_764 = vector.shape_cast %parallel_loop3A_757 : vector<16xf32> to vector<1x1x16xf32>
        tpu.vector_store %arg9[%parallel_loop3A_759, %parallel_loop3A_760, %parallel_loop3A_761], %parallel_loop3A_764 {strides = array<i32>} : memref<5x128x64xf32, #tpu.memory_space<vmem>>, vector<1x1x16xf32>,
        %parallel_loop3A_765 = arith.constant 4 : i32
        %parallel_loop3A_766 = arith.index_cast %parallel_loop3A_765 : i32 to index
        %parallel_loop3A_767 = arith.index_cast %parallel_loop3A_744 : i32 to index
        %parallel_loop3A_768 = arith.constant 16 : index
        %parallel_loop3A_769 = tpu.vector_load %arg9[%parallel_loop3A_766, %parallel_loop3A_767, %parallel_loop3A_768] {strides = array<i32>} : memref<5x128x64xf32, #tpu.memory_space<vmem>>, vector<1x1x16xf32>,
        %parallel_loop3A_770 = vector.shape_cast %parallel_loop3A_769 : vector<1x1x16xf32> to vector<16xf32>
        %parallel_loop3A_771 = arith.constant 4 : i32
        %parallel_loop3A_772 = arith.index_cast %parallel_loop3A_771 : i32 to index
        %parallel_loop3A_773 = arith.index_cast %parallel_loop3A_744 : i32 to index
        %parallel_loop3A_774 = arith.constant 16 : index
        %parallel_loop3A_775 = tpu.vector_load %arg10[%parallel_loop3A_772, %parallel_loop3A_773, %parallel_loop3A_774] {strides = array<i32>} : memref<5x128x64xf32, #tpu.memory_space<vmem>>, vector<1x1x16xf32>,
        %parallel_loop3A_776 = vector.shape_cast %parallel_loop3A_775 : vector<1x1x16xf32> to vector<16xf32>
        %parallel_loop3A_777 = arith.addf %parallel_loop3A_770, %parallel_loop3A_776 : vector<16xf32>
        %parallel_loop3A_778 = arith.constant 4 : i32
        %parallel_loop3A_779 = arith.index_cast %parallel_loop3A_778 : i32 to index
        %parallel_loop3A_780 = arith.index_cast %parallel_loop3A_744 : i32 to index
        %parallel_loop3A_781 = arith.constant 16 : index
        %parallel_loop3A_782 = tpu.vector_load %arg9[%parallel_loop3A_779, %parallel_loop3A_780, %parallel_loop3A_781] {strides = array<i32>} : memref<5x128x64xf32, #tpu.memory_space<vmem>>, vector<1x1x16xf32>,
        %parallel_loop3A_783 = vector.shape_cast %parallel_loop3A_782 : vector<1x1x16xf32> to vector<16xf32>
        %parallel_loop3A_784 = vector.shape_cast %parallel_loop3A_777 : vector<16xf32> to vector<1x1x16xf32>
        tpu.vector_store %arg9[%parallel_loop3A_779, %parallel_loop3A_780, %parallel_loop3A_781], %parallel_loop3A_784 {strides = array<i32>} : memref<5x128x64xf32, #tpu.memory_space<vmem>>, vector<1x1x16xf32>,
        %parallel_loop3A_785 = arith.constant 4 : i32
        %parallel_loop3A_786 = arith.index_cast %parallel_loop3A_785 : i32 to index
        %parallel_loop3A_787 = arith.index_cast %parallel_loop3A_744 : i32 to index
        %parallel_loop3A_788 = arith.constant 32 : index
        %parallel_loop3A_789 = tpu.vector_load %arg9[%parallel_loop3A_786, %parallel_loop3A_787, %parallel_loop3A_788] {strides = array<i32>} : memref<5x128x64xf32, #tpu.memory_space<vmem>>, vector<1x1x16xf32>,
        %parallel_loop3A_790 = vector.shape_cast %parallel_loop3A_789 : vector<1x1x16xf32> to vector<16xf32>
        %parallel_loop3A_791 = arith.constant 4 : i32
        %parallel_loop3A_792 = arith.index_cast %parallel_loop3A_791 : i32 to index
        %parallel_loop3A_793 = arith.index_cast %parallel_loop3A_744 : i32 to index
        %parallel_loop3A_794 = arith.constant 32 : index
        %parallel_loop3A_795 = tpu.vector_load %arg10[%parallel_loop3A_792, %parallel_loop3A_793, %parallel_loop3A_794] {strides = array<i32>} : memref<5x128x64xf32, #tpu.memory_space<vmem>>, vector<1x1x16xf32>,
        %parallel_loop3A_796 = vector.shape_cast %parallel_loop3A_795 : vector<1x1x16xf32> to vector<16xf32>
        %parallel_loop3A_797 = arith.addf %parallel_loop3A_790, %parallel_loop3A_796 : vector<16xf32>
        %parallel_loop3A_798 = arith.constant 4 : i32
        %parallel_loop3A_799 = arith.index_cast %parallel_loop3A_798 : i32 to index
        %parallel_loop3A_800 = arith.index_cast %parallel_loop3A_744 : i32 to index
        %parallel_loop3A_801 = arith.constant 32 : index
        %parallel_loop3A_802 = tpu.vector_load %arg9[%parallel_loop3A_799, %parallel_loop3A_800, %parallel_loop3A_801] {strides = array<i32>} : memref<5x128x64xf32, #tpu.memory_space<vmem>>, vector<1x1x16xf32>,
        %parallel_loop3A_803 = vector.shape_cast %parallel_loop3A_802 : vector<1x1x16xf32> to vector<16xf32>
        %parallel_loop3A_804 = vector.shape_cast %parallel_loop3A_797 : vector<16xf32> to vector<1x1x16xf32>
        tpu.vector_store %arg9[%parallel_loop3A_799, %parallel_loop3A_800, %parallel_loop3A_801], %parallel_loop3A_804 {strides = array<i32>} : memref<5x128x64xf32, #tpu.memory_space<vmem>>, vector<1x1x16xf32>,
        %parallel_loop3A_805 = arith.constant 4 : i32
        %parallel_loop3A_806 = arith.index_cast %parallel_loop3A_805 : i32 to index
        %parallel_loop3A_807 = arith.index_cast %parallel_loop3A_744 : i32 to index
        %parallel_loop3A_808 = arith.constant 48 : index
        %parallel_loop3A_809 = tpu.vector_load %arg9[%parallel_loop3A_806, %parallel_loop3A_807, %parallel_loop3A_808] {strides = array<i32>} : memref<5x128x64xf32, #tpu.memory_space<vmem>>, vector<1x1x16xf32>,
        %parallel_loop3A_810 = vector.shape_cast %parallel_loop3A_809 : vector<1x1x16xf32> to vector<16xf32>
        %parallel_loop3A_811 = arith.constant 4 : i32
        %parallel_loop3A_812 = arith.index_cast %parallel_loop3A_811 : i32 to index
        %parallel_loop3A_813 = arith.index_cast %parallel_loop3A_744 : i32 to index
        %parallel_loop3A_814 = arith.constant 48 : index
        %parallel_loop3A_815 = tpu.vector_load %arg10[%parallel_loop3A_812, %parallel_loop3A_813, %parallel_loop3A_814] {strides = array<i32>} : memref<5x128x64xf32, #tpu.memory_space<vmem>>, vector<1x1x16xf32>,
        %parallel_loop3A_816 = vector.shape_cast %parallel_loop3A_815 : vector<1x1x16xf32> to vector<16xf32>
        %parallel_loop3A_817 = arith.addf %parallel_loop3A_810, %parallel_loop3A_816 : vector<16xf32>
        %parallel_loop3A_818 = arith.constant 4 : i32
        %parallel_loop3A_819 = arith.index_cast %parallel_loop3A_818 : i32 to index
        %parallel_loop3A_820 = arith.index_cast %parallel_loop3A_744 : i32 to index
        %parallel_loop3A_821 = arith.constant 48 : index
        %parallel_loop3A_822 = tpu.vector_load %arg9[%parallel_loop3A_819, %parallel_loop3A_820, %parallel_loop3A_821] {strides = array<i32>} : memref<5x128x64xf32, #tpu.memory_space<vmem>>, vector<1x1x16xf32>,
        %parallel_loop3A_823 = vector.shape_cast %parallel_loop3A_822 : vector<1x1x16xf32> to vector<16xf32>
        %parallel_loop3A_824 = vector.shape_cast %parallel_loop3A_817 : vector<16xf32> to vector<1x1x16xf32>
        tpu.vector_store %arg9[%parallel_loop3A_819, %parallel_loop3A_820, %parallel_loop3A_821], %parallel_loop3A_824 {strides = array<i32>} : memref<5x128x64xf32, #tpu.memory_space<vmem>>, vector<1x1x16xf32>,
      } {sc.loop_unroll_factor = 4 : i64, sc.parallel_access}
      %add3A_721 = arith.constant 4 : i32
      %add3A_722 = arith.addi %add3A_686, %add3A_721 : i32
      %lt3A_723 = arith.constant 200 : i32
      %lt3A_724 = arith.cmpi slt, %add3A_722, %lt3A_723 : i32
      %convert_element_type3A_725 = arith.extui %lt3A_724 : i1 to i32
      %cond3A_726 = arith.constant 0 : i32
      %cond3A_727 = arith.cmpi ne, %convert_element_type3A_725, %cond3A_726 : i32
      scf.if %cond3A_727 {
        %add3A_744 = arith.constant 4 : i32
        %add3A_745 = arith.addi %add3A_686, %add3A_744 : i32
        %ge3A = arith.constant 5 : i32
        %ge3A_746 = arith.cmpi sge, %add3A_745, %ge3A : i32
        %convert_element_type3A_747 = arith.extui %ge3A_746 : i1 to i32
        %cond3A_748 = arith.constant 0 : i32
        %cond3A_749 = arith.cmpi ne, %convert_element_type3A_747, %cond3A_748 : i32
        scf.if %cond3A_749 {
          %add3A_806 = arith.constant 4 : i32
          %add3A_807 = arith.addi %add3A_686, %add3A_806 : i32
          %sub3A = arith.constant 5 : i32
          %sub3A_808 = arith.subi %add3A_807, %sub3A : i32
          %mul3A_809 = arith.constant 128 : i32
          %mul3A_810 = arith.muli %sub3A_808, %mul3A_809 : i32
          %add3A_811 = arith.addi %mul3A_2, %mul3A_810 : i32
          %dma_wait3A_812 = arith.constant 3 : i32
          %dma_wait3A_813 = arith.constant 0 : i32
          %dma_wait3A_814 = arith.constant 0 : i32
          %dma_wait3A_815 = tpu.memref_slice %arg9[%dma_wait3A_812, %dma_wait3A_813, %dma_wait3A_814] : memref<5x128x64xf32, #tpu.memory_space<vmem>> -> memref<1x128x64xf32, #tpu.memory_space<vmem>>
          %dma_wait3A_816 = tpu.memref_squeeze %dma_wait3A_815 : memref<1x128x64xf32, #tpu.memory_space<vmem>> -> memref<128x64xf32, #tpu.memory_space<vmem>>
          %dma_wait3A_817 = arith.constant 0 : i32
          %dma_wait3A_818 = tpu.memref_slice %arg6[%add3A_811, %dma_wait3A_817] : memref<819200x64xf32, #tpu.memory_space<hbm>> -> memref<128x64xf32, #tpu.memory_space<hbm>>
          %dma_wait3A_819 = arith.constant 0 : i32
          %dma_wait3A_820 = tpu.memref_slice %arg6[%add3A_811, %dma_wait3A_819] : memref<819200x64xf32, #tpu.memory_space<hbm>> -> memref<128x64xf32, #tpu.memory_space<hbm>>
          %dma_wait3A_821 = arith.constant 0 : i32
          %dma_wait3A_822 = arith.constant 0 : i32
          %dma_wait3A_823 = tpu.memref_slice %arg9[%dma_wait3A_812, %dma_wait3A_821, %dma_wait3A_822] : memref<5x128x64xf32, #tpu.memory_space<vmem>> -> memref<1x128x64xf32, #tpu.memory_space<vmem>>
          %dma_wait3A_824 = tpu.memref_squeeze %dma_wait3A_823 : memref<1x128x64xf32, #tpu.memory_space<vmem>> -> memref<128x64xf32, #tpu.memory_space<vmem>>
          tpu.wait_dma2 semaphore(%arg34 : memref<!tpu.dma_semaphore, #tpu.memory_space<semaphore_mem>>) src(%dma_wait3A_824 : memref<128x64xf32, #tpu.memory_space<vmem>>) dst(%dma_wait3A_820 : memref<128x64xf32, #tpu.memory_space<hbm>>)
        } else {
        }
        %add3A_750 = arith.constant 4 : i32
        %add3A_751 = arith.addi %add3A_686, %add3A_750 : i32
        %add3A_752 = arith.addi %mul3A_4, %add3A_751 : i32
        %dma_wait3A_753 = arith.constant 3 : i32
        %dma_wait3A_754 = arith.constant 0 : i32
        %dma_wait3A_755 = tpu.memref_slice %arg7[%dma_wait3A_753, %dma_wait3A_754] : memref<5x128xi32, #tpu.memory_space<vmem>> -> memref<1x128xi32, #tpu.memory_space<vmem>>
        %dma_wait3A_756 = tpu.memref_squeeze %dma_wait3A_755 : memref<1x128xi32, #tpu.memory_space<vmem>> -> memref<128xi32, #tpu.memory_space<vmem>>
        %dma_wait3A_757 = arith.constant 0 : i32
        %dma_wait3A_758 = tpu.memref_slice %arg2[%add3A_752, %dma_wait3A_757] : memref<6400x128xi32, #tpu.memory_space<hbm>> -> memref<1x128xi32, #tpu.memory_space<hbm>>
        %dma_wait3A_759 = tpu.memref_squeeze %dma_wait3A_758 : memref<1x128xi32, #tpu.memory_space<hbm>> -> memref<128xi32, #tpu.memory_space<hbm>>
        %dma_wait3A_760 = arith.constant 0 : i32
        %dma_wait3A_761 = tpu.memref_slice %arg7[%dma_wait3A_753, %dma_wait3A_760] : memref<5x128xi32, #tpu.memory_space<vmem>> -> memref<1x128xi32, #tpu.memory_space<vmem>>
        %dma_wait3A_762 = tpu.memref_squeeze %dma_wait3A_761 : memref<1x128xi32, #tpu.memory_space<vmem>> -> memref<128xi32, #tpu.memory_space<vmem>>
        %dma_wait3A_763 = arith.constant 0 : i32
        %dma_wait3A_764 = tpu.memref_slice %arg2[%add3A_752, %dma_wait3A_763] : memref<6400x128xi32, #tpu.memory_space<hbm>> -> memref<1x128xi32, #tpu.memory_space<hbm>>
        %dma_wait3A_765 = tpu.memref_squeeze %dma_wait3A_764 : memref<1x128xi32, #tpu.memory_space<hbm>> -> memref<128xi32, #tpu.memory_space<hbm>>
        tpu.wait_dma2 semaphore(%arg14 : memref<!tpu.dma_semaphore, #tpu.memory_space<semaphore_mem>>) src(%dma_wait3A_765 : memref<128xi32, #tpu.memory_space<hbm>>) dst(%dma_wait3A_762 : memref<128xi32, #tpu.memory_space<vmem>>)
        %add3A_766 = arith.addi %mul3A_4, %add3A_751 : i32
        %dma_wait3A_767 = arith.constant 3 : i32
        %dma_wait3A_768 = arith.constant 0 : i32
        %dma_wait3A_769 = tpu.memref_slice %arg8[%dma_wait3A_767, %dma_wait3A_768] : memref<5x128xi32, #tpu.memory_space<vmem>> -> memref<1x128xi32, #tpu.memory_space<vmem>>
        %dma_wait3A_770 = tpu.memref_squeeze %dma_wait3A_769 : memref<1x128xi32, #tpu.memory_space<vmem>> -> memref<128xi32, #tpu.memory_space<vmem>>
        %dma_wait3A_771 = arith.constant 0 : i32
        %dma_wait3A_772 = tpu.memref_slice %arg3[%add3A_766, %dma_wait3A_771] : memref<6400x128xi32, #tpu.memory_space<hbm>> -> memref<1x128xi32, #tpu.memory_space<hbm>>
        %dma_wait3A_773 = tpu.memref_squeeze %dma_wait3A_772 : memref<1x128xi32, #tpu.memory_space<hbm>> -> memref<128xi32, #tpu.memory_space<hbm>>
        %dma_wait3A_774 = arith.constant 0 : i32
        %dma_wait3A_775 = tpu.memref_slice %arg8[%dma_wait3A_767, %dma_wait3A_774] : memref<5x128xi32, #tpu.memory_space<vmem>> -> memref<1x128xi32, #tpu.memory_space<vmem>>
        %dma_wait3A_776 = tpu.memref_squeeze %dma_wait3A_775 : memref<1x128xi32, #tpu.memory_space<vmem>> -> memref<128xi32, #tpu.memory_space<vmem>>
        %dma_wait3A_777 = arith.constant 0 : i32
        %dma_wait3A_778 = tpu.memref_slice %arg3[%add3A_766, %dma_wait3A_777] : memref<6400x128xi32, #tpu.memory_space<hbm>> -> memref<1x128xi32, #tpu.memory_space<hbm>>
        %dma_wait3A_779 = tpu.memref_squeeze %dma_wait3A_778 : memref<1x128xi32, #tpu.memory_space<hbm>> -> memref<128xi32, #tpu.memory_space<hbm>>
        tpu.wait_dma2 semaphore(%arg19 : memref<!tpu.dma_semaphore, #tpu.memory_space<semaphore_mem>>) src(%dma_wait3A_779 : memref<128xi32, #tpu.memory_space<hbm>>) dst(%dma_wait3A_776 : memref<128xi32, #tpu.memory_space<vmem>>)
        %add3A_780 = arith.constant 4 : i32
        %add3A_781 = arith.addi %add3A_686, %add3A_780 : i32
        %dma_start3A_782 = arith.constant 3 : i32
        %dma_start3A_783 = arith.constant 3 : i32
        %dma_start3A_784 = arith.constant 0 : i32
        %dma_start3A_785 = arith.constant 0 : i32
        %dma_start3A_786 = tpu.memref_slice %arg9[%dma_start3A_783, %dma_start3A_784, %dma_start3A_785] : memref<5x128x64xf32, #tpu.memory_space<vmem>> -> memref<1x128x64xf32, #tpu.memory_space<vmem>>
        %dma_start3A_787 = tpu.memref_squeeze %dma_start3A_786 : memref<1x128x64xf32, #tpu.memory_space<vmem>> -> memref<128x64xf32, #tpu.memory_space<vmem>>
        %dma_start3A_788 = arith.constant 0 : i32
        %dma_start3A_789 = tpu.memref_slice %arg7[%dma_start3A_782, %dma_start3A_788] : memref<5x128xi32, #tpu.memory_space<vmem>> -> memref<1x128xi32, #tpu.memory_space<vmem>>
        %dma_start3A_790 = tpu.memref_squeeze %dma_start3A_789 : memref<1x128xi32, #tpu.memory_space<vmem>> -> memref<128xi32, #tpu.memory_space<vmem>>
        %dma_start3A_791 = arith.constant 0 : i32
        %dma_start3A_792 = arith.constant 0 : i32
        %dma_start3A_793 = tpu.memref_slice %arg4[%dma_start3A_791, %dma_start3A_792] : memref<100000x64xf32, #tpu.memory_space<hbm>> -> memref<100000x64xf32, #tpu.memory_space<hbm>>
        tpu.enqueue_indirect_dma source(%dma_start3A_793 : memref<100000x64xf32, #tpu.memory_space<hbm>>) target(%dma_start3A_787 : memref<128x64xf32, #tpu.memory_space<vmem>>) offsets(%dma_start3A_790 : memref<128xi32, #tpu.memory_space<vmem>>) semaphore(%arg24 : memref<!tpu.dma_semaphore, #tpu.memory_space<semaphore_mem>>)
        %dma_start3A_794 = arith.constant 3 : i32
        %dma_start3A_795 = arith.constant 3 : i32
        %dma_start3A_796 = arith.constant 0 : i32
        %dma_start3A_797 = arith.constant 0 : i32
        %dma_start3A_798 = tpu.memref_slice %arg10[%dma_start3A_795, %dma_start3A_796, %dma_start3A_797] : memref<5x128x64xf32, #tpu.memory_space<vmem>> -> memref<1x128x64xf32, #tpu.memory_space<vmem>>
        %dma_start3A_799 = tpu.memref_squeeze %dma_start3A_798 : memref<1x128x64xf32, #tpu.memory_space<vmem>> -> memref<128x64xf32, #tpu.memory_space<vmem>>
        %dma_start3A_800 = arith.constant 0 : i32
        %dma_start3A_801 = tpu.memref_slice %arg8[%dma_start3A_794, %dma_start3A_800] : memref<5x128xi32, #tpu.memory_space<vmem>> -> memref<1x128xi32, #tpu.memory_space<vmem>>
        %dma_start3A_802 = tpu.memref_squeeze %dma_start3A_801 : memref<1x128xi32, #tpu.memory_space<vmem>> -> memref<128xi32, #tpu.memory_space<vmem>>
        %dma_start3A_803 = arith.constant 0 : i32
        %dma_start3A_804 = arith.constant 0 : i32
        %dma_start3A_805 = tpu.memref_slice %arg5[%dma_start3A_803, %dma_start3A_804] : memref<100000x64xf32, #tpu.memory_space<hbm>> -> memref<100000x64xf32, #tpu.memory_space<hbm>>
        tpu.enqueue_indirect_dma source(%dma_start3A_805 : memref<100000x64xf32, #tpu.memory_space<hbm>>) target(%dma_start3A_799 : memref<128x64xf32, #tpu.memory_space<vmem>>) offsets(%dma_start3A_802 : memref<128xi32, #tpu.memory_space<vmem>>) semaphore(%arg29 : memref<!tpu.dma_semaphore, #tpu.memory_space<semaphore_mem>>)
      } else {
      }
      %mul3A_728 = arith.constant 128 : i32
      %mul3A_729 = arith.muli %add3A_686, %mul3A_728 : i32
      %add3A_730 = arith.addi %mul3A_2, %mul3A_729 : i32
      %dma_start3A_731 = arith.constant 4 : i32
      %dma_start3A_732 = arith.constant 0 : i32
      %dma_start3A_733 = arith.constant 0 : i32
      %dma_start3A_734 = tpu.memref_slice %arg9[%dma_start3A_731, %dma_start3A_732, %dma_start3A_733] : memref<5x128x64xf32, #tpu.memory_space<vmem>> -> memref<1x128x64xf32, #tpu.memory_space<vmem>>
      %dma_start3A_735 = tpu.memref_squeeze %dma_start3A_734 : memref<1x128x64xf32, #tpu.memory_space<vmem>> -> memref<128x64xf32, #tpu.memory_space<vmem>>
      %dma_start3A_736 = arith.constant 0 : i32
      %dma_start3A_737 = tpu.memref_slice %arg6[%add3A_730, %dma_start3A_736] : memref<819200x64xf32, #tpu.memory_space<hbm>> -> memref<128x64xf32, #tpu.memory_space<hbm>>
      %dma_start3A_738 = arith.constant 0 : i32
      %dma_start3A_739 = tpu.memref_slice %arg6[%add3A_730, %dma_start3A_738] : memref<819200x64xf32, #tpu.memory_space<hbm>> -> memref<128x64xf32, #tpu.memory_space<hbm>>
      %dma_start3A_740 = arith.constant 0 : i32
      %dma_start3A_741 = arith.constant 0 : i32
      %dma_start3A_742 = tpu.memref_slice %arg9[%dma_start3A_731, %dma_start3A_740, %dma_start3A_741] : memref<5x128x64xf32, #tpu.memory_space<vmem>> -> memref<1x128x64xf32, #tpu.memory_space<vmem>>
      %dma_start3A_743 = tpu.memref_squeeze %dma_start3A_742 : memref<1x128x64xf32, #tpu.memory_space<vmem>> -> memref<128x64xf32, #tpu.memory_space<vmem>>
      tpu.enqueue_dma source(%dma_start3A_743 : memref<128x64xf32, #tpu.memory_space<vmem>>) target(%dma_start3A_739 : memref<128x64xf32, #tpu.memory_space<hbm>>) target_semaphore(%arg35 : memref<!tpu.dma_semaphore, #tpu.memory_space<semaphore_mem>>)
    }
    %scan3A_372 = arith.constant 40 : i32
    %add3A_373 = arith.constant 24960 : i32
    %add3A_374 = arith.addi %mul3A_2, %add3A_373 : i32
    %dma_wait3A_375 = arith.constant 0 : i32
    %dma_wait3A_376 = arith.constant 0 : i32
    %dma_wait3A_377 = arith.constant 0 : i32
    %dma_wait3A_378 = tpu.memref_slice %arg9[%dma_wait3A_375, %dma_wait3A_376, %dma_wait3A_377] : memref<5x128x64xf32, #tpu.memory_space<vmem>> -> memref<1x128x64xf32, #tpu.memory_space<vmem>>
    %dma_wait3A_379 = tpu.memref_squeeze %dma_wait3A_378 : memref<1x128x64xf32, #tpu.memory_space<vmem>> -> memref<128x64xf32, #tpu.memory_space<vmem>>
    %dma_wait3A_380 = arith.constant 0 : i32
    %dma_wait3A_381 = tpu.memref_slice %arg6[%add3A_374, %dma_wait3A_380] : memref<819200x64xf32, #tpu.memory_space<hbm>> -> memref<128x64xf32, #tpu.memory_space<hbm>>
    %dma_wait3A_382 = arith.constant 0 : i32
    %dma_wait3A_383 = tpu.memref_slice %arg6[%add3A_374, %dma_wait3A_382] : memref<819200x64xf32, #tpu.memory_space<hbm>> -> memref<128x64xf32, #tpu.memory_space<hbm>>
    %dma_wait3A_384 = arith.constant 0 : i32
    %dma_wait3A_385 = arith.constant 0 : i32
    %dma_wait3A_386 = tpu.memref_slice %arg9[%dma_wait3A_375, %dma_wait3A_384, %dma_wait3A_385] : memref<5x128x64xf32, #tpu.memory_space<vmem>> -> memref<1x128x64xf32, #tpu.memory_space<vmem>>
    %dma_wait3A_387 = tpu.memref_squeeze %dma_wait3A_386 : memref<1x128x64xf32, #tpu.memory_space<vmem>> -> memref<128x64xf32, #tpu.memory_space<vmem>>
    tpu.wait_dma2 semaphore(%arg31 : memref<!tpu.dma_semaphore, #tpu.memory_space<semaphore_mem>>) src(%dma_wait3A_387 : memref<128x64xf32, #tpu.memory_space<vmem>>) dst(%dma_wait3A_383 : memref<128x64xf32, #tpu.memory_space<hbm>>)
    %add3A_388 = arith.constant 25088 : i32
    %add3A_389 = arith.addi %mul3A_2, %add3A_388 : i32
    %dma_wait3A_390 = arith.constant 1 : i32
    %dma_wait3A_391 = arith.constant 0 : i32
    %dma_wait3A_392 = arith.constant 0 : i32
    %dma_wait3A_393 = tpu.memref_slice %arg9[%dma_wait3A_390, %dma_wait3A_391, %dma_wait3A_392] : memref<5x128x64xf32, #tpu.memory_space<vmem>> -> memref<1x128x64xf32, #tpu.memory_space<vmem>>
    %dma_wait3A_394 = tpu.memref_squeeze %dma_wait3A_393 : memref<1x128x64xf32, #tpu.memory_space<vmem>> -> memref<128x64xf32, #tpu.memory_space<vmem>>
    %dma_wait3A_395 = arith.constant 0 : i32
    %dma_wait3A_396 = tpu.memref_slice %arg6[%add3A_389, %dma_wait3A_395] : memref<819200x64xf32, #tpu.memory_space<hbm>> -> memref<128x64xf32, #tpu.memory_space<hbm>>
    %dma_wait3A_397 = arith.constant 0 : i32
    %dma_wait3A_398 = tpu.memref_slice %arg6[%add3A_389, %dma_wait3A_397] : memref<819200x64xf32, #tpu.memory_space<hbm>> -> memref<128x64xf32, #tpu.memory_space<hbm>>
    %dma_wait3A_399 = arith.constant 0 : i32
    %dma_wait3A_400 = arith.constant 0 : i32
    %dma_wait3A_401 = tpu.memref_slice %arg9[%dma_wait3A_390, %dma_wait3A_399, %dma_wait3A_400] : memref<5x128x64xf32, #tpu.memory_space<vmem>> -> memref<1x128x64xf32, #tpu.memory_space<vmem>>
    %dma_wait3A_402 = tpu.memref_squeeze %dma_wait3A_401 : memref<1x128x64xf32, #tpu.memory_space<vmem>> -> memref<128x64xf32, #tpu.memory_space<vmem>>
    tpu.wait_dma2 semaphore(%arg32 : memref<!tpu.dma_semaphore, #tpu.memory_space<semaphore_mem>>) src(%dma_wait3A_402 : memref<128x64xf32, #tpu.memory_space<vmem>>) dst(%dma_wait3A_398 : memref<128x64xf32, #tpu.memory_space<hbm>>)
    %add3A_403 = arith.constant 25216 : i32
    %add3A_404 = arith.addi %mul3A_2, %add3A_403 : i32
    %dma_wait3A_405 = arith.constant 2 : i32
    %dma_wait3A_406 = arith.constant 0 : i32
    %dma_wait3A_407 = arith.constant 0 : i32
    %dma_wait3A_408 = tpu.memref_slice %arg9[%dma_wait3A_405, %dma_wait3A_406, %dma_wait3A_407] : memref<5x128x64xf32, #tpu.memory_space<vmem>> -> memref<1x128x64xf32, #tpu.memory_space<vmem>>
    %dma_wait3A_409 = tpu.memref_squeeze %dma_wait3A_408 : memref<1x128x64xf32, #tpu.memory_space<vmem>> -> memref<128x64xf32, #tpu.memory_space<vmem>>
    %dma_wait3A_410 = arith.constant 0 : i32
    %dma_wait3A_411 = tpu.memref_slice %arg6[%add3A_404, %dma_wait3A_410] : memref<819200x64xf32, #tpu.memory_space<hbm>> -> memref<128x64xf32, #tpu.memory_space<hbm>>
    %dma_wait3A_412 = arith.constant 0 : i32
    %dma_wait3A_413 = tpu.memref_slice %arg6[%add3A_404, %dma_wait3A_412] : memref<819200x64xf32, #tpu.memory_space<hbm>> -> memref<128x64xf32, #tpu.memory_space<hbm>>
    %dma_wait3A_414 = arith.constant 0 : i32
    %dma_wait3A_415 = arith.constant 0 : i32
    %dma_wait3A_416 = tpu.memref_slice %arg9[%dma_wait3A_405, %dma_wait3A_414, %dma_wait3A_415] : memref<5x128x64xf32, #tpu.memory_space<vmem>> -> memref<1x128x64xf32, #tpu.memory_space<vmem>>
    %dma_wait3A_417 = tpu.memref_squeeze %dma_wait3A_416 : memref<1x128x64xf32, #tpu.memory_space<vmem>> -> memref<128x64xf32, #tpu.memory_space<vmem>>
    tpu.wait_dma2 semaphore(%arg33 : memref<!tpu.dma_semaphore, #tpu.memory_space<semaphore_mem>>) src(%dma_wait3A_417 : memref<128x64xf32, #tpu.memory_space<vmem>>) dst(%dma_wait3A_413 : memref<128x64xf32, #tpu.memory_space<hbm>>)
    %add3A_418 = arith.constant 25344 : i32
    %add3A_419 = arith.addi %mul3A_2, %add3A_418 : i32
    %dma_wait3A_420 = arith.constant 3 : i32
    %dma_wait3A_421 = arith.constant 0 : i32
    %dma_wait3A_422 = arith.constant 0 : i32
    %dma_wait3A_423 = tpu.memref_slice %arg9[%dma_wait3A_420, %dma_wait3A_421, %dma_wait3A_422] : memref<5x128x64xf32, #tpu.memory_space<vmem>> -> memref<1x128x64xf32, #tpu.memory_space<vmem>>
    %dma_wait3A_424 = tpu.memref_squeeze %dma_wait3A_423 : memref<1x128x64xf32, #tpu.memory_space<vmem>> -> memref<128x64xf32, #tpu.memory_space<vmem>>
    %dma_wait3A_425 = arith.constant 0 : i32
    %dma_wait3A_426 = tpu.memref_slice %arg6[%add3A_419, %dma_wait3A_425] : memref<819200x64xf32, #tpu.memory_space<hbm>> -> memref<128x64xf32, #tpu.memory_space<hbm>>
    %dma_wait3A_427 = arith.constant 0 : i32
    %dma_wait3A_428 = tpu.memref_slice %arg6[%add3A_419, %dma_wait3A_427] : memref<819200x64xf32, #tpu.memory_space<hbm>> -> memref<128x64xf32, #tpu.memory_space<hbm>>
    %dma_wait3A_429 = arith.constant 0 : i32
    %dma_wait3A_430 = arith.constant 0 : i32
    %dma_wait3A_431 = tpu.memref_slice %arg9[%dma_wait3A_420, %dma_wait3A_429, %dma_wait3A_430] : memref<5x128x64xf32, #tpu.memory_space<vmem>> -> memref<1x128x64xf32, #tpu.memory_space<vmem>>
    %dma_wait3A_432 = tpu.memref_squeeze %dma_wait3A_431 : memref<1x128x64xf32, #tpu.memory_space<vmem>> -> memref<128x64xf32, #tpu.memory_space<vmem>>
    tpu.wait_dma2 semaphore(%arg34 : memref<!tpu.dma_semaphore, #tpu.memory_space<semaphore_mem>>) src(%dma_wait3A_432 : memref<128x64xf32, #tpu.memory_space<vmem>>) dst(%dma_wait3A_428 : memref<128x64xf32, #tpu.memory_space<hbm>>)
    %add3A_433 = arith.constant 25472 : i32
    %add3A_434 = arith.addi %mul3A_2, %add3A_433 : i32
    %dma_wait3A_435 = arith.constant 4 : i32
    %dma_wait3A_436 = arith.constant 0 : i32
    %dma_wait3A_437 = arith.constant 0 : i32
    %dma_wait3A_438 = tpu.memref_slice %arg9[%dma_wait3A_435, %dma_wait3A_436, %dma_wait3A_437] : memref<5x128x64xf32, #tpu.memory_space<vmem>> -> memref<1x128x64xf32, #tpu.memory_space<vmem>>
    %dma_wait3A_439 = tpu.memref_squeeze %dma_wait3A_438 : memref<1x128x64xf32, #tpu.memory_space<vmem>> -> memref<128x64xf32, #tpu.memory_space<vmem>>
    %dma_wait3A_440 = arith.constant 0 : i32
    %dma_wait3A_441 = tpu.memref_slice %arg6[%add3A_434, %dma_wait3A_440] : memref<819200x64xf32, #tpu.memory_space<hbm>> -> memref<128x64xf32, #tpu.memory_space<hbm>>
    %dma_wait3A_442 = arith.constant 0 : i32
    %dma_wait3A_443 = tpu.memref_slice %arg6[%add3A_434, %dma_wait3A_442] : memref<819200x64xf32, #tpu.memory_space<hbm>> -> memref<128x64xf32, #tpu.memory_space<hbm>>
    %dma_wait3A_444 = arith.constant 0 : i32
    %dma_wait3A_445 = arith.constant 0 : i32
    %dma_wait3A_446 = tpu.memref_slice %arg9[%dma_wait3A_435, %dma_wait3A_444, %dma_wait3A_445] : memref<5x128x64xf32, #tpu.memory_space<vmem>> -> memref<1x128x64xf32, #tpu.memory_space<vmem>>
    %dma_wait3A_447 = tpu.memref_squeeze %dma_wait3A_446 : memref<1x128x64xf32, #tpu.memory_space<vmem>> -> memref<128x64xf32, #tpu.memory_space<vmem>>
    tpu.wait_dma2 semaphore(%arg35 : memref<!tpu.dma_semaphore, #tpu.memory_space<semaphore_mem>>) src(%dma_wait3A_447 : memref<128x64xf32, #tpu.memory_space<vmem>>) dst(%dma_wait3A_443 : memref<128x64xf32, #tpu.memory_space<hbm>>)
    return
  }
}

</mosaic_0001>

<sc_bundles>
// kernel: _run.3.cloned.1.call-start
scs
__scs_entry_jumppad:
0x0: {  	(pc) =	sbr.rel $0x88, $3  }
0x1: {  	(tag) =	ssettag $0x0;
	lr =	simm.s32 $0x1  }
0x2: {  	[smem:$0x3F9D] =	sst lr;
	_ =	strace $0xD0000000  }
0x3: {  	_ = 	snop  }
0x4: {  	_ = 	snop  }
0x5: {  	_ = 	snop  }
0x6: {  	_ = 	snop  }
0x7: {  	_ = 	snop  }
__scs_overlays_trampoline_lowered:
0x8: {  	[smem:$0x3FAC] =	sst s0  }
0x9: {  	[smem:$0x3FAD] =	sst s1  }
0xa: {  	[smem:$0x3FAE] =	sst s2  }
0xb: {  	[smem:$0x3FAF] =	sst s3  }
0xc: {  	[smem:$0x3FB0] =	sst s4  }
0xd: {  	[smem:$0x3FB1] =	sst s5  }
0xe: {  	[smem:$0x3FB2] =	sst s6  }
0xf: {  	[smem:$0x3FB3] =	sst s7  }
0x10: {  	[smem:$0x3FB4] =	sst s8  }
0x11: {  	[smem:$0x3FB5] =	sst s9;
	s0 =	simm.s32 @!p0 $0x0  }
0x12: {  	s1 =	sld [smem:$0x3F9B];
	s0 =	simm.s32 @p0 $0x1  }
0x13: {  	[smem:$0x3FB6] =	sst s0;
	s0 =	simm.s32 @!p1 $0x0  }
0x14: {  	s2 =	sld [smem:$0x3F9A];
	s0 =	simm.s32 @p1 $0x1  }
0x15: {  	[smem:$0x3FB7] =	sst s0;
	s0 =	simm.s32 @!p2 $0x0  }
0x16: {  	s3 =	sld [smem:$0x3FDB];
	s0 =	simm.s32 @p2 $0x1  }
0x17: {  	s4 =	simm.s32 $0x1BF5;
	[smem:$0x3FB9] =	sst s0  }
0x18: {  	s0 =	sld [smem:$0x3F9C];
	_ =	swait.ge [sflag:s4], $0x0  }
0x19: {  	s7 =	sld [smem:$0x3F9D]  }
0x1a: {  	s8 =	sadd.s32 $0xFFFFE003, lr  }
0x1b: {  	s9 =	sadd.s32 $0xFFFFFEF7, lr;
	s5 =	simm.s32 $0xFFFFFFFF;
	p2 =	slt.u32 s8, $0xFFFFF086  }
0x1c: {  	p1 =	slt.u32 s9, $0xF7A;
	s5 =	simm.s32 @!p2 $0x0  }
0x1d: {  	s5 =	simm.s32 @p1 $0x1;
	p0 =	seq.s32 s7, s2  }
0x1e: {  	s7 =	smul.u32 @!p0 $0xF7A, s2;
	p2 =	seq.s32 @!p0 s5, $0x0  }
0x1f: {  	s9 =	smul.u32 $0xF7A, s1;
	s8 =	simm.s32 @!p0 $0x1BF5;
	p2 =	por !p2, p0  }
0x20: {  	[sflag:s8] =	ssyncset.s32 @!p0 $0xFFFFF086;
	s6 =	sadd.s32 @!p0 s3, s7;
	s7 =	simm.s32 @!p0 $0x108  }
0x21: {  	s3 =	sadd.s32 s3, s9;
	s6 =	sadd.s32 @!p0 $0x88, s6;
	s7 =	simm.s32 @p2 $0x1082  }
0x22: {  	[simem:s7], [sflag:s8] =	dma.local @!p0 [hbm:s6], $0xF7A  }
0x23: {  	s9 =	sor.u32 $0xD0000000, s2;
	s6 =	simm.s32 $0x108;
	_ =	swait.ge @!p0 [sflag:s8], $0x0  }
0x24: {  	s3 =	sadd.s32 $0x88, s3;
	s6 =	simm.s32 @!p1 $0x1082;
	[sflag:s4] =	ssyncset.s32 $0xFFFFF086  }
0x25: {  	[simem:s6], [sflag:s4] =	dma.local [hbm:s3], $0xF7A  }
0x26: {  	[smem:$0x3F9D] =	sst s1;
	(tag) =	ssettag s2;
	_ =	strace s9  }
0x27: {  	s1 =	sld [smem:$0x3FAD]  }
0x28: {  	s2 =	sld [smem:$0x3FAE]  }
0x29: {  	s4 =	sld [smem:$0x3FB0]  }
0x2a: {  	p0 =	seq.s32 s5, $0x0;
	s5 =	sld [smem:$0x3FB1]  }
0x2b: {  	s6 =	sld [smem:$0x3FB2]  }
0x2c: {  	s7 =	sld [smem:$0x3FB3]  }
0x2d: {  	s3 =	simm.s32 $0x108;
	s8 =	sld [smem:$0x3FB4]  }
0x2e: {  	s3 =	simm.s32 @!p0 $0x1082;
	s9 =	sld [smem:$0x3FB5]  }
0x2f: {  	lr =	sadd.s32 s0, s3;
	s0 =	sld [smem:$0x3FAC]  }
0x30: {  	s3 =	sld [smem:$0x3FAF]  }
0x31: {  	[smem:$0x3FB8] =	sst s10  }
0x32: {  	s10 =	sld [smem:$0x3FB6];
	_ =	sdelay $0x3  }
0x33: {  	p0 =	seq.s32 s10, $0x1;
	s10 =	sld [smem:$0x3FB8];
	_ =	sdelay $0x3  }
0x34: {  	[smem:$0x3FB8] =	sst s10  }
0x35: {  	s10 =	sld [smem:$0x3FB7];
	_ =	sdelay $0x3  }
0x36: {  	p1 =	seq.s32 s10, $0x1;
	s10 =	sld [smem:$0x3FB8];
	_ =	sdelay $0x3  }
0x37: {  	[smem:$0x3FB8] =	sst s10  }
0x38: {  	s10 =	sld [smem:$0x3FB9]  }
0x39: {  	_ = 	snop;
	(pc) =	sbr.ind lr, $3  }
0x3a: {  	_ = 	snop  }
0x3b: {  	_ = 	snop  }
0x3c: {  	p2 =	seq.s32 s10, $0x1;
	s10 =	sld [smem:$0x3FB8]  }
0x3d: {  	_ =	shalt  }
0x3e: {  	_ =	shalt  }
0x3f: {  	_ =	shalt  }
0x40: {  	_ =	shalt  }
0x41: {  	_ =	shalt  }
0x42: {  	_ =	shalt  }
0x43: {  	_ =	shalt  }
0x44: {  	_ =	shalt  }
0x45: {  	_ =	shalt  }
0x46: {  	_ =	shalt  }
0x47: {  	_ =	shalt  }
0x48: {  	_ =	shalt  }
0x49: {  	_ =	shalt  }
0x4a: {  	_ =	shalt  }
0x4b: {  	_ =	shalt  }
0x4c: {  	_ =	shalt  }
0x4d: {  	_ =	shalt  }
0x4e: {  	_ =	shalt  }
0x4f: {  	_ =	shalt  }
0x50: {  	_ =	shalt  }
0x51: {  	_ =	shalt  }
0x52: {  	_ =	shalt  }
0x53: {  	_ =	shalt  }
0x54: {  	_ =	shalt  }
0x55: {  	_ =	shalt  }
0x56: {  	_ =	shalt  }
0x57: {  	_ =	shalt  }
0x58: {  	_ =	shalt  }
0x59: {  	_ =	shalt  }
0x5a: {  	_ =	shalt  }
0x5b: {  	_ =	shalt  }
0x5c: {  	_ =	shalt  }
0x5d: {  	_ =	shalt  }
0x5e: {  	_ =	shalt  }
0x5f: {  	_ =	shalt  }
0x60: {  	_ =	shalt  }
0x61: {  	_ =	shalt  }
0x62: {  	_ =	shalt  }
0x63: {  	_ =	shalt  }
0x64: {  	_ =	shalt  }
0x65: {  	_ =	shalt  }
0x66: {  	_ =	shalt  }
0x67: {  	_ =	shalt  }
0x68: {  	_ =	shalt  }
0x69: {  	_ =	shalt  }
0x6a: {  	_ =	shalt  }
0x6b: {  	_ =	shalt  }
0x6c: {  	_ =	shalt  }
0x6d: {  	_ =	shalt  }
0x6e: {  	_ =	shalt  }
0x6f: {  	_ =	shalt  }
0x70: {  	_ =	shalt  }
0x71: {  	_ =	shalt  }
0x72: {  	_ =	shalt  }
0x73: {  	_ =	shalt  }
0x74: {  	_ =	shalt  }
0x75: {  	_ =	shalt  }
0x76: {  	_ =	shalt  }
0x77: {  	_ =	shalt  }
0x78: {  	_ =	shalt  }
0x79: {  	_ =	shalt  }
0x7a: {  	_ =	shalt  }
0x7b: {  	_ =	shalt  }
0x7c: {  	_ =	shalt  }
0x7d: {  	_ =	shalt  }
0x7e: {  	_ =	shalt  }
0x7f: {  	_ =	shalt  }
0x80: {  	_ =	shalt  }
0x81: {  	_ =	shalt  }
0x82: {  	_ =	shalt  }
0x83: {  	_ =	shalt  }
0x84: {  	_ =	shalt  }
0x85: {  	_ =	shalt  }
0x86: {  	_ =	shalt  }
0x87: {  	_ =	shalt  }
.Lfunc_end0:
.L_simem_size_0:
called_computation.1_lowered:
.L_overlay_start_0:
0x88: {  	s2 =	sld [smem:$0x3FD9]  }
0x89: {  	s3 =	sld [smem:$0x3FFE];
	_ =	sdelay $0x1  }
0x8a: {  	s1 =	srdreg.scid  }
0x8b: {  	s0 =	sand.u32 $0x1, s1  }
0x8c: {  	s17 =	sshll.u32 s0, $0xA;
	s2 =	sadd.s32 s3, s2  }
0x8d: {  	s2 =	sadd.s32 s2, s17  }
0x8e: {  	[smem:$0x3FC4] =	sst s2  }
0x8f: {  	_ = 	snop  }
0x90: {  	s2 =	sld [smem:$0x3FC9]  }
0x91: {  	s18 =	sld [smem:$0x3FC8]  }
0x92: {  	s4 =	sld [smem:$0x3FD0];
	(tm) =	ssettm $0x1  }
0x93: {  	s5 =	sld [smem:$0x3FFB];
	_ =	sdelay $0x3  }
0x94: {  	_ =	strace s5  }
0x95: {  	s5 =	sld [smem:$0x3FFC];
	_ =	sdelay $0x3  }
0x96: {  	_ =	strace s5  }
0x97: {  	s5 =	sld [smem:$0x3FFD];
	_ =	sdelay $0x3  }
0x98: {  	_ =	strace s5  }
0x99: {  	_ =	strace $0x8FFFFFFF  }
0x9a: {  	s19 =	sld [smem:$0x3FDB];
	_ =	sdelay $0x1  }
0x9b: {  	s6 =	simm.s32 $_scs_section_size  }
0x9c: {  	s7 =	simm.s32 $_size__tile_overlayer_lowered;
	s8 =	simm.s32 $_tile_overlayer_lowered  }
0x9d: {  	s22 =	simm.s32 $0x1BFF;
	s21 =	sshll.u32 s8, $0x1;
	s5 =	sadd.s32 s6, s19  }
0x9e: {  	s9 =	simm.s32 $0x0;
	s20 =	sshll.u32 s7, $0x1;
	s7 =	sadd.s32 s21, s5  }
0x9f: {  	[timem:s9], [sflag:s22] =	dma.local [hbm:s7], s20  }
0xa0: {  	_ =	swait.ge [sflag:s22], s20  }
0xa1: {  	s6 =	ssub.s32 $0x0, s20;
	[sflag:s22] =	ssyncset.done $0x0  }
0xa2: {  	[sflag:s22] =	ssyncadd.s32 s6;
	_ =	sdelay $0x1  }
0xa3: {  	s23 =	simm.s32 $0x1B8B  }
0xa4: {  	_ =	swait.ge [sflag:s23], $0x1  }
0xa5: {  	[sflag:s23] =	ssyncset.done $0x0  }
0xa6: {  	s25 =	simm.s32 $0x1B8E;
	s24 =	sld [smem:$0x3FFE];
	[sflag:s23] =	ssyncadd.s32 $0xFFFFFFFF  }
0xa7: {  	s26 =	simm.s32 $execute0_lowered;
	[smem:$0x3FD2] =	sst s25  }
0xa8: {  	s7 =	sshll.u32 s26, $0x1;
	_ =	strace $0x80000046;
	[dreg:$0x1] =	wrdreg $0xFFFFFFFF  }
0xa9: {  	s28 =	simm.s32 $_size_execute0_lowered;
	s5 =	sadd.s32 s5, s7;
	[dreg:$0x0] =	wrdreg $0x0  }
0xaa: {  	s7 =	sshll.u32 s28, $0x1;
	[dreg:$0x2] =	wrdreg s5  }
0xab: {  	[dreg:$0x3] =	wrdreg s7  }
0xac: {  	[dreg:$0x4] =	wrdreg $0xC0  }
0xad: {  	_ =	task [dreg:s9], $0x5FFFF  }
0xae: {  	[dreg:$0x1] =	wrdreg $0xFFFFFFFF  }
0xaf: {  	[dreg:$0x0] =	wrdreg $0x60  }
0xb0: {  	[dreg:$0x2] =	wrdreg s2  }
0xb1: {  	[dreg:$0x3] =	wrdreg s18  }
0xb2: {  	[dreg:$0x4] =	wrdreg s24  }
0xb3: {  	[dreg:$0x5] =	wrdreg s4  }
0xb4: {  	[dreg:$0x6] =	wrdreg $0x9  }
0xb5: {  	_ =	task.clear_ibuf [dreg:s9], $0x7FFFF;
	_ =	strace $0x90000046  }
0xb6: {  	s29 =	simm.s32 $0x9;
	_ =	strace $0x80000048  }
0xb7: {  	_ =	swait.ge [sflag:s29], $0x1  }
0xb8: {  	[sflag:s29] =	ssyncadd.s32 $0xFFFFFFFF  }
0xb9: {  	_ =	strace $0x90000048  }
0xba: {  	_ =	sfence  }
0xbb: {  	s30 =	sld [smem:$0x0];
	_ =	sdelay $0x2  }
0xbc: {  	s31 =	sshll.u32 s1, $0xD;
	s1 =	sshrl.u32 s1, $0x2  }
0xbd: {  	s3 =	sand.u32 $0x4000, s31;
	s1 =	sadd.s32 s1, s30  }
0xbe: {  	s0 =	sor.u32 s3, s0;
	s1 =	sshll.u32 s1, $0x11  }
0xbf: {  	s0 =	sor.u32 s1, s0  }
0xc0: {  	s0 =	sadd.s32 $0x8F2B, s0  }
0xc1: {  	[sflag:s0] =	ssyncadd.remote.s32 $0x1  }
0xc2: {  	_ =	sfence.sel $0xFFFF  }
0xc3: {  	[dreg:$0x0] =	wrdreg $0xFFFFFFFF;
	(pc) =	sbr.abs _section_cstart, $3  }
0xc4: {  	[dreg:$0x1] =	wrdreg $0xFFFFFFFF  }
0xc5: {  	_ =	task.clear_ibuf [dreg:s9], $0x2FFFF;
	_ =	strace $0x9FFFFFFF  }
0xc6: {  	(tm) =	ssettm $0x7FFFFFFF  }
0xc7: {  	_ =	shalt  }
tec
execute0_lowered:
.L_overlay_start_1:
0x0: {  	(tag) =	ssettag $0x1  }
0x1: {  	s1 =	rddreg [dreg:$0x0]  }
0x2: {  	s2 =	rddreg [dreg:$0x1]  }
0x3: {  	s0 =	rddreg [dreg:$0x2]  }
0x4: {  	s4 =	rddreg [dreg:$0x3]  }
0x5: {  	s3 =	srdreg.scid;
	s6 =	stileid.u32  }
0x6: {  	s5 =	simm.s32 $0x0;
	s3 =	sand.u32 $0x1, s3;
	s6 =	sshll.u32 s6, $0x1  }
0x7: {  	s31 =	simm.s32 $0x80;
	s30 =	simm.s32 $0xB;
	s8 =	sor.u32 s3, s6  }
0x8: {  	[smem:$0x7FF] =	sst s5;
	s7 =	sadd.s32 $0xC5A00, s0;
	s9 =	smul.u32 $0xC80, s8  }
0x9: {  	_ =	strace $0x80000047;
	s3 =	ssub.s32 $0x2, s3;
	s12 =	smul.u32 $0x6400, s8  }
0xa: {  	s6 =	sadd.s32 $0x2400, s0;
	s13 =	sshrl.u32 s3, $0x1;
	s14 =	smul.u32 $0xC8, s8  }
0xb: {  	s8 =	smul.u32 $0x190000, s8;
	s0 =	ssub.s32 s3, s13;
	s10 =	sadd.s32 s1, s9  }
0xc: {  	s15 =	sadd.s32 s2, s9;
	s16 =	sor.u32 $0x10, s9;
	[dreg:$0x5] =	wrdreg s10  }
0xd: {  	s11 =	sor.u32 $0x20, s9;
	s22 =	sor.u32 $0x5, s14;
	[dreg:$0x6] =	wrdreg s15  }
0xe: {  	s19 =	sor.u32 $0x30, s9;
	s23 =	sor.u32 $0x6, s14;
	[dreg:$0xf] =	wrdreg s22  }
0xf: {  	s9 =	sor.u32 $0x40, s9;
	s24 =	sor.u32 $0x7, s14;
	[dreg:$0x10] =	wrdreg s23  }
0x10: {  	s25 =	sadd.s32 $0x8, s14;
	s3 =	sadd.s32 $0x9, s14;
	[dreg:$0x11] =	wrdreg s24  }
0x11: {  	s26 =	sor.u32 $0x8000, s8;
	s0 =	smax.u32 s0, $0x1;
	[dreg:$0x12] =	wrdreg s25  }
0x12: {  	s28 =	sor.u32 $0x100, s12;
	s29 =	sor.u32 $0x180, s12;
	[dreg:$0x13] =	wrdreg s3  }
0x13: {  	s14 =	simm.s32 $0x10;
	s13 =	sadd.s32 s1, s16;
	[dreg:$0x14] =	wrdreg s26  }
0x14: {  	s10 =	sadd.s32 s2, s16;
	s17 =	sadd.s32 s1, s11;
	[dreg:$0x15] =	wrdreg s0  }
0x15: {  	s18 =	sadd.s32 s2, s11;
	s20 =	sadd.s32 s1, s19;
	[dreg:$0x7] =	wrdreg s13  }
0x16: {  	s21 =	sadd.s32 s1, s9;
	s9 =	sadd.s32 s2, s9;
	[dreg:$0x8] =	wrdreg s10  }
0x17: {  	s26 =	sor.u32 $0x80, s12;
	s24 =	smov.u32 s12;
	[dreg:$0x9] =	wrdreg s17  }
0x18: {  	s3 =	simm.s32 $0x5;
	s15 =	simm.s32 $0xA;
	[dreg:$0xa] =	wrdreg s18  }
0x19: {  	s16 =	simm.s32 $0x8500;
	s11 =	simm.s32 $0xC;
	[dreg:$0xb] =	wrdreg s20  }
0x1a: {  	s12 =	simm.s32 $0x12;
	s0 =	simm.s32 $0x13;
	[dreg:$0xd] =	wrdreg s21  }
0x1b: {  	s10 =	sadd.s32 s2, s19;
	[dreg:$0xe] =	wrdreg s9;
	s18 =	simm.s32 $0x11  }
0x1c: {  	s13 =	simm.s32 $0xE;
	s9 =	simm.s32 $0xF;
	s17 =	simm.s32 $0x14  }
0x1d: {  	s20 =	simm.s32 $0x0;
	[dreg:$0xc] =	wrdreg s10;
	s10 =	simm.s32 $0xD  }
.LBB2_1:
0x1e: {  	[dreg:$0x16] =	wrdreg s20  }
0x1f: {  	s8 =	rddreg [dreg:$0x5]  }
0x20: {  	[tilespmem:s5], [sflag:$0x1] =	stream.linear.gather [hbm4b:s8+s5], $0x80, $0x38;
	[tilespmem:$0x14500] =	vst v63  }
0x21: {  	s25 =	rddreg [dreg:$0x6];
	s19 =	simm.s32 $0x280  }
0x22: {  	[tilespmem:s19], [sflag:$0x6] =	stream.linear.gather [hbm4b:s25+s5], $0x80, $0x38;
	[tilespmem:$0x14500] =	vst v63  }
0x23: {  	s20 =	rddreg [dreg:$0x7]  }
0x24: {  	[tilespmem:s31], [sflag:$0x2] =	stream.linear.gather [hbm4b:s20+s5], $0x80, $0x38;
	[tilespmem:$0x14500] =	vst v63  }
0x25: {  	s21 =	rddreg [dreg:$0x8];
	s20 =	simm.s32 $0x300  }
0x26: {  	[tilespmem:s20], [sflag:$0x7] =	stream.linear.gather [hbm4b:s21+s5], $0x80, $0x38;
	[tilespmem:$0x14500] =	vst v63  }
0x27: {  	s22 =	rddreg [dreg:$0x9];
	s21 =	simm.s32 $0x100  }
0x28: {  	[tilespmem:s21], [sflag:$0x3] =	stream.linear.gather [hbm4b:s22+s5], $0x80, $0x38;
	[tilespmem:$0x14500] =	vst v63  }
0x29: {  	s23 =	rddreg [dreg:$0xa];
	s22 =	simm.s32 $0x380  }
0x2a: {  	[tilespmem:s22], [sflag:$0x8] =	stream.linear.gather [hbm4b:s23+s5], $0x80, $0x38;
	[tilespmem:$0x14500] =	vst v63  }
0x2b: {  	s25 =	rddreg [dreg:$0xb];
	s23 =	simm.s32 $0x180  }
0x2c: {  	[tilespmem:s23], [sflag:$0x4] =	stream.linear.gather [hbm4b:s25+s5], $0x80, $0x38;
	[tilespmem:$0x14500] =	vst v63  }
0x2d: {  	s23 =	rddreg [dreg:$0xc];
	s25 =	simm.s32 $0x400  }
0x2e: {  	[tilespmem:s25], [sflag:$0x9] =	stream.linear.gather [hbm4b:s23+s5], $0x80, $0x38;
	[tilespmem:$0x14500] =	vst v63  }
0x2f: {  	s8 =	rddreg [dreg:$0xd];
	s23 =	simm.s32 $0x200  }
0x30: {  	[tilespmem:s23], [sflag:$0x5] =	stream.linear.gather [hbm4b:s8+s5], $0x80, $0x38;
	[tilespmem:$0x14500] =	vst v63  }
0x31: {  	s8 =	rddreg [dreg:$0xe];
	s23 =	simm.s32 $0x480  }
0x32: {  	[tilespmem:s23], [sflag:$0xA] =	stream.linear.gather [hbm4b:s8+s5], $0x80, $0x38;
	[tilespmem:$0x14500] =	vst v63  }
0x33: {  	s23 =	simm.s32 $0x1  }
0x34: {  	_ =	swait.ge [sflag:s23], $0x80  }
0x35: {  	[sflag:s23] =	ssyncset.done $0x0  }
0x36: {  	[sflag:s23] =	ssyncadd.s32 $0xFFFFFF80;
	s23 =	simm.s32 $0x6  }
0x37: {  	_ =	swait.ge [sflag:s23], $0x80  }
0x38: {  	[sflag:s23] =	ssyncset.done $0x0  }
0x39: {  	[sflag:s23] =	ssyncadd.s32 $0xFFFFFF80;
	s23 =	simm.s32 $0x500  }
0x3a: {  	[tilespmem:s23], [sflag:$0xB] =	stream.indirect.gather [hbm4b:s6+s31], $0x40, s5, s31, $0xb8;
	[tilespmem:$0x14500] =	vst v63  }
0x3b: {  	s23 =	simm.s32 $0xA500  }
0x3c: {  	[tilespmem:s23], [sflag:$0x10] =	stream.indirect.gather [hbm4b:s7+s31], $0x40, s19, s31, $0xb8;
	[tilespmem:$0x14500] =	vst v63  }
0x3d: {  	s23 =	simm.s32 $0x2  }
0x3e: {  	_ =	swait.ge [sflag:s23], $0x80  }
0x3f: {  	[sflag:s23] =	ssyncset.done $0x0  }
0x40: {  	s19 =	simm.s32 $0x7;
	[sflag:s23] =	ssyncadd.s32 $0xFFFFFF80  }
0x41: {  	_ =	swait.ge [sflag:s19], $0x80  }
0x42: {  	[sflag:s19] =	ssyncset.done $0x0  }
0x43: {  	s23 =	simm.s32 $0x2500;
	[sflag:s19] =	ssyncadd.s32 $0xFFFFFF80  }
0x44: {  	[tilespmem:s23], [sflag:$0xC] =	stream.indirect.gather [hbm4b:s6+s31], $0x40, s31, s31, $0xb8;
	[tilespmem:$0x14500] =	vst v63  }
0x45: {  	s19 =	simm.s32 $0xC500;
	s23 =	simm.s32 $0x3  }
0x46: {  	[tilespmem:s19], [sflag:$0x11] =	stream.indirect.gather [hbm4b:s7+s31], $0x40, s20, s31, $0xb8;
	[tilespmem:$0x14500] =	vst v63  }
0x47: {  	_ =	swait.ge [sflag:s23], $0x80  }
0x48: {  	[sflag:s23] =	ssyncset.done $0x0  }
0x49: {  	s19 =	simm.s32 $0x8;
	[sflag:s23] =	ssyncadd.s32 $0xFFFFFF80  }
0x4a: {  	_ =	swait.ge [sflag:s19], $0x80  }
0x4b: {  	[sflag:s19] =	ssyncset.done $0x0  }
0x4c: {  	s20 =	simm.s32 $0x4500;
	[sflag:s19] =	ssyncadd.s32 $0xFFFFFF80  }
0x4d: {  	[tilespmem:s20], [sflag:$0xD] =	stream.indirect.gather [hbm4b:s6+s31], $0x40, s21, s31, $0xb8;
	[tilespmem:$0x14500] =	vst v63  }
0x4e: {  	s23 =	simm.s32 $0xE500;
	s19 =	simm.s32 $0x4  }
0x4f: {  	[tilespmem:s23], [sflag:$0x12] =	stream.indirect.gather [hbm4b:s7+s31], $0x40, s22, s31, $0xb8;
	[tilespmem:$0x14500] =	vst v63  }
0x50: {  	_ =	swait.ge [sflag:s19], $0x80  }
0x51: {  	[sflag:s19] =	ssyncset.done $0x0  }
0x52: {  	s20 =	simm.s32 $0x9;
	[sflag:s19] =	ssyncadd.s32 $0xFFFFFF80  }
0x53: {  	_ =	swait.ge [sflag:s20], $0x80  }
0x54: {  	[sflag:s20] =	ssyncset.done $0x0  }
0x55: {  	s21 =	simm.s32 $0x6500;
	s22 =	simm.s32 $0x180;
	[sflag:s20] =	ssyncadd.s32 $0xFFFFFF80  }
0x56: {  	[tilespmem:s21], [sflag:$0xE] =	stream.indirect.gather [hbm4b:s6+s31], $0x40, s22, s31, $0xb8;
	[tilespmem:$0x14500] =	vst v63  }
0x57: {  	s23 =	simm.s32 $0x10500  }
0x58: {  	[tilespmem:s23], [sflag:$0x13] =	stream.indirect.gather [hbm4b:s7+s31], $0x40, s25, s31, $0xb8;
	[tilespmem:$0x14500] =	vst v63  }
0x59: {  	s25 =	simm.s32 $0x0  }
.LBB2_2:
0x5a: {  	s8 =	smul.u32 $0x5, s25;
	_ =	swait.ge [sflag:s30], $0x2000  }
0x5b: {  	p0 =	seq.s32 s25, $0x27;
	[sflag:s30] =	ssyncset.done $0x0;
	s19 =	rddreg [dreg:$0xf]  }
0x5c: {  	[sflag:s30] =	ssyncadd.s32 $0xFFFFE000;
	s19 =	sadd.s32 @!p0 s8, s19  }
0x5d: {  	_ =	swait.ge [sflag:s14], $0x2000;
	s19 =	sshll.u32 @!p0 s19, $0x4  }
0x5e: {  	[sflag:s14] =	ssyncset.done $0x0;
	s19 =	sand.u32 @!p0 $0x1FFFFFF0, s19  }
0x5f: {  	s21 =	simm.s32 @!p0 $0x0;
	[sflag:s14] =	ssyncadd.s32 $0xFFFFE000;
	s20 =	sadd.s32 @!p0 s1, s19  }
0x60: {  	[tilespmem:s21], [sflag:$0x1] =	stream.linear.gather @!p0 [hbm4b:s20+s21], $0x80, $0x38;
	[tilespmem:$0x14500] =	vst v63  }
0x61: {  	s19 =	sadd.s32 @!p0 s2, s19;
	s20 =	simm.s32 @!p0 $0x280  }
0x62: {  	[tilespmem:s20], [sflag:$0x6] =	stream.linear.gather @!p0 [hbm4b:s19+s21], $0x80, $0x38;
	[tilespmem:$0x14500] =	vst v63  }
0x63: {  	s19 =	simm.s32 $0x580  }
0x64: {  	s20 =	simm.s32 $0xA580;
	v0 =	vld [tilespmem:s19+$0x40]  }
0x65: {  	v1 =	vld [tilespmem:s20+$0x40]  }
0x66: {  	v2 =	vld [tilespmem:s19+$0xFFFFFFC0]  }
0x67: {  	v3 =	vld [tilespmem:s20+$0xFFFFFFC0]  }
0x68: {  	v4 =	vld [tilespmem:s19+$0x0]  }
0x69: {  	v5 =	vld [tilespmem:s20+$0x0]  }
0x6a: {  	v6 =	vld [tilespmem:s19+$0xFFFFFF80];
	v0 =	vadd.f32 v1, v0  }
0x6b: {  	v1 =	vld [tilespmem:s20+$0xFFFFFF80]  }
0x6c: {  	[tilespmem:s19+$0x40] =	vst v0;
	v0 =	vld [tilespmem:s19+$0x50]  }
0x6d: {  	v2 =	vadd.f32 v3, v2;
	v3 =	vld [tilespmem:s20+$0x50]  }
0x6e: {  	v7 =	vld [tilespmem:s19+$0xFFFFFF90]  }
0x6f: {  	[tilespmem:s19+$0xFFFFFFC0] =	vst v2;
	v2 =	vadd.f32 v5, v4;
	v4 =	vld [tilespmem:s19+$0xFFFFFFD0]  }
0x70: {  	v5 =	vld [tilespmem:s20+$0xFFFFFFD0];
	v1 =	vadd.f32 v1, v6  }
0x71: {  	[tilespmem:s19+$0x0] =	vst v2;
	v2 =	vld [tilespmem:s19+$0x10]  }
0x72: {  	v6 =	vld [tilespmem:s20+$0x10];
	[tilespmem:s19+$0xFFFFFF80] =	vst v1;
	v0 =	vadd.f32 v3, v0  }
0x73: {  	v1 =	vld [tilespmem:s20+$0xFFFFFF90]  }
0x74: {  	[tilespmem:s19+$0x50] =	vst v0;
	v0 =	vld [tilespmem:s19+$0x60]  }
0x75: {  	v3 =	vadd.f32 v5, v4;
	v4 =	vld [tilespmem:s20+$0x60]  }
0x76: {  	v5 =	vld [tilespmem:s19+$0xFFFFFFA0]  }
0x77: {  	[tilespmem:s19+$0xFFFFFFD0] =	vst v3;
	v2 =	vadd.f32 v6, v2;
	v3 =	vld [tilespmem:s19+$0xFFFFFFE0]  }
0x78: {  	v6 =	vld [tilespmem:s20+$0xFFFFFFE0];
	v1 =	vadd.f32 v1, v7  }
0x79: {  	[tilespmem:s19+$0x10] =	vst v2;
	v2 =	vld [tilespmem:s19+$0x20]  }
0x7a: {  	v7 =	vld [tilespmem:s20+$0x20];
	[tilespmem:s19+$0xFFFFFF90] =	vst v1;
	v0 =	vadd.f32 v4, v0  }
0x7b: {  	v4 =	vld [tilespmem:s20+$0xFFFFFFA0]  }
0x7c: {  	v8 =	vld [tilespmem:s19+$0x70];
	[tilespmem:s19+$0x60] =	vst v0  }
0x7d: {  	v1 =	vadd.f32 v6, v3;
	v6 =	vld [tilespmem:s20+$0x70]  }
0x7e: {  	v0 =	vld [tilespmem:s19+$0xFFFFFFB0]  }
0x7f: {  	[tilespmem:s19+$0xFFFFFFE0] =	vst v1;
	v2 =	vadd.f32 v7, v2;
	v1 =	vld [tilespmem:s19+$0xFFFFFFF0]  }
0x80: {  	v3 =	vld [tilespmem:s20+$0xFFFFFFF0];
	v4 =	vadd.f32 v4, v5  }
0x81: {  	[tilespmem:s19+$0x20] =	vst v2;
	v2 =	vld [tilespmem:s19+$0x30]  }
0x82: {  	[tilespmem:s19+$0xFFFFFFA0] =	vst v4;
	v4 =	vld [tilespmem:s20+$0x30];
	v6 =	vadd.f32 v6, v8  }
0x83: {  	s22 =	simm.s32 $0x680;
	s21 =	simm.s32 $0x0;
	v5 =	vld [tilespmem:s20+$0xFFFFFFB0]  }
.LBB2_3:
0x84: {  	v7 =	vld [tilespmem:s22+$0x40];
	[tilespmem:s19+$0x70] =	vst v6;
	s20 =	sadd.s32 $0x100, s20  }
0x85: {  	s21 =	sadd.s32 $0x4, s21;
	v6 =	vld [tilespmem:s20+$0x40];
	v1 =	vadd.f32 v3, v1  }
0x86: {  	p1 =	slt.u32 s21, $0x7C;
	v3 =	vld [tilespmem:s20+$0xFFFFFF80]  }
0x87: {  	v8 =	vld [tilespmem:s22+$0xFFFFFFC0];
	[tilespmem:s19+$0xFFFFFFF0] =	vst v1;
	v1 =	vadd.f32 v4, v2  }
0x88: {  	v2 =	vld [tilespmem:s20+$0xFFFFFFC0];
	v0 =	vadd.f32 v5, v0  }
0x89: {  	v4 =	vld [tilespmem:s22+$0x0];
	[tilespmem:s19+$0x30] =	vst v1  }
0x8a: {  	v1 =	vld [tilespmem:s20+$0x0];
	v5 =	vadd.f32 v6, v7;
	[tilespmem:s19+$0xFFFFFFB0] =	vst v0;
	s19 =	smov.u32 s22  }
0x8b: {  	v0 =	vld [tilespmem:s22+$0xFFFFFF80]  }
0x8c: {  	[tilespmem:s22+$0x40] =	vst v5;
	v5 =	vld [tilespmem:s22+$0x50]  }
0x8d: {  	v2 =	vadd.f32 v2, v8;
	v6 =	vld [tilespmem:s20+$0x50]  }
0x8e: {  	v7 =	vld [tilespmem:s22+$0xFFFFFF90]  }
0x8f: {  	[tilespmem:s22+$0xFFFFFFC0] =	vst v2;
	v2 =	vld [tilespmem:s22+$0xFFFFFFD0];
	v1 =	vadd.f32 v1, v4  }
0x90: {  	v0 =	vadd.f32 v3, v0;
	v3 =	vld [tilespmem:s20+$0xFFFFFFD0]  }
0x91: {  	[tilespmem:s22+$0x0] =	vst v1;
	v1 =	vld [tilespmem:s22+$0x10]  }
0x92: {  	[tilespmem:s22+$0xFFFFFF80] =	vst v0;
	v0 =	vld [tilespmem:s20+$0x10];
	v4 =	vadd.f32 v6, v5  }
0x93: {  	v5 =	vld [tilespmem:s20+$0xFFFFFF90]  }
0x94: {  	[tilespmem:s22+$0x50] =	vst v4;
	v4 =	vld [tilespmem:s22+$0x60]  }
0x95: {  	v2 =	vadd.f32 v3, v2;
	v3 =	vld [tilespmem:s20+$0x60]  }
0x96: {  	v6 =	vld [tilespmem:s22+$0xFFFFFFA0]  }
0x97: {  	[tilespmem:s22+$0xFFFFFFD0] =	vst v2;
	v2 =	vld [tilespmem:s22+$0xFFFFFFE0];
	v0 =	vadd.f32 v0, v1  }
0x98: {  	v1 =	vadd.f32 v5, v7;
	v5 =	vld [tilespmem:s20+$0xFFFFFFE0]  }
0x99: {  	[tilespmem:s22+$0x10] =	vst v0;
	v7 =	vld [tilespmem:s22+$0x20]  }
0x9a: {  	[tilespmem:s22+$0xFFFFFF90] =	vst v1;
	v8 =	vld [tilespmem:s20+$0x20];
	v0 =	vadd.f32 v3, v4  }
0x9b: {  	v3 =	vld [tilespmem:s20+$0xFFFFFFA0]  }
0x9c: {  	[tilespmem:s22+$0x60] =	vst v0;
	v9 =	vld [tilespmem:s22+$0x70]  }
0x9d: {  	v1 =	vadd.f32 v5, v2;
	v5 =	vld [tilespmem:s20+$0x70]  }
0x9e: {  	v0 =	vld [tilespmem:s22+$0xFFFFFFB0]  }
.Ltmp0:
0x9f: {  	[tilespmem:s22+$0xFFFFFFE0] =	vst v1;
	v1 =	vld [tilespmem:s22+$0xFFFFFFF0];
	v2 =	vadd.f32 v8, v7;
	(pc) =	sbr.rel @p1 .LBB2_3-.Ltmp0, $4  }
0xa0: {  	v4 =	vadd.f32 v3, v6;
	v3 =	vld [tilespmem:s20+$0xFFFFFFF0]  }
0xa1: {  	[tilespmem:s22+$0x20] =	vst v2;
	v2 =	vld [tilespmem:s22+$0x30]  }
0xa2: {  	[tilespmem:s22+$0xFFFFFFA0] =	vst v4;
	v4 =	vld [tilespmem:s20+$0x30];
	v6 =	vadd.f32 v5, v9  }
0xa3: {  	s22 =	sadd.s32 $0x100, s22;
	v5 =	vld [tilespmem:s20+$0xFFFFFFB0]  }
0xa4: {  	_ =	sdelay $0x1  }
0xa5: {  	v1 =	vadd.f32 v3, v1  }
0xa6: {  	[tilespmem:s19+$0x70] =	vst v6;
	v2 =	vadd.f32 v4, v2  }
0xa7: {  	[tilespmem:s19+$0xFFFFFFF0] =	vst v1;
	v0 =	vadd.f32 v5, v0  }
0xa8: {  	p1 =	seq.s32 s25, $0x0;
	[tilespmem:s19+$0x30] =	vst v2  }
0xa9: {  	[tilespmem:s19+$0xFFFFFFB0] =	vst v0;
	s19 =	simm.s32 @!p1 $0x19  }
0xaa: {  	_ =	swait.ge @!p1 [sflag:s19], $0x2000  }
0xab: {  	[sflag:s19] =	ssyncset.done @!p1 $0x0  }
0xac: {  	[sflag:s19] =	ssyncadd.s32 @!p1 $0xFFFFE000  }
0xad: {  	_ =	swait.ge [sflag:s3], $0x80  }
0xae: {  	[sflag:s3] =	ssyncset.done $0x0  }
0xaf: {  	[sflag:s3] =	ssyncadd.s32 $0xFFFFFF80  }
0xb0: {  	_ =	swait.ge [sflag:s15], $0x80  }
0xb1: {  	[sflag:s15] =	ssyncset.done $0x0  }
0xb2: {  	s21 =	simm.s32 $0x200;
	s19 =	smul.u32 $0x280, s25;
	[sflag:s15] =	ssyncadd.s32 $0xFFFFFF80  }
0xb3: {  	[tilespmem:s16], [sflag:$0xF] =	stream.indirect.gather [hbm4b:s6+s31], $0x40, s21, s31, $0xb8;
	[tilespmem:$0x14500] =	vst v63  }
0xb4: {  	s20 =	simm.s32 $0x480;
	s22 =	sadd.s32 s24, s19;
	s21 =	simm.s32 $0x12500  }
0xb5: {  	[tilespmem:s21], [sflag:$0x14] =	stream.indirect.gather [hbm4b:s7+s31], $0x40, s20, s31, $0xb8;
	[tilespmem:$0x14500] =	vst v63  }
0xb6: {  	s20 =	sshll.u32 s22, $0x3  }
0xb7: {  	s23 =	simm.s32 $0x500;
	s20 =	sadd.s32 s4, s20  }
0xb8: {  	[hbm4b:s20+s5] =	stream.linear.scatter [tilespmem:s23], [sflag:$0x15], $0x2000, $0x38;
	[tilespmem:$0x14500] =	vst v63  }
0xb9: {  	_ =	swait.ge [sflag:s11], $0x2000  }
0xba: {  	[sflag:s11] =	ssyncset.done $0x0  }
0xbb: {  	[sflag:s11] =	ssyncadd.s32 $0xFFFFE000  }
0xbc: {  	_ =	swait.ge [sflag:s18], $0x2000  }
0xbd: {  	s20 =	rddreg [dreg:$0x10]  }
0xbe: {  	s20 =	sadd.s32 @!p0 s8, s20  }
0xbf: {  	s20 =	sshll.u32 @!p0 s20, $0x4  }
0xc0: {  	s22 =	simm.s32 @!p0 $0x0;
	[sflag:s18] =	ssyncset.done $0x0;
	s20 =	sand.u32 @!p0 $0x1FFFFFF0, s20  }
0xc1: {  	s23 =	simm.s32 @!p0 $0x80;
	[sflag:s18] =	ssyncadd.s32 $0xFFFFE000;
	s21 =	sadd.s32 @!p0 s1, s20  }
0xc2: {  	[tilespmem:s23], [sflag:$0x2] =	stream.linear.gather @!p0 [hbm4b:s21+s22], $0x80, $0x38;
	[tilespmem:$0x14500] =	vst v63  }
0xc3: {  	s20 =	sadd.s32 @!p0 s2, s20;
	s21 =	simm.s32 @!p0 $0x300  }
0xc4: {  	[tilespmem:s21], [sflag:$0x7] =	stream.linear.gather @!p0 [hbm4b:s20+s22], $0x80, $0x38;
	[tilespmem:$0x14500] =	vst v63  }
0xc5: {  	s20 =	simm.s32 $0x25F0  }
0xc6: {  	s21 =	simm.s32 $0xC5F0;
	v0 =	vld [tilespmem:s20+$0xFFFFFFD0]  }
0xc7: {  	v1 =	vld [tilespmem:s21+$0xFFFFFFD0]  }
0xc8: {  	v2 =	vld [tilespmem:s20+$0xFFFFFF50]  }
0xc9: {  	v3 =	vld [tilespmem:s21+$0xFFFFFF50]  }
0xca: {  	v4 =	vld [tilespmem:s20+$0xFFFFFF90]  }
0xcb: {  	v5 =	vld [tilespmem:s21+$0xFFFFFF90]  }
0xcc: {  	v6 =	vld [tilespmem:s20+$0xFFFFFF10];
	v0 =	vadd.f32 v1, v0  }
0xcd: {  	v1 =	vld [tilespmem:s21+$0xFFFFFF10]  }
0xce: {  	[tilespmem:s20+$0xFFFFFFD0] =	vst v0;
	v0 =	vld [tilespmem:s20+$0xFFFFFFE0]  }
0xcf: {  	v2 =	vadd.f32 v3, v2;
	v3 =	vld [tilespmem:s21+$0xFFFFFFE0]  }
0xd0: {  	v7 =	vld [tilespmem:s20+$0xFFFFFF20]  }
0xd1: {  	[tilespmem:s20+$0xFFFFFF50] =	vst v2;
	v2 =	vadd.f32 v5, v4;
	v4 =	vld [tilespmem:s20+$0xFFFFFF60]  }
0xd2: {  	v5 =	vld [tilespmem:s21+$0xFFFFFF60];
	v1 =	vadd.f32 v1, v6  }
0xd3: {  	[tilespmem:s20+$0xFFFFFF90] =	vst v2;
	v2 =	vld [tilespmem:s20+$0xFFFFFFA0]  }
0xd4: {  	v6 =	vld [tilespmem:s21+$0xFFFFFFA0];
	[tilespmem:s20+$0xFFFFFF10] =	vst v1;
	v0 =	vadd.f32 v3, v0  }
0xd5: {  	v1 =	vld [tilespmem:s21+$0xFFFFFF20]  }
0xd6: {  	[tilespmem:s20+$0xFFFFFFE0] =	vst v0;
	v0 =	vld [tilespmem:s20+$0xFFFFFFF0]  }
0xd7: {  	v3 =	vadd.f32 v5, v4;
	v4 =	vld [tilespmem:s21+$0xFFFFFFF0]  }
0xd8: {  	v5 =	vld [tilespmem:s20+$0xFFFFFF30]  }
0xd9: {  	[tilespmem:s20+$0xFFFFFF60] =	vst v3;
	v2 =	vadd.f32 v6, v2;
	v3 =	vld [tilespmem:s20+$0xFFFFFF70]  }
0xda: {  	v6 =	vld [tilespmem:s21+$0xFFFFFF70];
	v1 =	vadd.f32 v1, v7  }
0xdb: {  	[tilespmem:s20+$0xFFFFFFA0] =	vst v2;
	v2 =	vld [tilespmem:s20+$0xFFFFFFB0]  }
0xdc: {  	v7 =	vld [tilespmem:s21+$0xFFFFFFB0];
	[tilespmem:s20+$0xFFFFFF20] =	vst v1;
	v0 =	vadd.f32 v4, v0  }
0xdd: {  	v4 =	vld [tilespmem:s21+$0xFFFFFF30]  }
0xde: {  	v8 =	vld [tilespmem:s20+$0x0];
	[tilespmem:s20+$0xFFFFFFF0] =	vst v0  }
0xdf: {  	v1 =	vadd.f32 v6, v3;
	v6 =	vld [tilespmem:s21+$0x0]  }
0xe0: {  	v0 =	vld [tilespmem:s20+$0xFFFFFF40]  }
0xe1: {  	[tilespmem:s20+$0xFFFFFF70] =	vst v1;
	v2 =	vadd.f32 v7, v2;
	v1 =	vld [tilespmem:s20+$0xFFFFFF80]  }
0xe2: {  	v3 =	vld [tilespmem:s21+$0xFFFFFF80];
	v4 =	vadd.f32 v4, v5  }
0xe3: {  	[tilespmem:s20+$0xFFFFFFB0] =	vst v2;
	v2 =	vld [tilespmem:s20+$0xFFFFFFC0]  }
0xe4: {  	[tilespmem:s20+$0xFFFFFF30] =	vst v4;
	v4 =	vld [tilespmem:s21+$0xFFFFFFC0];
	v6 =	vadd.f32 v6, v8  }
0xe5: {  	s23 =	simm.s32 $0x26F0;
	s22 =	simm.s32 $0x0;
	v5 =	vld [tilespmem:s21+$0xFFFFFF40]  }
.LBB2_5:
0xe6: {  	v7 =	vld [tilespmem:s23+$0xFFFFFFD0];
	[tilespmem:s20+$0x0] =	vst v6;
	s21 =	sadd.s32 $0x100, s21  }
0xe7: {  	s22 =	sadd.s32 $0x4, s22;
	v6 =	vld [tilespmem:s21+$0xFFFFFFD0];
	v1 =	vadd.f32 v3, v1  }
0xe8: {  	p1 =	slt.u32 s22, $0x7C;
	v3 =	vld [tilespmem:s21+$0xFFFFFF10]  }
0xe9: {  	v8 =	vld [tilespmem:s23+$0xFFFFFF50];
	[tilespmem:s20+$0xFFFFFF80] =	vst v1;
	v1 =	vadd.f32 v4, v2  }
0xea: {  	v2 =	vld [tilespmem:s21+$0xFFFFFF50];
	v0 =	vadd.f32 v5, v0  }
0xeb: {  	v4 =	vld [tilespmem:s23+$0xFFFFFF90];
	[tilespmem:s20+$0xFFFFFFC0] =	vst v1  }
0xec: {  	v1 =	vld [tilespmem:s21+$0xFFFFFF90];
	v5 =	vadd.f32 v6, v7;
	[tilespmem:s20+$0xFFFFFF40] =	vst v0;
	s20 =	smov.u32 s23  }
0xed: {  	v0 =	vld [tilespmem:s23+$0xFFFFFF10]  }
0xee: {  	[tilespmem:s23+$0xFFFFFFD0] =	vst v5;
	v5 =	vld [tilespmem:s23+$0xFFFFFFE0]  }
0xef: {  	v2 =	vadd.f32 v2, v8;
	v6 =	vld [tilespmem:s21+$0xFFFFFFE0]  }
0xf0: {  	v7 =	vld [tilespmem:s23+$0xFFFFFF20]  }
0xf1: {  	[tilespmem:s23+$0xFFFFFF50] =	vst v2;
	v2 =	vld [tilespmem:s23+$0xFFFFFF60];
	v1 =	vadd.f32 v1, v4  }
0xf2: {  	v0 =	vadd.f32 v3, v0;
	v3 =	vld [tilespmem:s21+$0xFFFFFF60]  }
0xf3: {  	[tilespmem:s23+$0xFFFFFF90] =	vst v1;
	v1 =	vld [tilespmem:s23+$0xFFFFFFA0]  }
0xf4: {  	[tilespmem:s23+$0xFFFFFF10] =	vst v0;
	v0 =	vld [tilespmem:s21+$0xFFFFFFA0];
	v4 =	vadd.f32 v6, v5  }
0xf5: {  	v5 =	vld [tilespmem:s21+$0xFFFFFF20]  }
0xf6: {  	[tilespmem:s23+$0xFFFFFFE0] =	vst v4;
	v4 =	vld [tilespmem:s23+$0xFFFFFFF0]  }
0xf7: {  	v2 =	vadd.f32 v3, v2;
	v3 =	vld [tilespmem:s21+$0xFFFFFFF0]  }
0xf8: {  	v6 =	vld [tilespmem:s23+$0xFFFFFF30]  }
0xf9: {  	[tilespmem:s23+$0xFFFFFF60] =	vst v2;
	v2 =	vld [tilespmem:s23+$0xFFFFFF70];
	v0 =	vadd.f32 v0, v1  }
0xfa: {  	v1 =	vadd.f32 v5, v7;
	v5 =	vld [tilespmem:s21+$0xFFFFFF70]  }
0xfb: {  	[tilespmem:s23+$0xFFFFFFA0] =	vst v0;
	v7 =	vld [tilespmem:s23+$0xFFFFFFB0]  }
0xfc: {  	[tilespmem:s23+$0xFFFFFF20] =	vst v1;
	v8 =	vld [tilespmem:s21+$0xFFFFFFB0];
	v0 =	vadd.f32 v3, v4  }
0xfd: {  	v3 =	vld [tilespmem:s21+$0xFFFFFF30]  }
0xfe: {  	[tilespmem:s23+$0xFFFFFFF0] =	vst v0;
	v9 =	vld [tilespmem:s23+$0x0]  }
0xff: {  	v1 =	vadd.f32 v5, v2;
	v5 =	vld [tilespmem:s21+$0x0]  }
0x100: {  	v0 =	vld [tilespmem:s23+$0xFFFFFF40]  }
.Ltmp1:
0x101: {  	[tilespmem:s23+$0xFFFFFF70] =	vst v1;
	v1 =	vld [tilespmem:s23+$0xFFFFFF80];
	v2 =	vadd.f32 v8, v7;
	(pc) =	sbr.rel @p1 .LBB2_5-.Ltmp1, $4  }
0x102: {  	v4 =	vadd.f32 v3, v6;
	v3 =	vld [tilespmem:s21+$0xFFFFFF80]  }
0x103: {  	[tilespmem:s23+$0xFFFFFFB0] =	vst v2;
	v2 =	vld [tilespmem:s23+$0xFFFFFFC0]  }
0x104: {  	[tilespmem:s23+$0xFFFFFF30] =	vst v4;
	v4 =	vld [tilespmem:s21+$0xFFFFFFC0];
	v6 =	vadd.f32 v5, v9  }
0x105: {  	s23 =	sadd.s32 $0x100, s23;
	v5 =	vld [tilespmem:s21+$0xFFFFFF40]  }
0x106: {  	_ =	sdelay $0x1  }
0x107: {  	v1 =	vadd.f32 v3, v1  }
0x108: {  	[tilespmem:s20+$0x0] =	vst v6;
	v2 =	vadd.f32 v4, v2  }
0x109: {  	[tilespmem:s20+$0xFFFFFF80] =	vst v1;
	v0 =	vadd.f32 v5, v0  }
0x10a: {  	[tilespmem:s20+$0xFFFFFFC0] =	vst v2  }
0x10b: {  	[tilespmem:s20+$0xFFFFFF40] =	vst v0;
	s20 =	simm.s32 @!p0 $0x15  }
0x10c: {  	_ =	swait.ge @!p0 [sflag:s20], $0x2000  }
0x10d: {  	[sflag:s20] =	ssyncset.done @!p0 $0x0  }
0x10e: {  	[sflag:s20] =	ssyncadd.s32 @!p0 $0xFFFFE000;
	s20 =	simm.s32 @!p0 $0x1  }
0x10f: {  	_ =	swait.ge @!p0 [sflag:s20], $0x80  }
0x110: {  	[sflag:s20] =	ssyncset.done @!p0 $0x0  }
0x111: {  	[sflag:s20] =	ssyncadd.s32 @!p0 $0xFFFFFF80;
	s20 =	simm.s32 @!p0 $0x6  }
0x112: {  	_ =	swait.ge @!p0 [sflag:s20], $0x80  }
0x113: {  	s21 =	simm.s32 @!p0 $0x0;
	[sflag:s20] =	ssyncset.done @!p0 $0x0  }
0x114: {  	s22 =	simm.s32 @!p0 $0x500;
	[sflag:s20] =	ssyncadd.s32 @!p0 $0xFFFFFF80;
	s20 =	simm.s32 @!p0 $0x80  }
0x115: {  	[tilespmem:s22], [sflag:$0xB] =	stream.indirect.gather @!p0 [hbm4b:s6+s20], $0x40, s21, s20, $0xb8;
	[tilespmem:$0x14500] =	vst v63  }
0x116: {  	s23 =	simm.s32 @!p0 $0xA500;
	s22 =	simm.s32 @!p0 $0x280  }
0x117: {  	[tilespmem:s23], [sflag:$0x10] =	stream.indirect.gather @!p0 [hbm4b:s7+s20], $0x40, s22, s20, $0xb8;
	[tilespmem:$0x14500] =	vst v63  }
0x118: {  	s22 =	sadd.s32 s19, s26  }
0x119: {  	s20 =	sshll.u32 s22, $0x3  }
0x11a: {  	s20 =	sand.u32 $0x1FFFFC00, s20  }
0x11b: {  	s23 =	simm.s32 $0x2500;
	s20 =	sadd.s32 s4, s20  }
0x11c: {  	[hbm4b:s20+s5] =	stream.linear.scatter [tilespmem:s23], [sflag:$0x16], $0x2000, $0x38;
	[tilespmem:$0x14500] =	vst v63  }
0x11d: {  	_ =	swait.ge [sflag:s10], $0x2000  }
0x11e: {  	[sflag:s10] =	ssyncset.done $0x0;
	s20 =	rddreg [dreg:$0x11]  }
0x11f: {  	[sflag:s10] =	ssyncadd.s32 $0xFFFFE000;
	s20 =	sadd.s32 @!p0 s8, s20  }
0x120: {  	_ =	swait.ge [sflag:s12], $0x2000;
	s20 =	sshll.u32 @!p0 s20, $0x4  }
0x121: {  	[sflag:s12] =	ssyncset.done $0x0;
	s20 =	sand.u32 @!p0 $0x1FFFFFF0, s20  }
0x122: {  	s23 =	simm.s32 @!p0 $0x100;
	[sflag:s12] =	ssyncadd.s32 $0xFFFFE000;
	s22 =	sadd.s32 @!p0 s1, s20  }
0x123: {  	[tilespmem:s23], [sflag:$0x3] =	stream.linear.gather @!p0 [hbm4b:s22+s21], $0x80, $0x38;
	[tilespmem:$0x14500] =	vst v63  }
0x124: {  	s20 =	sadd.s32 @!p0 s2, s20;
	s22 =	simm.s32 @!p0 $0x380  }
0x125: {  	[tilespmem:s22], [sflag:$0x8] =	stream.linear.gather @!p0 [hbm4b:s20+s21], $0x80, $0x38;
	[tilespmem:$0x14500] =	vst v63  }
0x126: {  	s20 =	simm.s32 $0x0  }
0x127: {  	v0 =	vld [tilespmem:s20+$0x45F0]  }
0x128: {  	v1 =	vld [tilespmem:s20+$0xE5F0]  }
0x129: {  	v2 =	vld [tilespmem:s20+$0x4500]  }
0x12a: {  	v3 =	vld [tilespmem:s20+$0xE500]  }
0x12b: {  	v4 =	vld [tilespmem:s20+$0x4510]  }
0x12c: {  	v5 =	vld [tilespmem:s20+$0xE510]  }
0x12d: {  	v6 =	vld [tilespmem:s20+$0x4520]  }
0x12e: {  	v7 =	vld [tilespmem:s20+$0xE520]  }
0x12f: {  	v8 =	vld [tilespmem:s20+$0x4530]  }
0x130: {  	v9 =	vld [tilespmem:s20+$0xE530]  }
0x131: {  	v10 =	vld [tilespmem:s20+$0x4540]  }
0x132: {  	v11 =	vld [tilespmem:s20+$0xE540]  }
0x133: {  	v12 =	vld [tilespmem:s20+$0x4550]  }
0x134: {  	v13 =	vld [tilespmem:s20+$0xE550]  }
0x135: {  	v14 =	vld [tilespmem:s20+$0x4560]  }
0x136: {  	v15 =	vld [tilespmem:s20+$0xE560]  }
0x137: {  	v16 =	vld [tilespmem:s20+$0x4570]  }
0x138: {  	v61 =	vld [tilespmem:s20+$0xE5A0];
	v0 =	vadd.f32 v1, v0  }
0x139: {  	v1 =	vld [tilespmem:s20+$0xE570];
	v2 =	vadd.f32 v3, v2  }
0x13a: {  	v3 =	vld [tilespmem:s20+$0x4580];
	[tilespmem:s20+$0x45F0] =	vst v0;
	v0 =	vadd.f32 v5, v4  }
0x13b: {  	v4 =	vld [tilespmem:s20+$0xE580];
	[tilespmem:s20+$0x4500] =	vst v2;
	v2 =	vadd.f32 v7, v6  }
0x13c: {  	v5 =	vld [tilespmem:s20+$0x4590];
	[tilespmem:s20+$0x4510] =	vst v0;
	v0 =	vadd.f32 v9, v8  }
0x13d: {  	v6 =	vld [tilespmem:s20+$0xE590];
	[tilespmem:s20+$0x4520] =	vst v2;
	v2 =	vadd.f32 v11, v10  }
0x13e: {  	v7 =	vld [tilespmem:s20+$0x45A0];
	v1 =	vadd.f32 v1, v16;
	[tilespmem:s20+$0x4530] =	vst v0  }
0x13f: {  	v62 =	vld [tilespmem:s20+$0x45B0];
	v0 =	vadd.f32 v13, v12;
	[tilespmem:s20+$0x4540] =	vst v2  }
0x140: {  	v63 =	vld [tilespmem:s20+$0xE5B0];
	v2 =	vadd.f32 v15, v14;
	[tilespmem:s20+$0x4570] =	vst v1  }
0x141: {  	v3 =	vadd.f32 v4, v3;
	[tilespmem:s20+$0x4550] =	vst v0;
	v0 =	vld [tilespmem:s20+$0x45C0]  }
0x142: {  	v4 =	vadd.f32 v6, v5;
	[tilespmem:s20+$0x4560] =	vst v2;
	v2 =	vld [tilespmem:s20+$0xE5C0]  }
0x143: {  	v5 =	vadd.f32 v61, v7;
	v1 =	vld [tilespmem:s20+$0x45D0];
	[tilespmem:s20+$0x4580] =	vst v3  }
0x144: {  	[tilespmem:s20+$0x4590] =	vst v4;
	v3 =	vld [tilespmem:s20+$0xE5D0]  }
0x145: {  	s21 =	simm.s32 $0x0;
	s22 =	simm.s32 $0x400;
	[tilespmem:s20+$0x45A0] =	vst v5;
	v5 =	vadd.f32 v63, v62;
	v4 =	vld [tilespmem:s20+$0x45E0]  }
.LBB2_7:
0x146: {  	s23 =	sshra.s32 s22, $0x2;
	v6 =	vld [tilespmem:s20+$0xE5E0]  }
0x147: {  	s21 =	sadd.s32 $0x4, s21;
	v7 =	vld [tilespmem:s23+$0x45F0];
	[tilespmem:s20+$0x45B0] =	vst v5;
	v0 =	vadd.f32 v2, v0  }
0x148: {  	p1 =	slt.u32 s21, $0x7C;
	v2 =	vld [tilespmem:s23+$0xE5F0]  }
0x149: {  	v5 =	vld [tilespmem:s23+$0x4500];
	[tilespmem:s20+$0x45C0] =	vst v0;
	v0 =	vadd.f32 v3, v1  }
0x14a: {  	v1 =	vld [tilespmem:s23+$0xE500]  }
0x14b: {  	v3 =	vld [tilespmem:s23+$0x4510];
	[tilespmem:s20+$0x45D0] =	vst v0;
	v0 =	vadd.f32 v6, v4  }
0x14c: {  	v4 =	vld [tilespmem:s23+$0xE510]  }
0x14d: {  	v6 =	vld [tilespmem:s23+$0x4520];
	v2 =	vadd.f32 v2, v7;
	[tilespmem:s20+$0x45E0] =	vst v0;
	s20 =	smov.u32 s23  }
0x14e: {  	v0 =	vld [tilespmem:s20+$0xE520]  }
0x14f: {  	v1 =	vadd.f32 v1, v5;
	v5 =	vld [tilespmem:s20+$0x4530];
	[tilespmem:s20+$0x45F0] =	vst v2  }
0x150: {  	v2 =	vld [tilespmem:s20+$0xE530]  }
0x151: {  	[tilespmem:s20+$0x4500] =	vst v1;
	v1 =	vadd.f32 v4, v3;
	v3 =	vld [tilespmem:s20+$0x4540]  }
0x152: {  	v4 =	vld [tilespmem:s20+$0xE540]  }
0x153: {  	[tilespmem:s20+$0x4510] =	vst v1;
	v0 =	vadd.f32 v0, v6;
	v1 =	vld [tilespmem:s20+$0x4550]  }
0x154: {  	v6 =	vld [tilespmem:s20+$0xE550]  }
0x155: {  	[tilespmem:s20+$0x4520] =	vst v0;
	v0 =	vadd.f32 v2, v5;
	v2 =	vld [tilespmem:s20+$0x4560]  }
0x156: {  	v5 =	vld [tilespmem:s20+$0xE560]  }
0x157: {  	[tilespmem:s20+$0x4530] =	vst v0;
	v0 =	vadd.f32 v4, v3;
	v3 =	vld [tilespmem:s20+$0x4570]  }
0x158: {  	v4 =	vld [tilespmem:s20+$0xE570]  }
0x159: {  	[tilespmem:s20+$0x4540] =	vst v0;
	v0 =	vadd.f32 v6, v1;
	v1 =	vld [tilespmem:s20+$0x4580]  }
0x15a: {  	v6 =	vld [tilespmem:s20+$0xE580]  }
0x15b: {  	[tilespmem:s20+$0x4550] =	vst v0;
	v0 =	vadd.f32 v5, v2;
	v2 =	vld [tilespmem:s20+$0x4590]  }
0x15c: {  	v5 =	vld [tilespmem:s20+$0xE590]  }
0x15d: {  	[tilespmem:s20+$0x4560] =	vst v0;
	v0 =	vadd.f32 v4, v3;
	v3 =	vld [tilespmem:s20+$0x45A0]  }
0x15e: {  	v4 =	vld [tilespmem:s20+$0xE5A0]  }
0x15f: {  	[tilespmem:s20+$0x4570] =	vst v0;
	v0 =	vadd.f32 v6, v1;
	v6 =	vld [tilespmem:s20+$0x45B0]  }
0x160: {  	v7 =	vld [tilespmem:s20+$0xE5B0]  }
.Ltmp2:
0x161: {  	[tilespmem:s20+$0x4580] =	vst v0;
	v1 =	vadd.f32 v5, v2;
	v0 =	vld [tilespmem:s20+$0x45C0];
	(pc) =	sbr.rel @p1 .LBB2_7-.Ltmp2, $4  }
0x162: {  	v2 =	vld [tilespmem:s20+$0xE5C0]  }
0x163: {  	[tilespmem:s20+$0x4590] =	vst v1;
	v4 =	vadd.f32 v4, v3;
	v1 =	vld [tilespmem:s20+$0x45D0]  }
0x164: {  	v3 =	vld [tilespmem:s20+$0xE5D0]  }
0x165: {  	s22 =	sadd.s32 $0x400, s22;
	[tilespmem:s20+$0x45A0] =	vst v4;
	v5 =	vadd.f32 v7, v6;
	v4 =	vld [tilespmem:s20+$0x45E0]  }
0x166: {  	v6 =	vld [tilespmem:s20+$0xE5E0];
	_ =	sdelay $0x2  }
0x167: {  	v0 =	vadd.f32 v2, v0  }
0x168: {  	[tilespmem:s20+$0x45B0] =	vst v5;
	v1 =	vadd.f32 v3, v1  }
0x169: {  	[tilespmem:s20+$0x45C0] =	vst v0;
	v0 =	vadd.f32 v6, v4  }
0x16a: {  	[tilespmem:s20+$0x45D0] =	vst v1  }
0x16b: {  	[tilespmem:s20+$0x45E0] =	vst v0;
	s20 =	simm.s32 @!p0 $0x16  }
0x16c: {  	_ =	swait.ge @!p0 [sflag:s20], $0x2000  }
0x16d: {  	[sflag:s20] =	ssyncset.done @!p0 $0x0  }
0x16e: {  	[sflag:s20] =	ssyncadd.s32 @!p0 $0xFFFFE000;
	s20 =	simm.s32 @!p0 $0x2  }
0x16f: {  	_ =	swait.ge @!p0 [sflag:s20], $0x80  }
0x170: {  	[sflag:s20] =	ssyncset.done @!p0 $0x0  }
0x171: {  	[sflag:s20] =	ssyncadd.s32 @!p0 $0xFFFFFF80;
	s20 =	simm.s32 @!p0 $0x7  }
0x172: {  	_ =	swait.ge @!p0 [sflag:s20], $0x80  }
0x173: {  	[sflag:s20] =	ssyncset.done @!p0 $0x0  }
0x174: {  	s21 =	simm.s32 @!p0 $0x2500;
	[sflag:s20] =	ssyncadd.s32 @!p0 $0xFFFFFF80;
	s20 =	simm.s32 @!p0 $0x80  }
0x175: {  	[tilespmem:s21], [sflag:$0xC] =	stream.indirect.gather @!p0 [hbm4b:s6+s20], $0x40, s20, s20, $0xb8;
	[tilespmem:$0x14500] =	vst v63  }
0x176: {  	s22 =	simm.s32 @!p0 $0xC500;
	s21 =	simm.s32 @!p0 $0x300  }
0x177: {  	[tilespmem:s22], [sflag:$0x11] =	stream.indirect.gather @!p0 [hbm4b:s7+s20], $0x40, s21, s20, $0xb8;
	[tilespmem:$0x14500] =	vst v63  }
0x178: {  	s22 =	sadd.s32 s19, s28  }
0x179: {  	s20 =	sshll.u32 s22, $0x3  }
0x17a: {  	s20 =	sand.u32 $0x1FFFFC00, s20  }
0x17b: {  	s23 =	simm.s32 $0x4500;
	s20 =	sadd.s32 s4, s20  }
0x17c: {  	[hbm4b:s20+s5] =	stream.linear.scatter [tilespmem:s23], [sflag:$0x17], $0x2000, $0x38;
	[tilespmem:$0x14500] =	vst v63  }
0x17d: {  	_ =	swait.ge [sflag:s13], $0x2000  }
0x17e: {  	[sflag:s13] =	ssyncset.done $0x0  }
0x17f: {  	[sflag:s13] =	ssyncadd.s32 $0xFFFFE000  }
0x180: {  	_ =	swait.ge [sflag:s0], $0x2000  }
0x181: {  	s20 =	rddreg [dreg:$0x12]  }
0x182: {  	s20 =	sadd.s32 @!p0 s8, s20  }
0x183: {  	s20 =	sshll.u32 @!p0 s20, $0x4  }
0x184: {  	s22 =	simm.s32 @!p0 $0x0;
	[sflag:s0] =	ssyncset.done $0x0;
	s20 =	sand.u32 @!p0 $0x1FFFFFF0, s20  }
0x185: {  	s23 =	simm.s32 @!p0 $0x180;
	[sflag:s0] =	ssyncadd.s32 $0xFFFFE000;
	s21 =	sadd.s32 @!p0 s1, s20  }
0x186: {  	[tilespmem:s23], [sflag:$0x4] =	stream.linear.gather @!p0 [hbm4b:s21+s22], $0x80, $0x38;
	[tilespmem:$0x14500] =	vst v63  }
0x187: {  	s20 =	sadd.s32 @!p0 s2, s20;
	s21 =	simm.s32 @!p0 $0x400  }
0x188: {  	[tilespmem:s21], [sflag:$0x9] =	stream.linear.gather @!p0 [hbm4b:s20+s22], $0x80, $0x38;
	[tilespmem:$0x14500] =	vst v63  }
0x189: {  	s20 =	simm.s32 $0x0  }
0x18a: {  	v0 =	vld [tilespmem:s20+$0x65F0]  }
0x18b: {  	v1 =	vld [tilespmem:s20+$0x105F0]  }
0x18c: {  	v2 =	vld [tilespmem:s20+$0x6500]  }
0x18d: {  	v3 =	vld [tilespmem:s20+$0x10500]  }
0x18e: {  	v4 =	vld [tilespmem:s20+$0x6510]  }
0x18f: {  	v5 =	vld [tilespmem:s20+$0x10510]  }
0x190: {  	v6 =	vld [tilespmem:s20+$0x6520]  }
0x191: {  	v7 =	vld [tilespmem:s20+$0x10520]  }
0x192: {  	v8 =	vld [tilespmem:s20+$0x6530]  }
0x193: {  	v9 =	vld [tilespmem:s20+$0x10530]  }
0x194: {  	v10 =	vld [tilespmem:s20+$0x6540]  }
0x195: {  	v11 =	vld [tilespmem:s20+$0x10540]  }
0x196: {  	v12 =	vld [tilespmem:s20+$0x6550]  }
0x197: {  	v13 =	vld [tilespmem:s20+$0x10550]  }
0x198: {  	v14 =	vld [tilespmem:s20+$0x6560]  }
0x199: {  	v15 =	vld [tilespmem:s20+$0x10560]  }
0x19a: {  	v16 =	vld [tilespmem:s20+$0x6570]  }
0x19b: {  	v61 =	vld [tilespmem:s20+$0x105A0];
	v0 =	vadd.f32 v1, v0  }
0x19c: {  	v1 =	vld [tilespmem:s20+$0x10570];
	v2 =	vadd.f32 v3, v2  }
0x19d: {  	v3 =	vld [tilespmem:s20+$0x6580];
	[tilespmem:s20+$0x65F0] =	vst v0;
	v0 =	vadd.f32 v5, v4  }
0x19e: {  	v4 =	vld [tilespmem:s20+$0x10580];
	[tilespmem:s20+$0x6500] =	vst v2;
	v2 =	vadd.f32 v7, v6  }
0x19f: {  	v5 =	vld [tilespmem:s20+$0x6590];
	[tilespmem:s20+$0x6510] =	vst v0;
	v0 =	vadd.f32 v9, v8  }
0x1a0: {  	v6 =	vld [tilespmem:s20+$0x10590];
	[tilespmem:s20+$0x6520] =	vst v2;
	v2 =	vadd.f32 v11, v10  }
0x1a1: {  	v7 =	vld [tilespmem:s20+$0x65A0];
	v1 =	vadd.f32 v1, v16;
	[tilespmem:s20+$0x6530] =	vst v0  }
0x1a2: {  	v62 =	vld [tilespmem:s20+$0x65B0];
	v0 =	vadd.f32 v13, v12;
	[tilespmem:s20+$0x6540] =	vst v2  }
0x1a3: {  	v63 =	vld [tilespmem:s20+$0x105B0];
	v2 =	vadd.f32 v15, v14;
	[tilespmem:s20+$0x6570] =	vst v1  }
0x1a4: {  	v3 =	vadd.f32 v4, v3;
	[tilespmem:s20+$0x6550] =	vst v0;
	v0 =	vld [tilespmem:s20+$0x65C0]  }
0x1a5: {  	v4 =	vadd.f32 v6, v5;
	[tilespmem:s20+$0x6560] =	vst v2;
	v2 =	vld [tilespmem:s20+$0x105C0]  }
0x1a6: {  	v5 =	vadd.f32 v61, v7;
	v1 =	vld [tilespmem:s20+$0x65D0];
	[tilespmem:s20+$0x6580] =	vst v3  }
0x1a7: {  	[tilespmem:s20+$0x6590] =	vst v4;
	v3 =	vld [tilespmem:s20+$0x105D0]  }
0x1a8: {  	s21 =	simm.s32 $0x0;
	s22 =	simm.s32 $0x400;
	[tilespmem:s20+$0x65A0] =	vst v5;
	v5 =	vadd.f32 v63, v62;
	v4 =	vld [tilespmem:s20+$0x65E0]  }
.LBB2_9:
0x1a9: {  	s23 =	sshra.s32 s22, $0x2;
	v6 =	vld [tilespmem:s20+$0x105E0]  }
0x1aa: {  	s21 =	sadd.s32 $0x4, s21;
	v7 =	vld [tilespmem:s23+$0x65F0];
	[tilespmem:s20+$0x65B0] =	vst v5;
	v0 =	vadd.f32 v2, v0  }
0x1ab: {  	p1 =	slt.u32 s21, $0x7C;
	v2 =	vld [tilespmem:s23+$0x105F0]  }
0x1ac: {  	v5 =	vld [tilespmem:s23+$0x6500];
	[tilespmem:s20+$0x65C0] =	vst v0;
	v0 =	vadd.f32 v3, v1  }
0x1ad: {  	v1 =	vld [tilespmem:s23+$0x10500]  }
0x1ae: {  	v3 =	vld [tilespmem:s23+$0x6510];
	[tilespmem:s20+$0x65D0] =	vst v0;
	v0 =	vadd.f32 v6, v4  }
0x1af: {  	v4 =	vld [tilespmem:s23+$0x10510]  }
0x1b0: {  	v6 =	vld [tilespmem:s23+$0x6520];
	v2 =	vadd.f32 v2, v7;
	[tilespmem:s20+$0x65E0] =	vst v0;
	s20 =	smov.u32 s23  }
0x1b1: {  	v0 =	vld [tilespmem:s20+$0x10520]  }
0x1b2: {  	v1 =	vadd.f32 v1, v5;
	v5 =	vld [tilespmem:s20+$0x6530];
	[tilespmem:s20+$0x65F0] =	vst v2  }
0x1b3: {  	v2 =	vld [tilespmem:s20+$0x10530]  }
0x1b4: {  	[tilespmem:s20+$0x6500] =	vst v1;
	v1 =	vadd.f32 v4, v3;
	v3 =	vld [tilespmem:s20+$0x6540]  }
0x1b5: {  	v4 =	vld [tilespmem:s20+$0x10540]  }
0x1b6: {  	[tilespmem:s20+$0x6510] =	vst v1;
	v0 =	vadd.f32 v0, v6;
	v1 =	vld [tilespmem:s20+$0x6550]  }
0x1b7: {  	v6 =	vld [tilespmem:s20+$0x10550]  }
0x1b8: {  	[tilespmem:s20+$0x6520] =	vst v0;
	v0 =	vadd.f32 v2, v5;
	v2 =	vld [tilespmem:s20+$0x6560]  }
0x1b9: {  	v5 =	vld [tilespmem:s20+$0x10560]  }
0x1ba: {  	[tilespmem:s20+$0x6530] =	vst v0;
	v0 =	vadd.f32 v4, v3;
	v3 =	vld [tilespmem:s20+$0x6570]  }
0x1bb: {  	v4 =	vld [tilespmem:s20+$0x10570]  }
0x1bc: {  	[tilespmem:s20+$0x6540] =	vst v0;
	v0 =	vadd.f32 v6, v1;
	v1 =	vld [tilespmem:s20+$0x6580]  }
0x1bd: {  	v6 =	vld [tilespmem:s20+$0x10580]  }
0x1be: {  	[tilespmem:s20+$0x6550] =	vst v0;
	v0 =	vadd.f32 v5, v2;
	v2 =	vld [tilespmem:s20+$0x6590]  }
0x1bf: {  	v5 =	vld [tilespmem:s20+$0x10590]  }
0x1c0: {  	[tilespmem:s20+$0x6560] =	vst v0;
	v0 =	vadd.f32 v4, v3;
	v3 =	vld [tilespmem:s20+$0x65A0]  }
0x1c1: {  	v4 =	vld [tilespmem:s20+$0x105A0]  }
0x1c2: {  	[tilespmem:s20+$0x6570] =	vst v0;
	v0 =	vadd.f32 v6, v1;
	v6 =	vld [tilespmem:s20+$0x65B0]  }
0x1c3: {  	v7 =	vld [tilespmem:s20+$0x105B0]  }
.Ltmp3:
0x1c4: {  	[tilespmem:s20+$0x6580] =	vst v0;
	v1 =	vadd.f32 v5, v2;
	v0 =	vld [tilespmem:s20+$0x65C0];
	(pc) =	sbr.rel @p1 .LBB2_9-.Ltmp3, $4  }
0x1c5: {  	v2 =	vld [tilespmem:s20+$0x105C0]  }
0x1c6: {  	[tilespmem:s20+$0x6590] =	vst v1;
	v4 =	vadd.f32 v4, v3;
	v1 =	vld [tilespmem:s20+$0x65D0]  }
0x1c7: {  	v3 =	vld [tilespmem:s20+$0x105D0]  }
0x1c8: {  	s22 =	sadd.s32 $0x400, s22;
	[tilespmem:s20+$0x65A0] =	vst v4;
	v5 =	vadd.f32 v7, v6;
	v4 =	vld [tilespmem:s20+$0x65E0]  }
0x1c9: {  	v6 =	vld [tilespmem:s20+$0x105E0];
	_ =	sdelay $0x2  }
0x1ca: {  	v0 =	vadd.f32 v2, v0  }
0x1cb: {  	[tilespmem:s20+$0x65B0] =	vst v5;
	v1 =	vadd.f32 v3, v1  }
0x1cc: {  	[tilespmem:s20+$0x65C0] =	vst v0;
	v0 =	vadd.f32 v6, v4  }
0x1cd: {  	[tilespmem:s20+$0x65D0] =	vst v1  }
0x1ce: {  	[tilespmem:s20+$0x65E0] =	vst v0;
	s20 =	simm.s32 @!p0 $0x17  }
0x1cf: {  	_ =	swait.ge @!p0 [sflag:s20], $0x2000  }
0x1d0: {  	[sflag:s20] =	ssyncset.done @!p0 $0x0  }
0x1d1: {  	[sflag:s20] =	ssyncadd.s32 @!p0 $0xFFFFE000;
	s20 =	simm.s32 @!p0 $0x3  }
0x1d2: {  	_ =	swait.ge @!p0 [sflag:s20], $0x80  }
0x1d3: {  	[sflag:s20] =	ssyncset.done @!p0 $0x0  }
0x1d4: {  	[sflag:s20] =	ssyncadd.s32 @!p0 $0xFFFFFF80;
	s20 =	simm.s32 @!p0 $0x8  }
0x1d5: {  	s21 =	simm.s32 @!p0 $0x100;
	_ =	swait.ge @!p0 [sflag:s20], $0x80  }
0x1d6: {  	s22 =	simm.s32 @!p0 $0x4500;
	s19 =	sadd.s32 s19, s29;
	[sflag:s20] =	ssyncset.done @!p0 $0x0  }
0x1d7: {  	s19 =	sshll.u32 s19, $0x3;
	[sflag:s20] =	ssyncadd.s32 @!p0 $0xFFFFFF80;
	s20 =	simm.s32 @!p0 $0x80  }
0x1d8: {  	[tilespmem:s22], [sflag:$0xD] =	stream.indirect.gather @!p0 [hbm4b:s6+s20], $0x40, s21, s20, $0xb8;
	[tilespmem:$0x14500] =	vst v63  }
0x1d9: {  	s19 =	sand.u32 $0x1FFFFC00, s19;
	s21 =	simm.s32 @!p0 $0x380;
	s22 =	simm.s32 @!p0 $0xE500  }
0x1da: {  	[tilespmem:s22], [sflag:$0x12] =	stream.indirect.gather @!p0 [hbm4b:s7+s20], $0x40, s21, s20, $0xb8;
	[tilespmem:$0x14500] =	vst v63  }
0x1db: {  	s23 =	simm.s32 $0x6500;
	s19 =	sadd.s32 s4, s19  }
0x1dc: {  	[hbm4b:s19+s5] =	stream.linear.scatter [tilespmem:s23], [sflag:$0x18], $0x2000, $0x38;
	[tilespmem:$0x14500] =	vst v63  }
0x1dd: {  	_ =	swait.ge [sflag:s9], $0x2000  }
0x1de: {  	[sflag:s9] =	ssyncset.done $0x0  }
0x1df: {  	[sflag:s9] =	ssyncadd.s32 $0xFFFFE000  }
0x1e0: {  	_ =	swait.ge [sflag:s17], $0x2000  }
0x1e1: {  	s19 =	rddreg [dreg:$0x13]  }
0x1e2: {  	s8 =	sadd.s32 @!p0 s8, s19  }
0x1e3: {  	s8 =	sshll.u32 @!p0 s8, $0x4  }
0x1e4: {  	s20 =	simm.s32 @!p0 $0x0;
	[sflag:s17] =	ssyncset.done $0x0;
	s8 =	sand.u32 @!p0 $0x1FFFFFF0, s8  }
0x1e5: {  	s21 =	simm.s32 @!p0 $0x200;
	[sflag:s17] =	ssyncadd.s32 $0xFFFFE000;
	s19 =	sadd.s32 @!p0 s1, s8  }
0x1e6: {  	[tilespmem:s21], [sflag:$0x5] =	stream.linear.gather @!p0 [hbm4b:s19+s20], $0x80, $0x38;
	[tilespmem:$0x14500] =	vst v63  }
0x1e7: {  	s8 =	sadd.s32 @!p0 s2, s8;
	s19 =	simm.s32 @!p0 $0x480  }
0x1e8: {  	[tilespmem:s19], [sflag:$0xA] =	stream.linear.gather @!p0 [hbm4b:s8+s20], $0x80, $0x38;
	[tilespmem:$0x14500] =	vst v63  }
0x1e9: {  	s8 =	simm.s32 $0x0  }
0x1ea: {  	v0 =	vld [tilespmem:s8+$0x85F0]  }
0x1eb: {  	v1 =	vld [tilespmem:s8+$0x125F0]  }
0x1ec: {  	v2 =	vld [tilespmem:s8+$0x8500]  }
0x1ed: {  	v3 =	vld [tilespmem:s8+$0x12500]  }
0x1ee: {  	v4 =	vld [tilespmem:s8+$0x8510]  }
0x1ef: {  	v5 =	vld [tilespmem:s8+$0x12510]  }
0x1f0: {  	v6 =	vld [tilespmem:s8+$0x8520]  }
0x1f1: {  	v7 =	vld [tilespmem:s8+$0x12520]  }
0x1f2: {  	v8 =	vld [tilespmem:s8+$0x8530]  }
0x1f3: {  	v9 =	vld [tilespmem:s8+$0x12530]  }
0x1f4: {  	v10 =	vld [tilespmem:s8+$0x8540]  }
0x1f5: {  	v11 =	vld [tilespmem:s8+$0x12540]  }
0x1f6: {  	v12 =	vld [tilespmem:s8+$0x8550]  }
0x1f7: {  	v13 =	vld [tilespmem:s8+$0x12550]  }
0x1f8: {  	v14 =	vld [tilespmem:s8+$0x8560]  }
0x1f9: {  	v15 =	vld [tilespmem:s8+$0x12560]  }
0x1fa: {  	v16 =	vld [tilespmem:s8+$0x8570]  }
0x1fb: {  	v61 =	vld [tilespmem:s8+$0x125A0];
	v0 =	vadd.f32 v1, v0  }
0x1fc: {  	v1 =	vld [tilespmem:s8+$0x12570];
	v2 =	vadd.f32 v3, v2  }
0x1fd: {  	v3 =	vld [tilespmem:s8+$0x8580];
	[tilespmem:s8+$0x85F0] =	vst v0;
	v0 =	vadd.f32 v5, v4  }
0x1fe: {  	v4 =	vld [tilespmem:s8+$0x12580];
	[tilespmem:s8+$0x8500] =	vst v2;
	v2 =	vadd.f32 v7, v6  }
0x1ff: {  	v5 =	vld [tilespmem:s8+$0x8590];
	[tilespmem:s8+$0x8510] =	vst v0;
	v0 =	vadd.f32 v9, v8  }
0x200: {  	v6 =	vld [tilespmem:s8+$0x12590];
	[tilespmem:s8+$0x8520] =	vst v2;
	v2 =	vadd.f32 v11, v10  }
0x201: {  	v7 =	vld [tilespmem:s8+$0x85A0];
	v1 =	vadd.f32 v1, v16;
	[tilespmem:s8+$0x8530] =	vst v0  }
0x202: {  	v62 =	vld [tilespmem:s8+$0x85B0];
	v0 =	vadd.f32 v13, v12;
	[tilespmem:s8+$0x8540] =	vst v2  }
0x203: {  	v63 =	vld [tilespmem:s8+$0x125B0];
	v2 =	vadd.f32 v15, v14;
	[tilespmem:s8+$0x8570] =	vst v1  }
0x204: {  	v3 =	vadd.f32 v4, v3;
	[tilespmem:s8+$0x8550] =	vst v0;
	v0 =	vld [tilespmem:s8+$0x85C0]  }
0x205: {  	v4 =	vadd.f32 v6, v5;
	[tilespmem:s8+$0x8560] =	vst v2;
	v2 =	vld [tilespmem:s8+$0x125C0]  }
0x206: {  	v5 =	vadd.f32 v61, v7;
	v1 =	vld [tilespmem:s8+$0x85D0];
	[tilespmem:s8+$0x8580] =	vst v3  }
0x207: {  	[tilespmem:s8+$0x8590] =	vst v4;
	v3 =	vld [tilespmem:s8+$0x125D0]  }
0x208: {  	s19 =	simm.s32 $0x0;
	s20 =	simm.s32 $0x400;
	[tilespmem:s8+$0x85A0] =	vst v5;
	v5 =	vadd.f32 v63, v62;
	v4 =	vld [tilespmem:s8+$0x85E0]  }
.LBB2_11:
0x209: {  	s21 =	sshra.s32 s20, $0x2;
	v6 =	vld [tilespmem:s8+$0x125E0]  }
0x20a: {  	s19 =	sadd.s32 $0x4, s19;
	v7 =	vld [tilespmem:s21+$0x85F0];
	[tilespmem:s8+$0x85B0] =	vst v5;
	v0 =	vadd.f32 v2, v0  }
0x20b: {  	p1 =	slt.u32 s19, $0x7C;
	v2 =	vld [tilespmem:s21+$0x125F0]  }
0x20c: {  	v5 =	vld [tilespmem:s21+$0x8500];
	[tilespmem:s8+$0x85C0] =	vst v0;
	v0 =	vadd.f32 v3, v1  }
0x20d: {  	v1 =	vld [tilespmem:s21+$0x12500]  }
0x20e: {  	v3 =	vld [tilespmem:s21+$0x8510];
	[tilespmem:s8+$0x85D0] =	vst v0;
	v0 =	vadd.f32 v6, v4  }
0x20f: {  	v4 =	vld [tilespmem:s21+$0x12510]  }
0x210: {  	v6 =	vld [tilespmem:s21+$0x8520];
	v2 =	vadd.f32 v2, v7;
	[tilespmem:s8+$0x85E0] =	vst v0;
	s8 =	smov.u32 s21  }
0x211: {  	v0 =	vld [tilespmem:s8+$0x12520]  }
0x212: {  	v1 =	vadd.f32 v1, v5;
	v5 =	vld [tilespmem:s8+$0x8530];
	[tilespmem:s8+$0x85F0] =	vst v2  }
0x213: {  	v2 =	vld [tilespmem:s8+$0x12530]  }
0x214: {  	[tilespmem:s8+$0x8500] =	vst v1;
	v1 =	vadd.f32 v4, v3;
	v3 =	vld [tilespmem:s8+$0x8540]  }
0x215: {  	v4 =	vld [tilespmem:s8+$0x12540]  }
0x216: {  	[tilespmem:s8+$0x8510] =	vst v1;
	v0 =	vadd.f32 v0, v6;
	v1 =	vld [tilespmem:s8+$0x8550]  }
0x217: {  	v6 =	vld [tilespmem:s8+$0x12550]  }
0x218: {  	[tilespmem:s8+$0x8520] =	vst v0;
	v0 =	vadd.f32 v2, v5;
	v2 =	vld [tilespmem:s8+$0x8560]  }
0x219: {  	v5 =	vld [tilespmem:s8+$0x12560]  }
0x21a: {  	[tilespmem:s8+$0x8530] =	vst v0;
	v0 =	vadd.f32 v4, v3;
	v3 =	vld [tilespmem:s8+$0x8570]  }
0x21b: {  	v4 =	vld [tilespmem:s8+$0x12570]  }
0x21c: {  	[tilespmem:s8+$0x8540] =	vst v0;
	v0 =	vadd.f32 v6, v1;
	v1 =	vld [tilespmem:s8+$0x8580]  }
0x21d: {  	v6 =	vld [tilespmem:s8+$0x12580]  }
0x21e: {  	[tilespmem:s8+$0x8550] =	vst v0;
	v0 =	vadd.f32 v5, v2;
	v2 =	vld [tilespmem:s8+$0x8590]  }
0x21f: {  	v5 =	vld [tilespmem:s8+$0x12590]  }
0x220: {  	[tilespmem:s8+$0x8560] =	vst v0;
	v0 =	vadd.f32 v4, v3;
	v3 =	vld [tilespmem:s8+$0x85A0]  }
0x221: {  	v4 =	vld [tilespmem:s8+$0x125A0]  }
0x222: {  	[tilespmem:s8+$0x8570] =	vst v0;
	v0 =	vadd.f32 v6, v1;
	v6 =	vld [tilespmem:s8+$0x85B0]  }
0x223: {  	v7 =	vld [tilespmem:s8+$0x125B0]  }
.Ltmp4:
0x224: {  	[tilespmem:s8+$0x8580] =	vst v0;
	v1 =	vadd.f32 v5, v2;
	v0 =	vld [tilespmem:s8+$0x85C0];
	(pc) =	sbr.rel @p1 .LBB2_11-.Ltmp4, $4  }
0x225: {  	v2 =	vld [tilespmem:s8+$0x125C0]  }
0x226: {  	[tilespmem:s8+$0x8590] =	vst v1;
	v4 =	vadd.f32 v4, v3;
	v1 =	vld [tilespmem:s8+$0x85D0]  }
0x227: {  	v3 =	vld [tilespmem:s8+$0x125D0]  }
0x228: {  	s20 =	sadd.s32 $0x400, s20;
	[tilespmem:s8+$0x85A0] =	vst v4;
	v5 =	vadd.f32 v7, v6;
	v4 =	vld [tilespmem:s8+$0x85E0]  }
0x229: {  	v6 =	vld [tilespmem:s8+$0x125E0];
	_ =	sdelay $0x2  }
0x22a: {  	v0 =	vadd.f32 v2, v0  }
0x22b: {  	[tilespmem:s8+$0x85B0] =	vst v5;
	v1 =	vadd.f32 v3, v1  }
0x22c: {  	[tilespmem:s8+$0x85C0] =	vst v0;
	v63 =	vadd.f32 v6, v4  }
0x22d: {  	[tilespmem:s8+$0x85D0] =	vst v1  }
0x22e: {  	[tilespmem:s8+$0x85E0] =	vst v63;
	s8 =	simm.s32 @!p0 $0x18  }
0x22f: {  	_ =	swait.ge @!p0 [sflag:s8], $0x2000  }
0x230: {  	[sflag:s8] =	ssyncset.done @!p0 $0x0  }
0x231: {  	[sflag:s8] =	ssyncadd.s32 @!p0 $0xFFFFE000;
	s8 =	simm.s32 @!p0 $0x4  }
0x232: {  	_ =	swait.ge @!p0 [sflag:s8], $0x80  }
0x233: {  	[sflag:s8] =	ssyncset.done @!p0 $0x0  }
0x234: {  	[sflag:s8] =	ssyncadd.s32 @!p0 $0xFFFFFF80;
	s8 =	simm.s32 @!p0 $0x9  }
0x235: {  	_ =	swait.ge @!p0 [sflag:s8], $0x80  }
0x236: {  	s19 =	simm.s32 @!p0 $0x180;
	s20 =	simm.s32 @!p0 $0x6500;
	[sflag:s8] =	ssyncset.done @!p0 $0x0  }
0x237: {  	s21 =	smul.u32 $0xA000, s25;
	[sflag:s8] =	ssyncadd.s32 @!p0 $0xFFFFFF80;
	s8 =	simm.s32 @!p0 $0x80  }
0x238: {  	[tilespmem:s20], [sflag:$0xE] =	stream.indirect.gather @!p0 [hbm4b:s6+s8], $0x40, s19, s8, $0xb8;
	[tilespmem:$0x14500] =	vst v63  }
0x239: {  	s25 =	sadd.s32 $0x1, s25;
	s19 =	simm.s32 @!p0 $0x400;
	s20 =	simm.s32 @!p0 $0x10500  }
0x23a: {  	[tilespmem:s20], [sflag:$0x13] =	stream.indirect.gather @!p0 [hbm4b:s7+s8], $0x40, s19, s8, $0xb8;
	[tilespmem:$0x14500] =	vst v63  }
0x23b: {  	p0 =	sne.s32 s25, $0x28  }
.Ltmp5:
0x23c: {  	s23 =	rddreg [dreg:$0x14];
	(pc) =	sbr.rel @p0 .LBB2_2-.Ltmp5, $4  }
0x23d: {  	s8 =	sadd.s32 s21, s23  }
0x23e: {  	s8 =	sshrl.u32 s8, $0x3  }
0x23f: {  	s8 =	sadd.s32 s4, s8  }
0x240: {  	[hbm4b:s8+s5] =	stream.linear.scatter [tilespmem:s16], [sflag:$0x19], $0x2000, $0x38;
	[tilespmem:$0x14500] =	vst v63  }
0x241: {  	s8 =	simm.s32 $0x15  }
0x242: {  	_ =	swait.ge [sflag:s8], $0x2000  }
0x243: {  	[sflag:s8] =	ssyncset.done $0x0  }
0x244: {  	s21 =	simm.s32 $0x16;
	[sflag:s8] =	ssyncadd.s32 $0xFFFFE000  }
0x245: {  	_ =	swait.ge [sflag:s21], $0x2000  }
0x246: {  	[sflag:s21] =	ssyncset.done $0x0  }
0x247: {  	s22 =	simm.s32 $0x17;
	[sflag:s21] =	ssyncadd.s32 $0xFFFFE000  }
0x248: {  	_ =	swait.ge [sflag:s22], $0x2000  }
0x249: {  	[sflag:s22] =	ssyncset.done $0x0  }
0x24a: {  	s23 =	simm.s32 $0x18;
	[sflag:s22] =	ssyncadd.s32 $0xFFFFE000  }
0x24b: {  	_ =	swait.ge [sflag:s23], $0x2000  }
0x24c: {  	[sflag:s23] =	ssyncset.done $0x0  }
0x24d: {  	s19 =	simm.s32 $0x19;
	[sflag:s23] =	ssyncadd.s32 $0xFFFFE000  }
0x24e: {  	_ =	swait.ge [sflag:s19], $0x2000  }
0x24f: {  	s20 =	rddreg [dreg:$0x16]  }
0x250: {  	s25 =	rddreg [dreg:$0x15];
	s20 =	sadd.s32 $0x1, s20  }
0x251: {  	p0 =	sne.s32 s20, s25  }
.Ltmp6:
0x252: {  	_ = 	snop;
	(pc) =	sbr.rel @p0 .LBB2_1-.Ltmp6, $3  }
0x253: {  	_ =	sdelay $0x1  }
0x254: {  	[sflag:s19] =	ssyncset.done $0x0  }
0x255: {  	[sflag:s19] =	ssyncadd.s32 $0xFFFFE000  }
0x256: {  	_ =	sfence.sel $0x180000  }
0x257: {  	[bflag:$0x0] =	sbarrier.arrive $0xFFFF  }
0x258: {  	_ =	strace $0x90000047  }
0x259: {  	s0 =	stileid.u32;
	[bflag:$0x2] =	sbarrier.arrive $0xFFFF  }
0x25a: {  	p0 =	sne.s32 s0, $0x0;
	s0 =	rddreg [dreg:$0x4]  }
0x25b: {  	s0 =	sadd.s32 @!p0 $0x100000, s0  }
0x25c: {  	[sflag:s0] =	ssyncadd.tile.s32 @!p0 $0x1;
	_ =	shalt  }
.Lfunc_end2:
_tile_overlayer_lowered:
.L_overlay_start_2:
0x25d: {  	(tag) =	ssettag $0x2  }
0x25e: {  	s0 =	rddreg [dreg:$0x0];
	s2 =	stileid.u32  }
0x25f: {  	s1 =	rddreg [dreg:$0x1];
	p0 =	sne.s32 s2, $0x0  }
0x260: {  	s3 =	rddreg [dreg:$0x2];
	[bflag:$0x3] =	sbarrier.arrive $0xFFFF;
	s2 =	simm.s32 @!p0 $0x1C1A  }
0x261: {  	[timem:s3], [sflag:s2] =	dma.local @!p0 [hbm:s0], s1  }
0x262: {  	s0 =	simm.s32 @!p0 $0x1A  }
0x263: {  	_ =	swait.ge @!p0 [sflag:s0], s1  }
0x264: {  	s1 =	ssub.s32 @!p0 $0x0, s1;
	[sflag:s0] =	ssyncset.done @!p0 $0x0  }
0x265: {  	[sflag:s0] =	ssyncadd.s32 @!p0 s1  }
0x266: {  	[bflag:$0x3] =	sbarrier.arrive $0xFFFF  }
0x267: {  	_ =	shalt  }

// kernel: sparse-core-data-format-call.cloned.1.call-start
scs
called_computation_lowered:
.L_overlay_start_0:
0x0: {  	s2 =	sld [smem:$0x3FD9]  }
0x1: {  	s3 =	sld [smem:$0x3FFE];
	_ =	sdelay $0x1  }
0x2: {  	s1 =	srdreg.scid  }
0x3: {  	s0 =	sand.u32 $0x1, s1  }
0x4: {  	s18 =	sshll.u32 s0, $0xA;
	s2 =	sadd.s32 s3, s2  }
0x5: {  	s2 =	sadd.s32 s2, s18  }
0x6: {  	[smem:$0x3FC4] =	sst s2  }
0x7: {  	_ = 	snop  }
0x8: {  	s2 =	sld [smem:$0x3FD0];
	(tm) =	ssettm $0x1  }
0x9: {  	s19 =	sld [smem:$0x3FFB];
	_ =	sdelay $0x3  }
0xa: {  	_ =	strace s19  }
0xb: {  	s3 =	sld [smem:$0x3FFC];
	_ =	sdelay $0x3  }
0xc: {  	_ =	strace s3  }
0xd: {  	s3 =	sld [smem:$0x3FFD];
	_ =	sdelay $0x3  }
0xe: {  	_ =	strace s3  }
0xf: {  	_ =	strace $0x8FFFFFFF  }
0x10: {  	s20 =	sld [smem:$0x3FDB];
	_ =	sdelay $0x1  }
0x11: {  	s4 =	simm.s32 $_scs_section_size  }
0x12: {  	s5 =	simm.s32 $_size__tile_overlayer_lowered;
	s6 =	simm.s32 $_tile_overlayer_lowered  }
0x13: {  	s23 =	simm.s32 $0x1BFF;
	s22 =	sshll.u32 s6, $0x1;
	s3 =	sadd.s32 s4, s20  }
0x14: {  	s7 =	simm.s32 $0x0;
	s21 =	sshll.u32 s5, $0x1;
	s5 =	sadd.s32 s22, s3  }
0x15: {  	[timem:s7], [sflag:s23] =	dma.local [hbm:s5], s21  }
0x16: {  	_ =	swait.ge [sflag:s23], s21  }
0x17: {  	s4 =	ssub.s32 $0x0, s21;
	[sflag:s23] =	ssyncset.done $0x0  }
0x18: {  	[sflag:s23] =	ssyncadd.s32 s4;
	_ =	sdelay $0x1  }
0x19: {  	s24 =	simm.s32 $0x1B8B  }
0x1a: {  	_ =	swait.ge [sflag:s24], $0x1  }
0x1b: {  	[sflag:s24] =	ssyncset.done $0x0  }
0x1c: {  	s26 =	simm.s32 $0x1B8E;
	s25 =	sld [smem:$0x3FFE];
	[sflag:s24] =	ssyncadd.s32 $0xFFFFFFFF  }
0x1d: {  	s27 =	simm.s32 $execute0_lowered;
	[smem:$0x3FD2] =	sst s26  }
0x1e: {  	s5 =	sshll.u32 s27, $0x1;
	_ =	strace $0x80000049;
	[dreg:$0x1] =	wrdreg $0xFFFFFFFF  }
0x1f: {  	s28 =	simm.s32 $_size_execute0_lowered;
	s3 =	sadd.s32 s3, s5;
	[dreg:$0x0] =	wrdreg $0x0  }
0x20: {  	s5 =	sshll.u32 s28, $0x1;
	[dreg:$0x2] =	wrdreg s3  }
0x21: {  	[dreg:$0x3] =	wrdreg s5  }
0x22: {  	[dreg:$0x4] =	wrdreg $0xC0  }
0x23: {  	_ =	task [dreg:s7], $0x5FFFF  }
0x24: {  	[dreg:$0x1] =	wrdreg $0xFFFFFFFF  }
0x25: {  	[dreg:$0x0] =	wrdreg $0x60  }
0x26: {  	[dreg:$0x2] =	wrdreg s25  }
0x27: {  	[dreg:$0x3] =	wrdreg s2  }
0x28: {  	[dreg:$0x4] =	wrdreg $0x9  }
0x29: {  	_ =	task.clear_ibuf [dreg:s7], $0x5FFFF;
	_ =	strace $0x90000049  }
0x2a: {  	s29 =	simm.s32 $0x9;
	_ =	strace $0x8000004B  }
0x2b: {  	_ =	swait.ge [sflag:s29], $0x1  }
0x2c: {  	[sflag:s29] =	ssyncadd.s32 $0xFFFFFFFF  }
0x2d: {  	_ =	strace $0x9000004B  }
0x2e: {  	_ =	sfence  }
0x2f: {  	s30 =	sld [smem:$0x0];
	_ =	sdelay $0x2  }
0x30: {  	s31 =	sshll.u32 s1, $0xD;
	s1 =	sshrl.u32 s1, $0x2  }
0x31: {  	s3 =	sand.u32 $0x4000, s31;
	s1 =	sadd.s32 s1, s30  }
0x32: {  	s0 =	sor.u32 s3, s0;
	s1 =	sshll.u32 s1, $0x11  }
0x33: {  	s0 =	sor.u32 s1, s0  }
0x34: {  	s0 =	sadd.s32 $0x8F2B, s0  }
0x35: {  	[sflag:s0] =	ssyncadd.remote.s32 $0x1  }
0x36: {  	_ =	sfence.sel $0xFFFF  }
0x37: {  	[dreg:$0x0] =	wrdreg $0xFFFFFFFF;
	(pc) =	sbr.abs _section_cstart, $3  }
0x38: {  	[dreg:$0x1] =	wrdreg $0xFFFFFFFF  }
0x39: {  	_ =	task.clear_ibuf [dreg:s7], $0x2FFFF;
	_ =	strace $0x9FFFFFFF  }
0x3a: {  	(tm) =	ssettm $0x7FFFFFFF  }
0x3b: {  	_ =	shalt  }
tec
execute0_lowered:
.L_overlay_start_1:
0x0: {  	(tag) =	ssettag $0x1  }
0x1: {  	s0 =	srdreg.scid  }
0x2: {  	s1 =	sshll.u32 s0, $0x4  }
0x3: {  	s4 =	rddreg [dreg:$0x0];
	s0 =	stileid.u32;
	s1 =	sand.u32 $0x10, s1  }
0x4: {  	s2 =	rddreg [dreg:$0x1];
	s7 =	simm.s32 $0x1;
	s1 =	sor.u32 s0, s1  }
0x5: {  	s8 =	simm.s32 $0x2;
	s11 =	simm.s32 $0x0;
	s3 =	sshll.u32 s1, $0x7  }
0x6: {  	s10 =	simm.s32 $0x0;
	s4 =	sadd.s32 $0x2400, s4;
	s6 =	ssub.s32 $0xC8000, s3  }
.Ltmp0:
0x7: {  	s1 =	rddreg [dreg:$0x2];
	s5 =	sand.u32 $0xF80, s6;
	(pc) =	sbr.rel .LBB1_1-.Ltmp0, $4  }
0x8: {  	_ =	strace $0x8000004A;
	s9 =	smov.u32 s3;
	p0 =	sne.s32 s5, $0x0  }
0x9: {  	s6 =	sshrl.u32 s6, $0xC;
	s5 =	simm.s32 $0x1;
	s7 =	simm.s32 @!p0 $0x0  }
0xa: {  	[sflag:s5] =	ssyncpa.u1 $0x0;
	p0 =	por $0x0, $0x0;
	s6 =	sadd.s32 s7, s6  }
0xb: {  	[sflag:s8] =	ssyncpa.u1 $0x0;
	s8 =	simm.s32 $0x640000;
	s7 =	sadd.s32 $0x1, s6  }
.LBB1_4:
0xc: {  	s14 =	sshll.u32 s11, $0x3  }
0xd: {  	s30 =	sand.u32 $0x7F, s11;
	s15 =	sand.u32 $0xFFFFFC00, s14  }
0xe: {  	s11 =	sor.u32 s30, s15  }
0xf: {  	s15 =	smulhi.u32 $0x51EB851F, s11  }
0x10: {  	s14 =	smulhi.u32 $0x51EB851F, s14  }
0x11: {  	s15 =	sshrl.u32 s15, $0x12  }
0x12: {  	s14 =	sshrl.u32 s14, $0x12;
	s15 =	smul.u32 $0xC8000, s15  }
0x13: {  	s14 =	sand.u32 $0x3F, s14  }
0x14: {  	s14 =	smul.u32 $0x19000, s14;
	s11 =	ssub.s32 s11, s15  }
0x15: {  	[tilespmem:s13+$0x810 ss:$0x81] =	vst.msk $0xffff, v2;
	s15 =	sand.u32 $0x7, s11  }
0x16: {  	[tilespmem:s13+$0x1020 ss:$0x81] =	vst.msk $0xffff, v0;
	s14 =	sadd.s32 s2, s14;
	s11 =	sshrl.u32 s11, $0x3;
	s15 =	sshll.u32 s15, $0x12  }
0x17: {  	[tilespmem:s13+$0x0 ss:$0x81] =	vst.msk $0xffff, v1;
	s11 =	sadd.s32 s11, s14;
	s31 =	sor.u32 $0x400, s15  }
0x18: {  	[hbm4b:s11+s31] =	stream.strided.scatter [tilespmem:s12], [sflag:$0x2], $0x2000, s8, s31, $0x20;
	[tilespmem:$0x8080] =	vst v63  }
.LBB1_5:
0x19: {  	s13 =	sadd.s32 $0x1000, s9  }
0x1a: {  	p2 =	sgt.s32 s13, $0xC7FFF  }
0x1b: {  	s13 =	smov.u32 @p2 s3;
	p2 =	sne.s32 s10, s7  }
.Ltmp1:
0x1c: {  	p1 =	slt.u32 s10, $0x2;
	(pc) =	sbr.rel @!p2 .LBB1_6-.Ltmp1, $4  }
0x1d: {  	s12 =	simm.s32 @!p1 $0x2  }
0x1e: {  	s14 =	sadd.s32 $0x1, s10;
	_ =	swait.ge @!p1 [sflag:s12], $0x2000  }
0x1f: {  	s11 =	smov.u32 s9;
	p0 =	por !p0, !p0;
	[sflag:s12] =	ssyncset.done @!p1 $0x0  }
0x20: {  	s10 =	smov.u32 s14;
	s9 =	smov.u32 s13;
	[sflag:s12] =	ssyncadd.s32 @!p1 $0xFFFFE000  }
.LBB1_1:
0x21: {  	p1 =	sge.u32 s10, s6  }
0x22: {  	s12 =	sand.u32 @!p1 $0x1FFFFFF, s9  }
0x23: {  	s13 =	smulhi.u32 @!p1 $0x147AE15, s12;
	_ =	sdelay $0x1  }
0x24: {  	s13 =	sshrl.u32 @!p1 s13, $0xC  }
0x25: {  	s13 =	smul.u32 @!p1 $0xC8000, s13;
	_ =	sdelay $0x1  }
0x26: {  	s31 =	sadd.s32 $0xFFFFFFFF, s10;
	s14 =	sxor.u32 @!p1 $0xFFFFFFFF, s10;
	s12 =	ssub.s32 @!p1 s12, s13  }
0x27: {  	s15 =	simm.s32 @!p1 $0x80;
	s14 =	sshll.u32 @!p1 s14, $0xD;
	s12 =	sshll.u32 @!p1 s12, $0x4  }
0x28: {  	s13 =	sand.u32 @!p1 $0x2000, s14;
	s14 =	simm.s32 @!p1 $0x40;
	s12 =	sadd.s32 @!p1 s4, s12  }
0x29: {  	[tilespmem:s13], [sflag:$0x1] =	stream.strided.gather @!p1 [hbm4b:s12+s14], $0x2000, s15, s14, $0x38;
	[tilespmem:$0x8080] =	vst v63  }
0x2a: {  	p1 =	sge.u32 s31, s6  }
.Ltmp2:
0x2b: {  	_ = 	snop;
	(pc) =	sbr.rel @p1 .LBB1_5-.Ltmp2, $1  }
0x2c: {  	_ =	sdelay $0x3  }
0x2d: {  	s12 =	simm.s32 $0x1  }
0x2e: {  	_ =	swait.ge [sflag:s5], $0x2000;
	s12 =	simm.s32 @!p0 $0x0  }
0x2f: {  	[sflag:s5] =	ssyncset.done $0x0;
	s13 =	sshll.u32 s12, $0xD  }
0x30: {  	[sflag:s5] =	ssyncadd.s32 $0xFFFFE000;
	s16 =	sor.u32 $0x20, s13  }
0x31: {  	s12 =	smul.u32 $0x8100, s12;
	v3 =	vld [tilespmem:s16+$0x10]  }
0x32: {  	s30 =	sand.u32 $0x1, s10;
	v2 =	vld [tilespmem:s16+$0xFFFFFFF0]  }
0x33: {  	s13 =	smul.u32 $0x8100, s30;
	s12 =	sshrl.u32 s12, $0x2;
	v0 =	vld [tilespmem:s16+$0x0]  }
0x34: {  	v1 =	vld [tilespmem:s16+$0xFFFFFFE0];
	s14 =	sor.u32 $0x4000, s12  }
0x35: {  	s31 =	sshrl.u32 s13, $0x2;
	s13 =	sadd.s32 $0x0, s14  }
0x36: {  	s15 =	simm.s32 $0x4;
	s16 =	sadd.s32 $0x40, s16;
	s12 =	sor.u32 $0x4000, s31;
	[tilespmem:s13+$0x1830 ss:$0x81] =	vst.msk $0xffff, v3  }
.LBB1_3:
0x37: {  	v3 =	vld [tilespmem:s16+$0x10];
	p1 =	sne.s32 s15, $0x1FC;
	[tilespmem:s13+$0x810 ss:$0x81] =	vst.msk $0xffff, v2;
	s17 =	smov.u32 s15;
	s15 =	sadd.s32 $0x4, s15  }
.Ltmp3:
0x38: {  	v2 =	vld [tilespmem:s16+$0xFFFFFFF0];
	[tilespmem:s13+$0x1020 ss:$0x81] =	vst.msk $0xffff, v0;
	(pc) =	sbr.rel @p1 .LBB1_3-.Ltmp3, $4  }
0x39: {  	v0 =	vld [tilespmem:s16+$0x0];
	[tilespmem:s13+$0x0 ss:$0x81] =	vst.msk $0xffff, v1  }
0x3a: {  	s13 =	sshra.s32 s17, $0x2;
	v1 =	vld [tilespmem:s16+$0xFFFFFFE0]  }
0x3b: {  	s13 =	sadd.s32 s13, s14  }
0x3c: {  	s16 =	sadd.s32 $0x40, s16;
	[tilespmem:s13+$0x1830 ss:$0x81] =	vst.msk $0xffff, v3  }
.Ltmp4:
0x3d: {  	_ = 	snop;
	(pc) =	sbr.rel .LBB1_4-.Ltmp4, $1  }
0x3e: {  	_ =	sdelay $0x3  }
.LBB1_6:
0x3f: {  	_ =	sfence.sel $0x180000  }
0x40: {  	s2 =	simm.s32 $0x1;
	[bflag:$0x0] =	sbarrier.arrive $0xFFFF  }
0x41: {  	s31 =	simm.s32 $0x2;
	[sflag:s2] =	ssyncpa.u1 $0x1  }
0x42: {  	[sflag:s31] =	ssyncpa.u1 $0x1  }
0x43: {  	p0 =	sne.s32 s0, $0x0;
	_ =	strace $0x9000004A  }
0x44: {  	s0 =	sadd.s32 @!p0 $0x100000, s1;
	[bflag:$0x2] =	sbarrier.arrive $0xFFFF  }
0x45: {  	[sflag:s0] =	ssyncadd.tile.s32 @!p0 $0x1;
	_ =	shalt  }
.Lfunc_end1:
_tile_overlayer_lowered:
.L_overlay_start_2:
0x46: {  	(tag) =	ssettag $0x2  }
0x47: {  	s0 =	rddreg [dreg:$0x0];
	s2 =	stileid.u32  }
0x48: {  	s1 =	rddreg [dreg:$0x1];
	p0 =	sne.s32 s2, $0x0  }
0x49: {  	s3 =	rddreg [dreg:$0x2];
	[bflag:$0x3] =	sbarrier.arrive $0xFFFF;
	s2 =	simm.s32 @!p0 $0x1C01  }
0x4a: {  	[timem:s3], [sflag:s2] =	dma.local @!p0 [hbm:s0], s1  }
0x4b: {  	s0 =	simm.s32 @!p0 $0x1  }
0x4c: {  	_ =	swait.ge @!p0 [sflag:s0], s1  }
0x4d: {  	s1 =	ssub.s32 @!p0 $0x0, s1;
	[sflag:s0] =	ssyncset.done @!p0 $0x0  }
0x4e: {  	[sflag:s0] =	ssyncadd.s32 @!p0 s1  }
0x4f: {  	[bflag:$0x3] =	sbarrier.arrive $0xFFFF  }
0x50: {  	_ =	shalt  }

</sc_bundles>
